<compile_context>
chip_gen: v7x
topology: tpu7x:2x2x1
jax: 0.10.2.dev20260603
libtpu: 0.0.44.dev20260713+nightly
codegen_flags: <defaults>
</compile_context>

<pallas_src>
import functools

import jax
import jax.numpy as jnp
from jax import lax
from jax.experimental import pallas as pl
from jax.experimental.pallas import tpu as pltpu
from jax.experimental.pallas import tpu_sc as plsc

N = 10000
E = 320000
F = 128
H = 128
HH = H // 2

NC = 2
NS = 16
NW = NC * NS

CHUNK = 128
EPT = 20480
CPT = EPT // CHUNK
E_PAD = NS * EPT
DEPT = E_PAD // NW
DCPT = DEPT // CHUNK
N_PAD = 10240
RPT = N_PAD // NS
YPT = N // NS
DUMMY = N

_MESH = plsc.VectorSubcoreMesh(
    core_axis_name="c", subcore_axis_name="s", num_cores=NC, num_subcores=NS)



@functools.partial(
    pl.kernel,
    out_type=jax.ShapeDtypeStruct((NC, N_PAD), jnp.float32),
    mesh=_MESH,
    scratch_types=[
        pltpu.VMEM((DCPT, CHUNK), jnp.int32),
        pltpu.VMEM((CHUNK,), jnp.float32),
        pltpu.VMEM_SHARED((N_PAD,), jnp.float32),
        pltpu.SemaphoreType.DMA,
    ],
)
def _sc_degree(col_hbm, zeros1_hbm, deg_out, col_v, ones_v, deg_sh, dsem):
    cid = lax.axis_index("c")
    sid = lax.axis_index("s")
    wid = cid * NS + sid
    pltpu.sync_copy(zeros1_hbm, deg_sh.at[pl.ds(sid * RPT, RPT)])
    pltpu.sync_copy(col_hbm.at[wid], col_v)
    for k in range(CHUNK // 16):
        ones_v[pl.ds(k * 16, 16)] = jnp.ones((16,), jnp.float32)
    plsc.subcore_barrier()

    DGRP = 8

    def body(j, carry):
        base = j * DGRP
        for k in range(DGRP):
            pltpu.async_copy(ones_v, deg_sh.at[col_v.at[base + k]], dsem,
                             add=True)
        for k in range(DGRP):
            pltpu.make_async_copy(ones_v, deg_sh.at[col_v.at[0]], dsem).wait()
        return carry

    lax.fori_loop(0, DCPT // DGRP, body, 0)
    plsc.subcore_barrier()
    pltpu.sync_copy(deg_sh.at[pl.ds(sid * RPT, RPT)],
                    deg_out.at[cid, pl.ds(sid * RPT, RPT)])



NBUF = 5
LOOK = 2
ILA = 2


@functools.partial(
    pl.kernel,
    out_type=jax.ShapeDtypeStruct((NC, N_PAD, HH), jnp.float32),
    mesh=_MESH,
    scratch_types=[
        pltpu.VMEM((NBUF, CHUNK), jnp.int32),
        pltpu.VMEM((NBUF, 2, CHUNK), jnp.int32),
        [pltpu.VMEM((CHUNK, HH), jnp.float32) for _ in range(NBUF)],
        pltpu.VMEM_SHARED((N, HH), jnp.float32),
        pltpu.VMEM_SHARED((N_PAD, HH), jnp.float32),
        [pltpu.SemaphoreType.DMA for _ in range(NBUF)],
        [pltpu.SemaphoreType.DMA for _ in range(NBUF)],
        [pltpu.SemaphoreType.DMA for _ in range(NBUF)],
    ],
    compiler_params=pltpu.CompilerParams(use_tc_tiling_on_sc=False),
)
def _sc_scatter(y2_hbm, idx_hbm, zeros2_hbm, acc_out,
                pk_v, ring, bufs, y_sh, acc_sh, isems, gsems, ssems):
    cid = lax.axis_index("c")
    sid = lax.axis_index("s")
    pltpu.sync_copy(y2_hbm.at[pl.ds(cid * N + sid * YPT, YPT)],
                    y_sh.at[pl.ds(sid * YPT, YPT)])
    pltpu.sync_copy(zeros2_hbm, acc_sh.at[pl.ds(sid * RPT, RPT)])
    plsc.subcore_barrier()

    def start_idx2(g, b):
        pltpu.make_async_copy(idx_hbm.at[sid, g], pk_v.at[b], isems[b]).start()

    def wait_idx(b):
        pltpu.make_async_copy(idx_hbm.at[sid, 0], pk_v.at[b], isems[b]).wait()

    def unpack(b):
        for k in range(CHUNK // 16):
            w = pk_v[b, pl.ds(k * 16, 16)]
            ring[b, 0, pl.ds(k * 16, 16)] = w & 0xFFFF
            ring[b, 1, pl.ds(k * 16, 16)] = lax.shift_right_logical(w, 16)

    def start_gather(b):
        pltpu.make_async_copy(y_sh.at[ring.at[b, 0]], bufs[b], gsems[b]).start()

    def wait_gather(b):
        pltpu.make_async_copy(y_sh.at[ring.at[b, 0]], bufs[b], gsems[b]).wait()

    def start_scatter(b):
        pltpu.async_copy(bufs[b], acc_sh.at[ring.at[b, 1]], ssems[b], add=True)

    def wait_scatter(b):
        pltpu.make_async_copy(bufs[b], acc_sh.at[ring.at[b, 1]], ssems[b]).wait()

    for j in range(LOOK + ILA):
        start_idx2(j, j % NBUF)
    for j in range(LOOK):
        wait_idx(j)
        unpack(j)
        start_gather(j)

    def body(i, carry):
        gbase = i * NBUF
        for b in range(NBUF):
            g = gbase + b
            start_idx2(g + LOOK + ILA, (b + LOOK + ILA) % NBUF)
            b2 = (b + LOOK) % NBUF

            @pl.when(g >= NBUF - LOOK)
            def _():
                wait_scatter(b2)

            wait_idx(b2)
            unpack(b2)
            start_gather(b2)
            wait_gather(b)
            start_scatter(b)
        return carry

    lax.fori_loop(0, CPT // NBUF, body, 0)
    for j in range(LOOK):
        wait_gather((CPT + j) % NBUF)
    for j in range(ILA):
        wait_idx((CPT + LOOK + j) % NBUF)
    for j in range(NBUF - LOOK):
        wait_scatter((CPT - (NBUF - LOOK) + j) % NBUF)
    plsc.subcore_barrier()
    pltpu.sync_copy(acc_sh.at[pl.ds(sid * RPT, RPT)],
                    acc_out.at[cid, pl.ds(sid * RPT, RPT)])



BLK = 1000
NBLK = N // BLK


def _tc_matmul_body(x_ref, w_ref, xw_ref):
    xw_ref[...] = jnp.dot(x_ref[...], w_ref[...],
                          preferred_element_type=jnp.float32)


def _tc_matmul(x, W):
    return pl.pallas_call(
        _tc_matmul_body,
        grid=(NBLK,),
        in_specs=[
            pl.BlockSpec((BLK, F), lambda i: (i, 0)),
            pl.BlockSpec((F, H), lambda i: (0, 0)),
        ],
        out_specs=pl.BlockSpec((BLK, H), lambda i: (i, 0)),
        out_shape=jax.ShapeDtypeStruct((N, H), jnp.float32),
    )(x, W)


def _tc_scale_body(xw_ref, d0_ref, d1_ref, y_ref):
    deg = d0_ref[...] + d1_ref[...] + 1.0
    dinv = lax.rsqrt(deg)
    y = dinv * xw_ref[...]
    y_ref[0] = y[:, :HH]
    y_ref[1] = y[:, HH:]


def _tc_scale(xw, d0, d1):
    return pl.pallas_call(
        _tc_scale_body,
        grid=(NBLK,),
        in_specs=[
            pl.BlockSpec((BLK, H), lambda i: (i, 0)),
            pl.BlockSpec((BLK, 1), lambda i: (i, 0)),
            pl.BlockSpec((BLK, 1), lambda i: (i, 0)),
        ],
        out_specs=pl.BlockSpec((NC, BLK, HH), lambda i: (0, i, 0)),
        out_shape=jax.ShapeDtypeStruct((NC, N, HH), jnp.float32),
    )(xw, d0, d1)


def _tc_final_body(a0_ref, a1_ref, xw_ref, d0_ref, d1_ref, b_ref, o_ref):
    deg = d0_ref[...] + d1_ref[...] + 1.0
    dinv = lax.rsqrt(deg)
    acc = jnp.concatenate([a0_ref[0], a1_ref[0]], axis=-1)
    o_ref[...] = dinv * acc + (dinv * dinv) * xw_ref[...] + b_ref[...]


def _tc_final(acc, xw, d0, d1, b2):
    return pl.pallas_call(
        _tc_final_body,
        grid=(NBLK,),
        in_specs=[
            pl.BlockSpec((1, BLK, HH), lambda i: (0, i, 0)),
            pl.BlockSpec((1, BLK, HH), lambda i: (1, i, 0)),
            pl.BlockSpec((BLK, H), lambda i: (i, 0)),
            pl.BlockSpec((BLK, 1), lambda i: (i, 0)),
            pl.BlockSpec((BLK, 1), lambda i: (i, 0)),
            pl.BlockSpec((1, H), lambda i: (0, 0)),
        ],
        out_specs=pl.BlockSpec((BLK, H), lambda i: (i, 0)),
        out_shape=jax.ShapeDtypeStruct((N, H), jnp.float32),
    )(acc, acc, xw, d0, d1, b2)



def kernel(x, edge_index, W, b):
    row = edge_index[0].astype(jnp.int32)
    col = edge_index[1].astype(jnp.int32)
    pad = E_PAD - E
    row_p = jnp.concatenate([row, jnp.zeros((pad,), jnp.int32)])
    col_p = jnp.concatenate([col, jnp.full((pad,), DUMMY, jnp.int32)])
    pk = jnp.bitwise_or(jnp.left_shift(col_p, 16), row_p)
    pk_t = pk.reshape(NS, CPT, CHUNK)
    pk_t = jnp.concatenate(
        [pk_t, jnp.full((NS, LOOK + ILA, CHUNK), DUMMY << 16, jnp.int32)],
        axis=1)
    dcol_t = col_p.reshape(NW, DCPT, CHUNK)

    zeros1 = jnp.zeros((RPT,), jnp.float32)
    zeros2 = jnp.zeros((RPT, HH), jnp.float32)

    deg_part = _sc_degree(dcol_t, zeros1)
    xw = _tc_matmul(x, W)
    d0 = deg_part[0, :N, None]
    d1 = deg_part[1, :N, None]
    y2 = _tc_scale(xw, d0, d1)
    acc = _sc_scatter(y2.reshape(2 * N, HH), pk_t, zeros2)
    out = _tc_final(acc, xw, d0, d1, b.reshape(1, H))
    return out

# --- scband reference (transcript-rebuilt; emitter-appended) ---
"""Pipeline reference for scband-gcn-body-6356551598790 (READ-ONLY COPY).

The authoritative reference and input builder live on the scoring server;
editing this copy changes nothing except your own understanding.
"""

import jax, jax.numpy as jnp
import numpy as np

N_NODES = 10000
N_EDGES = 320000
NFEAT = 128
NHID = 128


def setup_inputs(seed: int = 0) -> dict:
    key = jax.random.key(seed)
    k1, k2, k3, k4 = jax.random.split(key, 4)
    x = jax.random.normal(k1, (N_NODES, NFEAT), dtype=jnp.float32)
    edge_index = jax.random.randint(k2, (2, N_EDGES), 0, N_NODES, dtype=jnp.int64)
    # GCNConv linear weight (glorot) and bias (zeros init in PyG)
    limit = float(np.sqrt(6.0 / (NFEAT + NHID)))
    W = jax.random.uniform(k3, (NFEAT, NHID), dtype=jnp.float32, minval=-limit, maxval=limit)
    b = jnp.zeros((NHID,), dtype=jnp.float32)
    return {"x": x, "edge_index": edge_index, "W": W, "b": b}


def reference(x, edge_index, W, b):
    # Faithful GCNConv (torch_geometric) forward:
    # 1) add self-loops, 2) symmetric gcn normalization, 3) linear transform,
    # 4) scatter-add aggregation at destination nodes, 5) add bias.
    N = x.shape[0]
    self_loops = jnp.arange(N, dtype=edge_index.dtype)
    row = jnp.concatenate([edge_index[0], self_loops])  # source
    col = jnp.concatenate([edge_index[1], self_loops])  # destination
    edge_weight = jnp.ones((row.shape[0],), dtype=x.dtype)
    # degree computed at destination (flow = source_to_target)
    deg = jnp.zeros((N,), dtype=x.dtype).at[col].add(edge_weight)
    deg_inv_sqrt = jnp.where(deg > 0, deg ** -0.5, 0.0)
    norm = deg_inv_sqrt[row] * edge_weight * deg_inv_sqrt[col]
    xw = x @ W
    msgs = norm[:, None] * jnp.take(xw, row, axis=0)
    out = jnp.zeros((N, xw.shape[1]), dtype=x.dtype).at[col].add(msgs)
    out = out + b
    return out

if __name__ == "__main__":
    import jax
    _d = setup_inputs()
    print(jax.jit(kernel)(*tuple(_d.values())))

</pallas_src>

<mosaic_0001>
#map = affine_map<(d0, d1) -> (0, 0)>
#map1 = affine_map<(d0, d1) -> (0, 0, 0)>
module attributes {stable_mosaic.version = 14 : i64} {
  func.func @_sc_scatter(%arg0: i32, %arg1: i32, %arg2: memref<20000x64xf32, #tpu.memory_space<hbm>>, %arg3: memref<16x164x128xi32, #tpu.memory_space<hbm>>, %arg4: memref<640x64xf32, #tpu.memory_space<hbm>>, %arg5: memref<2x10240x64xf32, #tpu.memory_space<hbm>>, %arg6: memref<5x128xi32, #tpu.memory_space<vmem>>, %arg7: memref<5x2x128xi32, #tpu.memory_space<vmem>>, %arg8: memref<128x64xf32, #tpu.memory_space<vmem>>, %arg9: memref<128x64xf32, #tpu.memory_space<vmem>>, %arg10: memref<128x64xf32, #tpu.memory_space<vmem>>, %arg11: memref<128x64xf32, #tpu.memory_space<vmem>>, %arg12: memref<128x64xf32, #tpu.memory_space<vmem>>, %arg13: memref<10000x64xf32, #tpu.memory_space<vmem_shared>>, %arg14: memref<10240x64xf32, #tpu.memory_space<vmem_shared>>, %arg15: memref<!tpu.dma_semaphore, #tpu.memory_space<semaphore_mem>>, %arg16: memref<!tpu.dma_semaphore, #tpu.memory_space<semaphore_mem>>, %arg17: memref<!tpu.dma_semaphore, #tpu.memory_space<semaphore_mem>>, %arg18: memref<!tpu.dma_semaphore, #tpu.memory_space<semaphore_mem>>, %arg19: memref<!tpu.dma_semaphore, #tpu.memory_space<semaphore_mem>>, %arg20: memref<!tpu.dma_semaphore, #tpu.memory_space<semaphore_mem>>, %arg21: memref<!tpu.dma_semaphore, #tpu.memory_space<semaphore_mem>>, %arg22: memref<!tpu.dma_semaphore, #tpu.memory_space<semaphore_mem>>, %arg23: memref<!tpu.dma_semaphore, #tpu.memory_space<semaphore_mem>>, %arg24: memref<!tpu.dma_semaphore, #tpu.memory_space<semaphore_mem>>, %arg25: memref<!tpu.dma_semaphore, #tpu.memory_space<semaphore_mem>>, %arg26: memref<!tpu.dma_semaphore, #tpu.memory_space<semaphore_mem>>, %arg27: memref<!tpu.dma_semaphore, #tpu.memory_space<semaphore_mem>>, %arg28: memref<!tpu.dma_semaphore, #tpu.memory_space<semaphore_mem>>, %arg29: memref<!tpu.dma_semaphore, #tpu.memory_space<semaphore_mem>>) attributes {dimension_semantics = [#tpu.dimension_semantics<core_parallel>, #tpu.dimension_semantics<subcore_parallel>], iteration_bounds = array<i64: 2, 16>, scalar_prefetch = 0 : i64, scratch_operands = 24 : i64, tpu.core_type = #tpu.core_type<sc_vector_subcore>, window_params = [{transform_indices = #map}, {transform_indices = #map1}, {transform_indices = #map}, {transform_indices = #map1}]} {
    %mul3A = arith.constant 10000 : i32
    %mul3A_0 = arith.muli %arg0, %mul3A : i32
    %mul3A_1 = arith.constant 625 : i32
    %mul3A_2 = arith.muli %arg1, %mul3A_1 : i32
    %add3A = arith.addi %mul3A_0, %mul3A_2 : i32
    %mul3A_3 = arith.constant 625 : i32
    %mul3A_4 = arith.muli %arg1, %mul3A_3 : i32
    "tpu.region"() ({
      %run_scoped3A = tpu.sem_alloc : memref<!tpu.dma_semaphore, #tpu.memory_space<semaphore_mem>>
      %dma_start3A_611 = arith.constant 0 : i32
      %dma_start3A_612 = tpu.memref_slice %arg13[%mul3A_4, %dma_start3A_611] : memref<10000x64xf32, #tpu.memory_space<vmem_shared>> -> memref<625x64xf32, #tpu.memory_space<vmem_shared>>
      %dma_start3A_613 = arith.constant 0 : i32
      %dma_start3A_614 = tpu.memref_slice %arg2[%add3A, %dma_start3A_613] : memref<20000x64xf32, #tpu.memory_space<hbm>> -> memref<625x64xf32, #tpu.memory_space<hbm>>
      tpu.enqueue_dma source(%dma_start3A_614 : memref<625x64xf32, #tpu.memory_space<hbm>>) target(%dma_start3A_612 : memref<625x64xf32, #tpu.memory_space<vmem_shared>>) target_semaphore(%run_scoped3A : memref<!tpu.dma_semaphore, #tpu.memory_space<semaphore_mem>>)
      %dma_wait3A_615 = arith.constant 0 : i32
      %dma_wait3A_616 = tpu.memref_slice %arg13[%mul3A_4, %dma_wait3A_615] : memref<10000x64xf32, #tpu.memory_space<vmem_shared>> -> memref<625x64xf32, #tpu.memory_space<vmem_shared>>
      %dma_wait3A_617 = arith.constant 0 : i32
      %dma_wait3A_618 = tpu.memref_slice %arg2[%add3A, %dma_wait3A_617] : memref<20000x64xf32, #tpu.memory_space<hbm>> -> memref<625x64xf32, #tpu.memory_space<hbm>>
      tpu.wait_dma2 semaphore(%run_scoped3A : memref<!tpu.dma_semaphore, #tpu.memory_space<semaphore_mem>>) src(%dma_wait3A_618 : memref<625x64xf32, #tpu.memory_space<hbm>>) dst(%dma_wait3A_616 : memref<625x64xf32, #tpu.memory_space<vmem_shared>>)
      tpu.yield
    }) : () -> ()
    %mul3A_5 = arith.constant 640 : i32
    %mul3A_6 = arith.muli %arg1, %mul3A_5 : i32
    "tpu.region"() ({
      %run_scoped3A = tpu.sem_alloc : memref<!tpu.dma_semaphore, #tpu.memory_space<semaphore_mem>>
      %dma_start3A_611 = arith.constant 0 : i32
      %dma_start3A_612 = tpu.memref_slice %arg14[%mul3A_6, %dma_start3A_611] : memref<10240x64xf32, #tpu.memory_space<vmem_shared>> -> memref<640x64xf32, #tpu.memory_space<vmem_shared>>
      tpu.enqueue_dma source(%arg4 : memref<640x64xf32, #tpu.memory_space<hbm>>) target(%dma_start3A_612 : memref<640x64xf32, #tpu.memory_space<vmem_shared>>) target_semaphore(%run_scoped3A : memref<!tpu.dma_semaphore, #tpu.memory_space<semaphore_mem>>)
      %dma_wait3A_613 = arith.constant 0 : i32
      %dma_wait3A_614 = tpu.memref_slice %arg14[%mul3A_6, %dma_wait3A_613] : memref<10240x64xf32, #tpu.memory_space<vmem_shared>> -> memref<640x64xf32, #tpu.memory_space<vmem_shared>>
      tpu.wait_dma2 semaphore(%run_scoped3A : memref<!tpu.dma_semaphore, #tpu.memory_space<semaphore_mem>>) src(%arg4 : memref<640x64xf32, #tpu.memory_space<hbm>>) dst(%dma_wait3A_614 : memref<640x64xf32, #tpu.memory_space<vmem_shared>>)
      tpu.yield
    }) : () -> ()
    %barrier3A = arith.constant 0 : index
    tpu.barrier barrier_id(%barrier3A)
    %dma_start3A = arith.constant 0 : i32
    %dma_start3A_7 = arith.constant 0 : i32
    %dma_start3A_8 = arith.constant 0 : i32
    %dma_start3A_9 = tpu.memref_slice %arg6[%dma_start3A_7, %dma_start3A_8] : memref<5x128xi32, #tpu.memory_space<vmem>> -> memref<1x128xi32, #tpu.memory_space<vmem>>
    %dma_start3A_10 = tpu.memref_squeeze %dma_start3A_9 : memref<1x128xi32, #tpu.memory_space<vmem>> -> memref<128xi32, #tpu.memory_space<vmem>>
    %dma_start3A_11 = arith.constant 0 : i32
    %dma_start3A_12 = tpu.memref_slice %arg3[%arg1, %dma_start3A, %dma_start3A_11] : memref<16x164x128xi32, #tpu.memory_space<hbm>> -> memref<1x1x128xi32, #tpu.memory_space<hbm>>
    %dma_start3A_13 = tpu.memref_squeeze %dma_start3A_12 : memref<1x1x128xi32, #tpu.memory_space<hbm>> -> memref<128xi32, #tpu.memory_space<hbm>>
    %dma_start3A_14 = arith.constant 0 : i32
    %dma_start3A_15 = tpu.memref_slice %arg6[%dma_start3A_7, %dma_start3A_14] : memref<5x128xi32, #tpu.memory_space<vmem>> -> memref<1x128xi32, #tpu.memory_space<vmem>>
    %dma_start3A_16 = tpu.memref_squeeze %dma_start3A_15 : memref<1x128xi32, #tpu.memory_space<vmem>> -> memref<128xi32, #tpu.memory_space<vmem>>
    %dma_start3A_17 = arith.constant 0 : i32
    %dma_start3A_18 = tpu.memref_slice %arg3[%arg1, %dma_start3A, %dma_start3A_17] : memref<16x164x128xi32, #tpu.memory_space<hbm>> -> memref<1x1x128xi32, #tpu.memory_space<hbm>>
    %dma_start3A_19 = tpu.memref_squeeze %dma_start3A_18 : memref<1x1x128xi32, #tpu.memory_space<hbm>> -> memref<128xi32, #tpu.memory_space<hbm>>
    tpu.enqueue_dma source(%dma_start3A_19 : memref<128xi32, #tpu.memory_space<hbm>>) target(%dma_start3A_16 : memref<128xi32, #tpu.memory_space<vmem>>) target_semaphore(%arg15 : memref<!tpu.dma_semaphore, #tpu.memory_space<semaphore_mem>>)
    %dma_start3A_20 = arith.constant 1 : i32
    %dma_start3A_21 = arith.constant 1 : i32
    %dma_start3A_22 = arith.constant 0 : i32
    %dma_start3A_23 = tpu.memref_slice %arg6[%dma_start3A_21, %dma_start3A_22] : memref<5x128xi32, #tpu.memory_space<vmem>> -> memref<1x128xi32, #tpu.memory_space<vmem>>
    %dma_start3A_24 = tpu.memref_squeeze %dma_start3A_23 : memref<1x128xi32, #tpu.memory_space<vmem>> -> memref<128xi32, #tpu.memory_space<vmem>>
    %dma_start3A_25 = arith.constant 0 : i32
    %dma_start3A_26 = tpu.memref_slice %arg3[%arg1, %dma_start3A_20, %dma_start3A_25] : memref<16x164x128xi32, #tpu.memory_space<hbm>> -> memref<1x1x128xi32, #tpu.memory_space<hbm>>
    %dma_start3A_27 = tpu.memref_squeeze %dma_start3A_26 : memref<1x1x128xi32, #tpu.memory_space<hbm>> -> memref<128xi32, #tpu.memory_space<hbm>>
    %dma_start3A_28 = arith.constant 0 : i32
    %dma_start3A_29 = tpu.memref_slice %arg6[%dma_start3A_21, %dma_start3A_28] : memref<5x128xi32, #tpu.memory_space<vmem>> -> memref<1x128xi32, #tpu.memory_space<vmem>>
    %dma_start3A_30 = tpu.memref_squeeze %dma_start3A_29 : memref<1x128xi32, #tpu.memory_space<vmem>> -> memref<128xi32, #tpu.memory_space<vmem>>
    %dma_start3A_31 = arith.constant 0 : i32
    %dma_start3A_32 = tpu.memref_slice %arg3[%arg1, %dma_start3A_20, %dma_start3A_31] : memref<16x164x128xi32, #tpu.memory_space<hbm>> -> memref<1x1x128xi32, #tpu.memory_space<hbm>>
    %dma_start3A_33 = tpu.memref_squeeze %dma_start3A_32 : memref<1x1x128xi32, #tpu.memory_space<hbm>> -> memref<128xi32, #tpu.memory_space<hbm>>
    tpu.enqueue_dma source(%dma_start3A_33 : memref<128xi32, #tpu.memory_space<hbm>>) target(%dma_start3A_30 : memref<128xi32, #tpu.memory_space<vmem>>) target_semaphore(%arg16 : memref<!tpu.dma_semaphore, #tpu.memory_space<semaphore_mem>>)
    %dma_start3A_34 = arith.constant 2 : i32
    %dma_start3A_35 = arith.constant 2 : i32
    %dma_start3A_36 = arith.constant 0 : i32
    %dma_start3A_37 = tpu.memref_slice %arg6[%dma_start3A_35, %dma_start3A_36] : memref<5x128xi32, #tpu.memory_space<vmem>> -> memref<1x128xi32, #tpu.memory_space<vmem>>
    %dma_start3A_38 = tpu.memref_squeeze %dma_start3A_37 : memref<1x128xi32, #tpu.memory_space<vmem>> -> memref<128xi32, #tpu.memory_space<vmem>>
    %dma_start3A_39 = arith.constant 0 : i32
    %dma_start3A_40 = tpu.memref_slice %arg3[%arg1, %dma_start3A_34, %dma_start3A_39] : memref<16x164x128xi32, #tpu.memory_space<hbm>> -> memref<1x1x128xi32, #tpu.memory_space<hbm>>
    %dma_start3A_41 = tpu.memref_squeeze %dma_start3A_40 : memref<1x1x128xi32, #tpu.memory_space<hbm>> -> memref<128xi32, #tpu.memory_space<hbm>>
    %dma_start3A_42 = arith.constant 0 : i32
    %dma_start3A_43 = tpu.memref_slice %arg6[%dma_start3A_35, %dma_start3A_42] : memref<5x128xi32, #tpu.memory_space<vmem>> -> memref<1x128xi32, #tpu.memory_space<vmem>>
    %dma_start3A_44 = tpu.memref_squeeze %dma_start3A_43 : memref<1x128xi32, #tpu.memory_space<vmem>> -> memref<128xi32, #tpu.memory_space<vmem>>
    %dma_start3A_45 = arith.constant 0 : i32
    %dma_start3A_46 = tpu.memref_slice %arg3[%arg1, %dma_start3A_34, %dma_start3A_45] : memref<16x164x128xi32, #tpu.memory_space<hbm>> -> memref<1x1x128xi32, #tpu.memory_space<hbm>>
    %dma_start3A_47 = tpu.memref_squeeze %dma_start3A_46 : memref<1x1x128xi32, #tpu.memory_space<hbm>> -> memref<128xi32, #tpu.memory_space<hbm>>
    tpu.enqueue_dma source(%dma_start3A_47 : memref<128xi32, #tpu.memory_space<hbm>>) target(%dma_start3A_44 : memref<128xi32, #tpu.memory_space<vmem>>) target_semaphore(%arg17 : memref<!tpu.dma_semaphore, #tpu.memory_space<semaphore_mem>>)
    %dma_start3A_48 = arith.constant 3 : i32
    %dma_start3A_49 = arith.constant 3 : i32
    %dma_start3A_50 = arith.constant 0 : i32
    %dma_start3A_51 = tpu.memref_slice %arg6[%dma_start3A_49, %dma_start3A_50] : memref<5x128xi32, #tpu.memory_space<vmem>> -> memref<1x128xi32, #tpu.memory_space<vmem>>
    %dma_start3A_52 = tpu.memref_squeeze %dma_start3A_51 : memref<1x128xi32, #tpu.memory_space<vmem>> -> memref<128xi32, #tpu.memory_space<vmem>>
    %dma_start3A_53 = arith.constant 0 : i32
    %dma_start3A_54 = tpu.memref_slice %arg3[%arg1, %dma_start3A_48, %dma_start3A_53] : memref<16x164x128xi32, #tpu.memory_space<hbm>> -> memref<1x1x128xi32, #tpu.memory_space<hbm>>
    %dma_start3A_55 = tpu.memref_squeeze %dma_start3A_54 : memref<1x1x128xi32, #tpu.memory_space<hbm>> -> memref<128xi32, #tpu.memory_space<hbm>>
    %dma_start3A_56 = arith.constant 0 : i32
    %dma_start3A_57 = tpu.memref_slice %arg6[%dma_start3A_49, %dma_start3A_56] : memref<5x128xi32, #tpu.memory_space<vmem>> -> memref<1x128xi32, #tpu.memory_space<vmem>>
    %dma_start3A_58 = tpu.memref_squeeze %dma_start3A_57 : memref<1x128xi32, #tpu.memory_space<vmem>> -> memref<128xi32, #tpu.memory_space<vmem>>
    %dma_start3A_59 = arith.constant 0 : i32
    %dma_start3A_60 = tpu.memref_slice %arg3[%arg1, %dma_start3A_48, %dma_start3A_59] : memref<16x164x128xi32, #tpu.memory_space<hbm>> -> memref<1x1x128xi32, #tpu.memory_space<hbm>>
    %dma_start3A_61 = tpu.memref_squeeze %dma_start3A_60 : memref<1x1x128xi32, #tpu.memory_space<hbm>> -> memref<128xi32, #tpu.memory_space<hbm>>
    tpu.enqueue_dma source(%dma_start3A_61 : memref<128xi32, #tpu.memory_space<hbm>>) target(%dma_start3A_58 : memref<128xi32, #tpu.memory_space<vmem>>) target_semaphore(%arg18 : memref<!tpu.dma_semaphore, #tpu.memory_space<semaphore_mem>>)
    %dma_wait3A = arith.constant 0 : i32
    %dma_wait3A_62 = arith.constant 0 : i32
    %dma_wait3A_63 = arith.constant 0 : i32
    %dma_wait3A_64 = tpu.memref_slice %arg6[%dma_wait3A_62, %dma_wait3A_63] : memref<5x128xi32, #tpu.memory_space<vmem>> -> memref<1x128xi32, #tpu.memory_space<vmem>>
    %dma_wait3A_65 = tpu.memref_squeeze %dma_wait3A_64 : memref<1x128xi32, #tpu.memory_space<vmem>> -> memref<128xi32, #tpu.memory_space<vmem>>
    %dma_wait3A_66 = arith.constant 0 : i32
    %dma_wait3A_67 = tpu.memref_slice %arg3[%arg1, %dma_wait3A, %dma_wait3A_66] : memref<16x164x128xi32, #tpu.memory_space<hbm>> -> memref<1x1x128xi32, #tpu.memory_space<hbm>>
    %dma_wait3A_68 = tpu.memref_squeeze %dma_wait3A_67 : memref<1x1x128xi32, #tpu.memory_space<hbm>> -> memref<128xi32, #tpu.memory_space<hbm>>
    %dma_wait3A_69 = arith.constant 0 : i32
    %dma_wait3A_70 = tpu.memref_slice %arg6[%dma_wait3A_62, %dma_wait3A_69] : memref<5x128xi32, #tpu.memory_space<vmem>> -> memref<1x128xi32, #tpu.memory_space<vmem>>
    %dma_wait3A_71 = tpu.memref_squeeze %dma_wait3A_70 : memref<1x128xi32, #tpu.memory_space<vmem>> -> memref<128xi32, #tpu.memory_space<vmem>>
    %dma_wait3A_72 = arith.constant 0 : i32
    %dma_wait3A_73 = tpu.memref_slice %arg3[%arg1, %dma_wait3A, %dma_wait3A_72] : memref<16x164x128xi32, #tpu.memory_space<hbm>> -> memref<1x1x128xi32, #tpu.memory_space<hbm>>
    %dma_wait3A_74 = tpu.memref_squeeze %dma_wait3A_73 : memref<1x1x128xi32, #tpu.memory_space<hbm>> -> memref<128xi32, #tpu.memory_space<hbm>>
    tpu.wait_dma2 semaphore(%arg15 : memref<!tpu.dma_semaphore, #tpu.memory_space<semaphore_mem>>) src(%dma_wait3A_74 : memref<128xi32, #tpu.memory_space<hbm>>) dst(%dma_wait3A_71 : memref<128xi32, #tpu.memory_space<vmem>>)
    %get3A = arith.constant 0 : i32
    %get3A_75 = arith.index_cast %get3A : i32 to index
    %get3A_76 = arith.constant 0 : index
    %get3A_77 = tpu.vector_load %arg6[%get3A_75, %get3A_76] {strides = array<i32>} : memref<5x128xi32, #tpu.memory_space<vmem>>, vector<1x16xi32>,
    %get3A_78 = vector.shape_cast %get3A_77 : vector<1x16xi32> to vector<16xi32>
    %and3A = arith.constant 65535 : i32
    %and3A_79 = vector.broadcast %and3A : i32 to vector<16xi32>
    %and3A_80 = arith.andi %get3A_78, %and3A_79 : vector<16xi32>
    %swap3A = arith.constant 0 : i32
    %swap3A_81 = arith.constant 0 : i32
    %swap3A_82 = arith.index_cast %swap3A : i32 to index
    %swap3A_83 = arith.index_cast %swap3A_81 : i32 to index
    %swap3A_84 = arith.constant 0 : index
    %swap3A_85 = tpu.vector_load %arg7[%swap3A_82, %swap3A_83, %swap3A_84] {strides = array<i32>} : memref<5x2x128xi32, #tpu.memory_space<vmem>>, vector<1x1x16xi32>,
    %swap3A_86 = vector.shape_cast %swap3A_85 : vector<1x1x16xi32> to vector<16xi32>
    %swap3A_87 = vector.shape_cast %and3A_80 : vector<16xi32> to vector<1x1x16xi32>
    tpu.vector_store %arg7[%swap3A_82, %swap3A_83, %swap3A_84], %swap3A_87 {strides = array<i32>} : memref<5x2x128xi32, #tpu.memory_space<vmem>>, vector<1x1x16xi32>,
    %shift_right_logical3A = arith.constant 16 : i32
    %shift_right_logical3A_88 = vector.broadcast %shift_right_logical3A : i32 to vector<16xi32>
    %shift_right_logical3A_89 = arith.shrui %get3A_78, %shift_right_logical3A_88 : vector<16xi32>
    %swap3A_90 = arith.constant 0 : i32
    %swap3A_91 = arith.constant 1 : i32
    %swap3A_92 = arith.index_cast %swap3A_90 : i32 to index
    %swap3A_93 = arith.index_cast %swap3A_91 : i32 to index
    %swap3A_94 = arith.constant 0 : index
    %swap3A_95 = tpu.vector_load %arg7[%swap3A_92, %swap3A_93, %swap3A_94] {strides = array<i32>} : memref<5x2x128xi32, #tpu.memory_space<vmem>>, vector<1x1x16xi32>,
    %swap3A_96 = vector.shape_cast %swap3A_95 : vector<1x1x16xi32> to vector<16xi32>
    %swap3A_97 = vector.shape_cast %shift_right_logical3A_89 : vector<16xi32> to vector<1x1x16xi32>
    tpu.vector_store %arg7[%swap3A_92, %swap3A_93, %swap3A_94], %swap3A_97 {strides = array<i32>} : memref<5x2x128xi32, #tpu.memory_space<vmem>>, vector<1x1x16xi32>,
    %get3A_98 = arith.constant 0 : i32
    %get3A_99 = arith.index_cast %get3A_98 : i32 to index
    %get3A_100 = arith.constant 16 : index
    %get3A_101 = tpu.vector_load %arg6[%get3A_99, %get3A_100] {strides = array<i32>} : memref<5x128xi32, #tpu.memory_space<vmem>>, vector<1x16xi32>,
    %get3A_102 = vector.shape_cast %get3A_101 : vector<1x16xi32> to vector<16xi32>
    %and3A_103 = arith.constant 65535 : i32
    %and3A_104 = vector.broadcast %and3A_103 : i32 to vector<16xi32>
    %and3A_105 = arith.andi %get3A_102, %and3A_104 : vector<16xi32>
    %swap3A_106 = arith.constant 0 : i32
    %swap3A_107 = arith.constant 0 : i32
    %swap3A_108 = arith.index_cast %swap3A_106 : i32 to index
    %swap3A_109 = arith.index_cast %swap3A_107 : i32 to index
    %swap3A_110 = arith.constant 16 : index
    %swap3A_111 = tpu.vector_load %arg7[%swap3A_108, %swap3A_109, %swap3A_110] {strides = array<i32>} : memref<5x2x128xi32, #tpu.memory_space<vmem>>, vector<1x1x16xi32>,
    %swap3A_112 = vector.shape_cast %swap3A_111 : vector<1x1x16xi32> to vector<16xi32>
    %swap3A_113 = vector.shape_cast %and3A_105 : vector<16xi32> to vector<1x1x16xi32>
    tpu.vector_store %arg7[%swap3A_108, %swap3A_109, %swap3A_110], %swap3A_113 {strides = array<i32>} : memref<5x2x128xi32, #tpu.memory_space<vmem>>, vector<1x1x16xi32>,
    %shift_right_logical3A_114 = arith.constant 16 : i32
    %shift_right_logical3A_115 = vector.broadcast %shift_right_logical3A_114 : i32 to vector<16xi32>
    %shift_right_logical3A_116 = arith.shrui %get3A_102, %shift_right_logical3A_115 : vector<16xi32>
    %swap3A_117 = arith.constant 0 : i32
    %swap3A_118 = arith.constant 1 : i32
    %swap3A_119 = arith.index_cast %swap3A_117 : i32 to index
    %swap3A_120 = arith.index_cast %swap3A_118 : i32 to index
    %swap3A_121 = arith.constant 16 : index
    %swap3A_122 = tpu.vector_load %arg7[%swap3A_119, %swap3A_120, %swap3A_121] {strides = array<i32>} : memref<5x2x128xi32, #tpu.memory_space<vmem>>, vector<1x1x16xi32>,
    %swap3A_123 = vector.shape_cast %swap3A_122 : vector<1x1x16xi32> to vector<16xi32>
    %swap3A_124 = vector.shape_cast %shift_right_logical3A_116 : vector<16xi32> to vector<1x1x16xi32>
    tpu.vector_store %arg7[%swap3A_119, %swap3A_120, %swap3A_121], %swap3A_124 {strides = array<i32>} : memref<5x2x128xi32, #tpu.memory_space<vmem>>, vector<1x1x16xi32>,
    %get3A_125 = arith.constant 0 : i32
    %get3A_126 = arith.index_cast %get3A_125 : i32 to index
    %get3A_127 = arith.constant 32 : index
    %get3A_128 = tpu.vector_load %arg6[%get3A_126, %get3A_127] {strides = array<i32>} : memref<5x128xi32, #tpu.memory_space<vmem>>, vector<1x16xi32>,
    %get3A_129 = vector.shape_cast %get3A_128 : vector<1x16xi32> to vector<16xi32>
    %and3A_130 = arith.constant 65535 : i32
    %and3A_131 = vector.broadcast %and3A_130 : i32 to vector<16xi32>
    %and3A_132 = arith.andi %get3A_129, %and3A_131 : vector<16xi32>
    %swap3A_133 = arith.constant 0 : i32
    %swap3A_134 = arith.constant 0 : i32
    %swap3A_135 = arith.index_cast %swap3A_133 : i32 to index
    %swap3A_136 = arith.index_cast %swap3A_134 : i32 to index
    %swap3A_137 = arith.constant 32 : index
    %swap3A_138 = tpu.vector_load %arg7[%swap3A_135, %swap3A_136, %swap3A_137] {strides = array<i32>} : memref<5x2x128xi32, #tpu.memory_space<vmem>>, vector<1x1x16xi32>,
    %swap3A_139 = vector.shape_cast %swap3A_138 : vector<1x1x16xi32> to vector<16xi32>
    %swap3A_140 = vector.shape_cast %and3A_132 : vector<16xi32> to vector<1x1x16xi32>
    tpu.vector_store %arg7[%swap3A_135, %swap3A_136, %swap3A_137], %swap3A_140 {strides = array<i32>} : memref<5x2x128xi32, #tpu.memory_space<vmem>>, vector<1x1x16xi32>,
    %shift_right_logical3A_141 = arith.constant 16 : i32
    %shift_right_logical3A_142 = vector.broadcast %shift_right_logical3A_141 : i32 to vector<16xi32>
    %shift_right_logical3A_143 = arith.shrui %get3A_129, %shift_right_logical3A_142 : vector<16xi32>
    %swap3A_144 = arith.constant 0 : i32
    %swap3A_145 = arith.constant 1 : i32
    %swap3A_146 = arith.index_cast %swap3A_144 : i32 to index
    %swap3A_147 = arith.index_cast %swap3A_145 : i32 to index
    %swap3A_148 = arith.constant 32 : index
    %swap3A_149 = tpu.vector_load %arg7[%swap3A_146, %swap3A_147, %swap3A_148] {strides = array<i32>} : memref<5x2x128xi32, #tpu.memory_space<vmem>>, vector<1x1x16xi32>,
    %swap3A_150 = vector.shape_cast %swap3A_149 : vector<1x1x16xi32> to vector<16xi32>
    %swap3A_151 = vector.shape_cast %shift_right_logical3A_143 : vector<16xi32> to vector<1x1x16xi32>
    tpu.vector_store %arg7[%swap3A_146, %swap3A_147, %swap3A_148], %swap3A_151 {strides = array<i32>} : memref<5x2x128xi32, #tpu.memory_space<vmem>>, vector<1x1x16xi32>,
    %get3A_152 = arith.constant 0 : i32
    %get3A_153 = arith.index_cast %get3A_152 : i32 to index
    %get3A_154 = arith.constant 48 : index
    %get3A_155 = tpu.vector_load %arg6[%get3A_153, %get3A_154] {strides = array<i32>} : memref<5x128xi32, #tpu.memory_space<vmem>>, vector<1x16xi32>,
    %get3A_156 = vector.shape_cast %get3A_155 : vector<1x16xi32> to vector<16xi32>
    %and3A_157 = arith.constant 65535 : i32
    %and3A_158 = vector.broadcast %and3A_157 : i32 to vector<16xi32>
    %and3A_159 = arith.andi %get3A_156, %and3A_158 : vector<16xi32>
    %swap3A_160 = arith.constant 0 : i32
    %swap3A_161 = arith.constant 0 : i32
    %swap3A_162 = arith.index_cast %swap3A_160 : i32 to index
    %swap3A_163 = arith.index_cast %swap3A_161 : i32 to index
    %swap3A_164 = arith.constant 48 : index
    %swap3A_165 = tpu.vector_load %arg7[%swap3A_162, %swap3A_163, %swap3A_164] {strides = array<i32>} : memref<5x2x128xi32, #tpu.memory_space<vmem>>, vector<1x1x16xi32>,
    %swap3A_166 = vector.shape_cast %swap3A_165 : vector<1x1x16xi32> to vector<16xi32>
    %swap3A_167 = vector.shape_cast %and3A_159 : vector<16xi32> to vector<1x1x16xi32>
    tpu.vector_store %arg7[%swap3A_162, %swap3A_163, %swap3A_164], %swap3A_167 {strides = array<i32>} : memref<5x2x128xi32, #tpu.memory_space<vmem>>, vector<1x1x16xi32>,
    %shift_right_logical3A_168 = arith.constant 16 : i32
    %shift_right_logical3A_169 = vector.broadcast %shift_right_logical3A_168 : i32 to vector<16xi32>
    %shift_right_logical3A_170 = arith.shrui %get3A_156, %shift_right_logical3A_169 : vector<16xi32>
    %swap3A_171 = arith.constant 0 : i32
    %swap3A_172 = arith.constant 1 : i32
    %swap3A_173 = arith.index_cast %swap3A_171 : i32 to index
    %swap3A_174 = arith.index_cast %swap3A_172 : i32 to index
    %swap3A_175 = arith.constant 48 : index
    %swap3A_176 = tpu.vector_load %arg7[%swap3A_173, %swap3A_174, %swap3A_175] {strides = array<i32>} : memref<5x2x128xi32, #tpu.memory_space<vmem>>, vector<1x1x16xi32>,
    %swap3A_177 = vector.shape_cast %swap3A_176 : vector<1x1x16xi32> to vector<16xi32>
    %swap3A_178 = vector.shape_cast %shift_right_logical3A_170 : vector<16xi32> to vector<1x1x16xi32>
    tpu.vector_store %arg7[%swap3A_173, %swap3A_174, %swap3A_175], %swap3A_178 {strides = array<i32>} : memref<5x2x128xi32, #tpu.memory_space<vmem>>, vector<1x1x16xi32>,
    %get3A_179 = arith.constant 0 : i32
    %get3A_180 = arith.index_cast %get3A_179 : i32 to index
    %get3A_181 = arith.constant 64 : index
    %get3A_182 = tpu.vector_load %arg6[%get3A_180, %get3A_181] {strides = array<i32>} : memref<5x128xi32, #tpu.memory_space<vmem>>, vector<1x16xi32>,
    %get3A_183 = vector.shape_cast %get3A_182 : vector<1x16xi32> to vector<16xi32>
    %and3A_184 = arith.constant 65535 : i32
    %and3A_185 = vector.broadcast %and3A_184 : i32 to vector<16xi32>
    %and3A_186 = arith.andi %get3A_183, %and3A_185 : vector<16xi32>
    %swap3A_187 = arith.constant 0 : i32
    %swap3A_188 = arith.constant 0 : i32
    %swap3A_189 = arith.index_cast %swap3A_187 : i32 to index
    %swap3A_190 = arith.index_cast %swap3A_188 : i32 to index
    %swap3A_191 = arith.constant 64 : index
    %swap3A_192 = tpu.vector_load %arg7[%swap3A_189, %swap3A_190, %swap3A_191] {strides = array<i32>} : memref<5x2x128xi32, #tpu.memory_space<vmem>>, vector<1x1x16xi32>,
    %swap3A_193 = vector.shape_cast %swap3A_192 : vector<1x1x16xi32> to vector<16xi32>
    %swap3A_194 = vector.shape_cast %and3A_186 : vector<16xi32> to vector<1x1x16xi32>
    tpu.vector_store %arg7[%swap3A_189, %swap3A_190, %swap3A_191], %swap3A_194 {strides = array<i32>} : memref<5x2x128xi32, #tpu.memory_space<vmem>>, vector<1x1x16xi32>,
    %shift_right_logical3A_195 = arith.constant 16 : i32
    %shift_right_logical3A_196 = vector.broadcast %shift_right_logical3A_195 : i32 to vector<16xi32>
    %shift_right_logical3A_197 = arith.shrui %get3A_183, %shift_right_logical3A_196 : vector<16xi32>
    %swap3A_198 = arith.constant 0 : i32
    %swap3A_199 = arith.constant 1 : i32
    %swap3A_200 = arith.index_cast %swap3A_198 : i32 to index
    %swap3A_201 = arith.index_cast %swap3A_199 : i32 to index
    %swap3A_202 = arith.constant 64 : index
    %swap3A_203 = tpu.vector_load %arg7[%swap3A_200, %swap3A_201, %swap3A_202] {strides = array<i32>} : memref<5x2x128xi32, #tpu.memory_space<vmem>>, vector<1x1x16xi32>,
    %swap3A_204 = vector.shape_cast %swap3A_203 : vector<1x1x16xi32> to vector<16xi32>
    %swap3A_205 = vector.shape_cast %shift_right_logical3A_197 : vector<16xi32> to vector<1x1x16xi32>
    tpu.vector_store %arg7[%swap3A_200, %swap3A_201, %swap3A_202], %swap3A_205 {strides = array<i32>} : memref<5x2x128xi32, #tpu.memory_space<vmem>>, vector<1x1x16xi32>,
    %get3A_206 = arith.constant 0 : i32
    %get3A_207 = arith.index_cast %get3A_206 : i32 to index
    %get3A_208 = arith.constant 80 : index
    %get3A_209 = tpu.vector_load %arg6[%get3A_207, %get3A_208] {strides = array<i32>} : memref<5x128xi32, #tpu.memory_space<vmem>>, vector<1x16xi32>,
    %get3A_210 = vector.shape_cast %get3A_209 : vector<1x16xi32> to vector<16xi32>
    %and3A_211 = arith.constant 65535 : i32
    %and3A_212 = vector.broadcast %and3A_211 : i32 to vector<16xi32>
    %and3A_213 = arith.andi %get3A_210, %and3A_212 : vector<16xi32>
    %swap3A_214 = arith.constant 0 : i32
    %swap3A_215 = arith.constant 0 : i32
    %swap3A_216 = arith.index_cast %swap3A_214 : i32 to index
    %swap3A_217 = arith.index_cast %swap3A_215 : i32 to index
    %swap3A_218 = arith.constant 80 : index
    %swap3A_219 = tpu.vector_load %arg7[%swap3A_216, %swap3A_217, %swap3A_218] {strides = array<i32>} : memref<5x2x128xi32, #tpu.memory_space<vmem>>, vector<1x1x16xi32>,
    %swap3A_220 = vector.shape_cast %swap3A_219 : vector<1x1x16xi32> to vector<16xi32>
    %swap3A_221 = vector.shape_cast %and3A_213 : vector<16xi32> to vector<1x1x16xi32>
    tpu.vector_store %arg7[%swap3A_216, %swap3A_217, %swap3A_218], %swap3A_221 {strides = array<i32>} : memref<5x2x128xi32, #tpu.memory_space<vmem>>, vector<1x1x16xi32>,
    %shift_right_logical3A_222 = arith.constant 16 : i32
    %shift_right_logical3A_223 = vector.broadcast %shift_right_logical3A_222 : i32 to vector<16xi32>
    %shift_right_logical3A_224 = arith.shrui %get3A_210, %shift_right_logical3A_223 : vector<16xi32>
    %swap3A_225 = arith.constant 0 : i32
    %swap3A_226 = arith.constant 1 : i32
    %swap3A_227 = arith.index_cast %swap3A_225 : i32 to index
    %swap3A_228 = arith.index_cast %swap3A_226 : i32 to index
    %swap3A_229 = arith.constant 80 : index
    %swap3A_230 = tpu.vector_load %arg7[%swap3A_227, %swap3A_228, %swap3A_229] {strides = array<i32>} : memref<5x2x128xi32, #tpu.memory_space<vmem>>, vector<1x1x16xi32>,
    %swap3A_231 = vector.shape_cast %swap3A_230 : vector<1x1x16xi32> to vector<16xi32>
    %swap3A_232 = vector.shape_cast %shift_right_logical3A_224 : vector<16xi32> to vector<1x1x16xi32>
    tpu.vector_store %arg7[%swap3A_227, %swap3A_228, %swap3A_229], %swap3A_232 {strides = array<i32>} : memref<5x2x128xi32, #tpu.memory_space<vmem>>, vector<1x1x16xi32>,
    %get3A_233 = arith.constant 0 : i32
    %get3A_234 = arith.index_cast %get3A_233 : i32 to index
    %get3A_235 = arith.constant 96 : index
    %get3A_236 = tpu.vector_load %arg6[%get3A_234, %get3A_235] {strides = array<i32>} : memref<5x128xi32, #tpu.memory_space<vmem>>, vector<1x16xi32>,
    %get3A_237 = vector.shape_cast %get3A_236 : vector<1x16xi32> to vector<16xi32>
    %and3A_238 = arith.constant 65535 : i32
    %and3A_239 = vector.broadcast %and3A_238 : i32 to vector<16xi32>
    %and3A_240 = arith.andi %get3A_237, %and3A_239 : vector<16xi32>
    %swap3A_241 = arith.constant 0 : i32
    %swap3A_242 = arith.constant 0 : i32
    %swap3A_243 = arith.index_cast %swap3A_241 : i32 to index
    %swap3A_244 = arith.index_cast %swap3A_242 : i32 to index
    %swap3A_245 = arith.constant 96 : index
    %swap3A_246 = tpu.vector_load %arg7[%swap3A_243, %swap3A_244, %swap3A_245] {strides = array<i32>} : memref<5x2x128xi32, #tpu.memory_space<vmem>>, vector<1x1x16xi32>,
    %swap3A_247 = vector.shape_cast %swap3A_246 : vector<1x1x16xi32> to vector<16xi32>
    %swap3A_248 = vector.shape_cast %and3A_240 : vector<16xi32> to vector<1x1x16xi32>
    tpu.vector_store %arg7[%swap3A_243, %swap3A_244, %swap3A_245], %swap3A_248 {strides = array<i32>} : memref<5x2x128xi32, #tpu.memory_space<vmem>>, vector<1x1x16xi32>,
    %shift_right_logical3A_249 = arith.constant 16 : i32
    %shift_right_logical3A_250 = vector.broadcast %shift_right_logical3A_249 : i32 to vector<16xi32>
    %shift_right_logical3A_251 = arith.shrui %get3A_237, %shift_right_logical3A_250 : vector<16xi32>
    %swap3A_252 = arith.constant 0 : i32
    %swap3A_253 = arith.constant 1 : i32
    %swap3A_254 = arith.index_cast %swap3A_252 : i32 to index
    %swap3A_255 = arith.index_cast %swap3A_253 : i32 to index
    %swap3A_256 = arith.constant 96 : index
    %swap3A_257 = tpu.vector_load %arg7[%swap3A_254, %swap3A_255, %swap3A_256] {strides = array<i32>} : memref<5x2x128xi32, #tpu.memory_space<vmem>>, vector<1x1x16xi32>,
    %swap3A_258 = vector.shape_cast %swap3A_257 : vector<1x1x16xi32> to vector<16xi32>
    %swap3A_259 = vector.shape_cast %shift_right_logical3A_251 : vector<16xi32> to vector<1x1x16xi32>
    tpu.vector_store %arg7[%swap3A_254, %swap3A_255, %swap3A_256], %swap3A_259 {strides = array<i32>} : memref<5x2x128xi32, #tpu.memory_space<vmem>>, vector<1x1x16xi32>,
    %get3A_260 = arith.constant 0 : i32
    %get3A_261 = arith.index_cast %get3A_260 : i32 to index
    %get3A_262 = arith.constant 112 : index
    %get3A_263 = tpu.vector_load %arg6[%get3A_261, %get3A_262] {strides = array<i32>} : memref<5x128xi32, #tpu.memory_space<vmem>>, vector<1x16xi32>,
    %get3A_264 = vector.shape_cast %get3A_263 : vector<1x16xi32> to vector<16xi32>
    %and3A_265 = arith.constant 65535 : i32
    %and3A_266 = vector.broadcast %and3A_265 : i32 to vector<16xi32>
    %and3A_267 = arith.andi %get3A_264, %and3A_266 : vector<16xi32>
    %swap3A_268 = arith.constant 0 : i32
    %swap3A_269 = arith.constant 0 : i32
    %swap3A_270 = arith.index_cast %swap3A_268 : i32 to index
    %swap3A_271 = arith.index_cast %swap3A_269 : i32 to index
    %swap3A_272 = arith.constant 112 : index
    %swap3A_273 = tpu.vector_load %arg7[%swap3A_270, %swap3A_271, %swap3A_272] {strides = array<i32>} : memref<5x2x128xi32, #tpu.memory_space<vmem>>, vector<1x1x16xi32>,
    %swap3A_274 = vector.shape_cast %swap3A_273 : vector<1x1x16xi32> to vector<16xi32>
    %swap3A_275 = vector.shape_cast %and3A_267 : vector<16xi32> to vector<1x1x16xi32>
    tpu.vector_store %arg7[%swap3A_270, %swap3A_271, %swap3A_272], %swap3A_275 {strides = array<i32>} : memref<5x2x128xi32, #tpu.memory_space<vmem>>, vector<1x1x16xi32>,
    %shift_right_logical3A_276 = arith.constant 16 : i32
    %shift_right_logical3A_277 = vector.broadcast %shift_right_logical3A_276 : i32 to vector<16xi32>
    %shift_right_logical3A_278 = arith.shrui %get3A_264, %shift_right_logical3A_277 : vector<16xi32>
    %swap3A_279 = arith.constant 0 : i32
    %swap3A_280 = arith.constant 1 : i32
    %swap3A_281 = arith.index_cast %swap3A_279 : i32 to index
    %swap3A_282 = arith.index_cast %swap3A_280 : i32 to index
    %swap3A_283 = arith.constant 112 : index
    %swap3A_284 = tpu.vector_load %arg7[%swap3A_281, %swap3A_282, %swap3A_283] {strides = array<i32>} : memref<5x2x128xi32, #tpu.memory_space<vmem>>, vector<1x1x16xi32>,
    %swap3A_285 = vector.shape_cast %swap3A_284 : vector<1x1x16xi32> to vector<16xi32>
    %swap3A_286 = vector.shape_cast %shift_right_logical3A_278 : vector<16xi32> to vector<1x1x16xi32>
    tpu.vector_store %arg7[%swap3A_281, %swap3A_282, %swap3A_283], %swap3A_286 {strides = array<i32>} : memref<5x2x128xi32, #tpu.memory_space<vmem>>, vector<1x1x16xi32>,
    %dma_start3A_287 = arith.constant 0 : i32
    %dma_start3A_288 = arith.constant 0 : i32
    %dma_start3A_289 = arith.constant 0 : i32
    %dma_start3A_290 = tpu.memref_slice %arg7[%dma_start3A_287, %dma_start3A_288, %dma_start3A_289] : memref<5x2x128xi32, #tpu.memory_space<vmem>> -> memref<1x1x128xi32, #tpu.memory_space<vmem>>
    %dma_start3A_291 = tpu.memref_squeeze %dma_start3A_290 : memref<1x1x128xi32, #tpu.memory_space<vmem>> -> memref<128xi32, #tpu.memory_space<vmem>>
    %dma_start3A_292 = arith.constant 0 : i32
    %dma_start3A_293 = arith.constant 0 : i32
    %dma_start3A_294 = tpu.memref_slice %arg13[%dma_start3A_292, %dma_start3A_293] : memref<10000x64xf32, #tpu.memory_space<vmem_shared>> -> memref<10000x64xf32, #tpu.memory_space<vmem_shared>>
    tpu.enqueue_indirect_dma source(%dma_start3A_294 : memref<10000x64xf32, #tpu.memory_space<vmem_shared>>) target(%arg8 : memref<128x64xf32, #tpu.memory_space<vmem>>) offsets(%dma_start3A_291 : memref<128xi32, #tpu.memory_space<vmem>>) semaphore(%arg20 : memref<!tpu.dma_semaphore, #tpu.memory_space<semaphore_mem>>)
    %dma_wait3A_295 = arith.constant 0 : i32
    %dma_wait3A_296 = arith.constant 1 : i32
    %dma_wait3A_297 = arith.constant 0 : i32
    %dma_wait3A_298 = tpu.memref_slice %arg6[%dma_wait3A_296, %dma_wait3A_297] : memref<5x128xi32, #tpu.memory_space<vmem>> -> memref<1x128xi32, #tpu.memory_space<vmem>>
    %dma_wait3A_299 = tpu.memref_squeeze %dma_wait3A_298 : memref<1x128xi32, #tpu.memory_space<vmem>> -> memref<128xi32, #tpu.memory_space<vmem>>
    %dma_wait3A_300 = arith.constant 0 : i32
    %dma_wait3A_301 = tpu.memref_slice %arg3[%arg1, %dma_wait3A_295, %dma_wait3A_300] : memref<16x164x128xi32, #tpu.memory_space<hbm>> -> memref<1x1x128xi32, #tpu.memory_space<hbm>>
    %dma_wait3A_302 = tpu.memref_squeeze %dma_wait3A_301 : memref<1x1x128xi32, #tpu.memory_space<hbm>> -> memref<128xi32, #tpu.memory_space<hbm>>
    %dma_wait3A_303 = arith.constant 0 : i32
    %dma_wait3A_304 = tpu.memref_slice %arg6[%dma_wait3A_296, %dma_wait3A_303] : memref<5x128xi32, #tpu.memory_space<vmem>> -> memref<1x128xi32, #tpu.memory_space<vmem>>
    %dma_wait3A_305 = tpu.memref_squeeze %dma_wait3A_304 : memref<1x128xi32, #tpu.memory_space<vmem>> -> memref<128xi32, #tpu.memory_space<vmem>>
    %dma_wait3A_306 = arith.constant 0 : i32
    %dma_wait3A_307 = tpu.memref_slice %arg3[%arg1, %dma_wait3A_295, %dma_wait3A_306] : memref<16x164x128xi32, #tpu.memory_space<hbm>> -> memref<1x1x128xi32, #tpu.memory_space<hbm>>
    %dma_wait3A_308 = tpu.memref_squeeze %dma_wait3A_307 : memref<1x1x128xi32, #tpu.memory_space<hbm>> -> memref<128xi32, #tpu.memory_space<hbm>>
    tpu.wait_dma2 semaphore(%arg16 : memref<!tpu.dma_semaphore, #tpu.memory_space<semaphore_mem>>) src(%dma_wait3A_308 : memref<128xi32, #tpu.memory_space<hbm>>) dst(%dma_wait3A_305 : memref<128xi32, #tpu.memory_space<vmem>>)
    %get3A_309 = arith.constant 1 : i32
    %get3A_310 = arith.index_cast %get3A_309 : i32 to index
    %get3A_311 = arith.constant 0 : index
    %get3A_312 = tpu.vector_load %arg6[%get3A_310, %get3A_311] {strides = array<i32>} : memref<5x128xi32, #tpu.memory_space<vmem>>, vector<1x16xi32>,
    %get3A_313 = vector.shape_cast %get3A_312 : vector<1x16xi32> to vector<16xi32>
    %and3A_314 = arith.constant 65535 : i32
    %and3A_315 = vector.broadcast %and3A_314 : i32 to vector<16xi32>
    %and3A_316 = arith.andi %get3A_313, %and3A_315 : vector<16xi32>
    %swap3A_317 = arith.constant 1 : i32
    %swap3A_318 = arith.constant 0 : i32
    %swap3A_319 = arith.index_cast %swap3A_317 : i32 to index
    %swap3A_320 = arith.index_cast %swap3A_318 : i32 to index
    %swap3A_321 = arith.constant 0 : index
    %swap3A_322 = tpu.vector_load %arg7[%swap3A_319, %swap3A_320, %swap3A_321] {strides = array<i32>} : memref<5x2x128xi32, #tpu.memory_space<vmem>>, vector<1x1x16xi32>,
    %swap3A_323 = vector.shape_cast %swap3A_322 : vector<1x1x16xi32> to vector<16xi32>
    %swap3A_324 = vector.shape_cast %and3A_316 : vector<16xi32> to vector<1x1x16xi32>
    tpu.vector_store %arg7[%swap3A_319, %swap3A_320, %swap3A_321], %swap3A_324 {strides = array<i32>} : memref<5x2x128xi32, #tpu.memory_space<vmem>>, vector<1x1x16xi32>,
    %shift_right_logical3A_325 = arith.constant 16 : i32
    %shift_right_logical3A_326 = vector.broadcast %shift_right_logical3A_325 : i32 to vector<16xi32>
    %shift_right_logical3A_327 = arith.shrui %get3A_313, %shift_right_logical3A_326 : vector<16xi32>
    %swap3A_328 = arith.constant 1 : i32
    %swap3A_329 = arith.constant 1 : i32
    %swap3A_330 = arith.index_cast %swap3A_328 : i32 to index
    %swap3A_331 = arith.index_cast %swap3A_329 : i32 to index
    %swap3A_332 = arith.constant 0 : index
    %swap3A_333 = tpu.vector_load %arg7[%swap3A_330, %swap3A_331, %swap3A_332] {strides = array<i32>} : memref<5x2x128xi32, #tpu.memory_space<vmem>>, vector<1x1x16xi32>,
    %swap3A_334 = vector.shape_cast %swap3A_333 : vector<1x1x16xi32> to vector<16xi32>
    %swap3A_335 = vector.shape_cast %shift_right_logical3A_327 : vector<16xi32> to vector<1x1x16xi32>
    tpu.vector_store %arg7[%swap3A_330, %swap3A_331, %swap3A_332], %swap3A_335 {strides = array<i32>} : memref<5x2x128xi32, #tpu.memory_space<vmem>>, vector<1x1x16xi32>,
    %get3A_336 = arith.constant 1 : i32
    %get3A_337 = arith.index_cast %get3A_336 : i32 to index
    %get3A_338 = arith.constant 16 : index
    %get3A_339 = tpu.vector_load %arg6[%get3A_337, %get3A_338] {strides = array<i32>} : memref<5x128xi32, #tpu.memory_space<vmem>>, vector<1x16xi32>,
    %get3A_340 = vector.shape_cast %get3A_339 : vector<1x16xi32> to vector<16xi32>
    %and3A_341 = arith.constant 65535 : i32
    %and3A_342 = vector.broadcast %and3A_341 : i32 to vector<16xi32>
    %and3A_343 = arith.andi %get3A_340, %and3A_342 : vector<16xi32>
    %swap3A_344 = arith.constant 1 : i32
    %swap3A_345 = arith.constant 0 : i32
    %swap3A_346 = arith.index_cast %swap3A_344 : i32 to index
    %swap3A_347 = arith.index_cast %swap3A_345 : i32 to index
    %swap3A_348 = arith.constant 16 : index
    %swap3A_349 = tpu.vector_load %arg7[%swap3A_346, %swap3A_347, %swap3A_348] {strides = array<i32>} : memref<5x2x128xi32, #tpu.memory_space<vmem>>, vector<1x1x16xi32>,
    %swap3A_350 = vector.shape_cast %swap3A_349 : vector<1x1x16xi32> to vector<16xi32>
    %swap3A_351 = vector.shape_cast %and3A_343 : vector<16xi32> to vector<1x1x16xi32>
    tpu.vector_store %arg7[%swap3A_346, %swap3A_347, %swap3A_348], %swap3A_351 {strides = array<i32>} : memref<5x2x128xi32, #tpu.memory_space<vmem>>, vector<1x1x16xi32>,
    %shift_right_logical3A_352 = arith.constant 16 : i32
    %shift_right_logical3A_353 = vector.broadcast %shift_right_logical3A_352 : i32 to vector<16xi32>
    %shift_right_logical3A_354 = arith.shrui %get3A_340, %shift_right_logical3A_353 : vector<16xi32>
    %swap3A_355 = arith.constant 1 : i32
    %swap3A_356 = arith.constant 1 : i32
    %swap3A_357 = arith.index_cast %swap3A_355 : i32 to index
    %swap3A_358 = arith.index_cast %swap3A_356 : i32 to index
    %swap3A_359 = arith.constant 16 : index
    %swap3A_360 = tpu.vector_load %arg7[%swap3A_357, %swap3A_358, %swap3A_359] {strides = array<i32>} : memref<5x2x128xi32, #tpu.memory_space<vmem>>, vector<1x1x16xi32>,
    %swap3A_361 = vector.shape_cast %swap3A_360 : vector<1x1x16xi32> to vector<16xi32>
    %swap3A_362 = vector.shape_cast %shift_right_logical3A_354 : vector<16xi32> to vector<1x1x16xi32>
    tpu.vector_store %arg7[%swap3A_357, %swap3A_358, %swap3A_359], %swap3A_362 {strides = array<i32>} : memref<5x2x128xi32, #tpu.memory_space<vmem>>, vector<1x1x16xi32>,
    %get3A_363 = arith.constant 1 : i32
    %get3A_364 = arith.index_cast %get3A_363 : i32 to index
    %get3A_365 = arith.constant 32 : index
    %get3A_366 = tpu.vector_load %arg6[%get3A_364, %get3A_365] {strides = array<i32>} : memref<5x128xi32, #tpu.memory_space<vmem>>, vector<1x16xi32>,
    %get3A_367 = vector.shape_cast %get3A_366 : vector<1x16xi32> to vector<16xi32>
    %and3A_368 = arith.constant 65535 : i32
    %and3A_369 = vector.broadcast %and3A_368 : i32 to vector<16xi32>
    %and3A_370 = arith.andi %get3A_367, %and3A_369 : vector<16xi32>
    %swap3A_371 = arith.constant 1 : i32
    %swap3A_372 = arith.constant 0 : i32
    %swap3A_373 = arith.index_cast %swap3A_371 : i32 to index
    %swap3A_374 = arith.index_cast %swap3A_372 : i32 to index
    %swap3A_375 = arith.constant 32 : index
    %swap3A_376 = tpu.vector_load %arg7[%swap3A_373, %swap3A_374, %swap3A_375] {strides = array<i32>} : memref<5x2x128xi32, #tpu.memory_space<vmem>>, vector<1x1x16xi32>,
    %swap3A_377 = vector.shape_cast %swap3A_376 : vector<1x1x16xi32> to vector<16xi32>
    %swap3A_378 = vector.shape_cast %and3A_370 : vector<16xi32> to vector<1x1x16xi32>
    tpu.vector_store %arg7[%swap3A_373, %swap3A_374, %swap3A_375], %swap3A_378 {strides = array<i32>} : memref<5x2x128xi32, #tpu.memory_space<vmem>>, vector<1x1x16xi32>,
    %shift_right_logical3A_379 = arith.constant 16 : i32
    %shift_right_logical3A_380 = vector.broadcast %shift_right_logical3A_379 : i32 to vector<16xi32>
    %shift_right_logical3A_381 = arith.shrui %get3A_367, %shift_right_logical3A_380 : vector<16xi32>
    %swap3A_382 = arith.constant 1 : i32
    %swap3A_383 = arith.constant 1 : i32
    %swap3A_384 = arith.index_cast %swap3A_382 : i32 to index
    %swap3A_385 = arith.index_cast %swap3A_383 : i32 to index
    %swap3A_386 = arith.constant 32 : index
    %swap3A_387 = tpu.vector_load %arg7[%swap3A_384, %swap3A_385, %swap3A_386] {strides = array<i32>} : memref<5x2x128xi32, #tpu.memory_space<vmem>>, vector<1x1x16xi32>,
    %swap3A_388 = vector.shape_cast %swap3A_387 : vector<1x1x16xi32> to vector<16xi32>
    %swap3A_389 = vector.shape_cast %shift_right_logical3A_381 : vector<16xi32> to vector<1x1x16xi32>
    tpu.vector_store %arg7[%swap3A_384, %swap3A_385, %swap3A_386], %swap3A_389 {strides = array<i32>} : memref<5x2x128xi32, #tpu.memory_space<vmem>>, vector<1x1x16xi32>,
    %get3A_390 = arith.constant 1 : i32
    %get3A_391 = arith.index_cast %get3A_390 : i32 to index
    %get3A_392 = arith.constant 48 : index
    %get3A_393 = tpu.vector_load %arg6[%get3A_391, %get3A_392] {strides = array<i32>} : memref<5x128xi32, #tpu.memory_space<vmem>>, vector<1x16xi32>,
    %get3A_394 = vector.shape_cast %get3A_393 : vector<1x16xi32> to vector<16xi32>
    %and3A_395 = arith.constant 65535 : i32
    %and3A_396 = vector.broadcast %and3A_395 : i32 to vector<16xi32>
    %and3A_397 = arith.andi %get3A_394, %and3A_396 : vector<16xi32>
    %swap3A_398 = arith.constant 1 : i32
    %swap3A_399 = arith.constant 0 : i32
    %swap3A_400 = arith.index_cast %swap3A_398 : i32 to index
    %swap3A_401 = arith.index_cast %swap3A_399 : i32 to index
    %swap3A_402 = arith.constant 48 : index
    %swap3A_403 = tpu.vector_load %arg7[%swap3A_400, %swap3A_401, %swap3A_402] {strides = array<i32>} : memref<5x2x128xi32, #tpu.memory_space<vmem>>, vector<1x1x16xi32>,
    %swap3A_404 = vector.shape_cast %swap3A_403 : vector<1x1x16xi32> to vector<16xi32>
    %swap3A_405 = vector.shape_cast %and3A_397 : vector<16xi32> to vector<1x1x16xi32>
    tpu.vector_store %arg7[%swap3A_400, %swap3A_401, %swap3A_402], %swap3A_405 {strides = array<i32>} : memref<5x2x128xi32, #tpu.memory_space<vmem>>, vector<1x1x16xi32>,
    %shift_right_logical3A_406 = arith.constant 16 : i32
    %shift_right_logical3A_407 = vector.broadcast %shift_right_logical3A_406 : i32 to vector<16xi32>
    %shift_right_logical3A_408 = arith.shrui %get3A_394, %shift_right_logical3A_407 : vector<16xi32>
    %swap3A_409 = arith.constant 1 : i32
    %swap3A_410 = arith.constant 1 : i32
    %swap3A_411 = arith.index_cast %swap3A_409 : i32 to index
    %swap3A_412 = arith.index_cast %swap3A_410 : i32 to index
    %swap3A_413 = arith.constant 48 : index
    %swap3A_414 = tpu.vector_load %arg7[%swap3A_411, %swap3A_412, %swap3A_413] {strides = array<i32>} : memref<5x2x128xi32, #tpu.memory_space<vmem>>, vector<1x1x16xi32>,
    %swap3A_415 = vector.shape_cast %swap3A_414 : vector<1x1x16xi32> to vector<16xi32>
    %swap3A_416 = vector.shape_cast %shift_right_logical3A_408 : vector<16xi32> to vector<1x1x16xi32>
    tpu.vector_store %arg7[%swap3A_411, %swap3A_412, %swap3A_413], %swap3A_416 {strides = array<i32>} : memref<5x2x128xi32, #tpu.memory_space<vmem>>, vector<1x1x16xi32>,
    %get3A_417 = arith.constant 1 : i32
    %get3A_418 = arith.index_cast %get3A_417 : i32 to index
    %get3A_419 = arith.constant 64 : index
    %get3A_420 = tpu.vector_load %arg6[%get3A_418, %get3A_419] {strides = array<i32>} : memref<5x128xi32, #tpu.memory_space<vmem>>, vector<1x16xi32>,
    %get3A_421 = vector.shape_cast %get3A_420 : vector<1x16xi32> to vector<16xi32>
    %and3A_422 = arith.constant 65535 : i32
    %and3A_423 = vector.broadcast %and3A_422 : i32 to vector<16xi32>
    %and3A_424 = arith.andi %get3A_421, %and3A_423 : vector<16xi32>
    %swap3A_425 = arith.constant 1 : i32
    %swap3A_426 = arith.constant 0 : i32
    %swap3A_427 = arith.index_cast %swap3A_425 : i32 to index
    %swap3A_428 = arith.index_cast %swap3A_426 : i32 to index
    %swap3A_429 = arith.constant 64 : index
    %swap3A_430 = tpu.vector_load %arg7[%swap3A_427, %swap3A_428, %swap3A_429] {strides = array<i32>} : memref<5x2x128xi32, #tpu.memory_space<vmem>>, vector<1x1x16xi32>,
    %swap3A_431 = vector.shape_cast %swap3A_430 : vector<1x1x16xi32> to vector<16xi32>
    %swap3A_432 = vector.shape_cast %and3A_424 : vector<16xi32> to vector<1x1x16xi32>
    tpu.vector_store %arg7[%swap3A_427, %swap3A_428, %swap3A_429], %swap3A_432 {strides = array<i32>} : memref<5x2x128xi32, #tpu.memory_space<vmem>>, vector<1x1x16xi32>,
    %shift_right_logical3A_433 = arith.constant 16 : i32
    %shift_right_logical3A_434 = vector.broadcast %shift_right_logical3A_433 : i32 to vector<16xi32>
    %shift_right_logical3A_435 = arith.shrui %get3A_421, %shift_right_logical3A_434 : vector<16xi32>
    %swap3A_436 = arith.constant 1 : i32
    %swap3A_437 = arith.constant 1 : i32
    %swap3A_438 = arith.index_cast %swap3A_436 : i32 to index
    %swap3A_439 = arith.index_cast %swap3A_437 : i32 to index
    %swap3A_440 = arith.constant 64 : index
    %swap3A_441 = tpu.vector_load %arg7[%swap3A_438, %swap3A_439, %swap3A_440] {strides = array<i32>} : memref<5x2x128xi32, #tpu.memory_space<vmem>>, vector<1x1x16xi32>,
    %swap3A_442 = vector.shape_cast %swap3A_441 : vector<1x1x16xi32> to vector<16xi32>
    %swap3A_443 = vector.shape_cast %shift_right_logical3A_435 : vector<16xi32> to vector<1x1x16xi32>
    tpu.vector_store %arg7[%swap3A_438, %swap3A_439, %swap3A_440], %swap3A_443 {strides = array<i32>} : memref<5x2x128xi32, #tpu.memory_space<vmem>>, vector<1x1x16xi32>,
    %get3A_444 = arith.constant 1 : i32
    %get3A_445 = arith.index_cast %get3A_444 : i32 to index
    %get3A_446 = arith.constant 80 : index
    %get3A_447 = tpu.vector_load %arg6[%get3A_445, %get3A_446] {strides = array<i32>} : memref<5x128xi32, #tpu.memory_space<vmem>>, vector<1x16xi32>,
    %get3A_448 = vector.shape_cast %get3A_447 : vector<1x16xi32> to vector<16xi32>
    %and3A_449 = arith.constant 65535 : i32
    %and3A_450 = vector.broadcast %and3A_449 : i32 to vector<16xi32>
    %and3A_451 = arith.andi %get3A_448, %and3A_450 : vector<16xi32>
    %swap3A_452 = arith.constant 1 : i32
    %swap3A_453 = arith.constant 0 : i32
    %swap3A_454 = arith.index_cast %swap3A_452 : i32 to index
    %swap3A_455 = arith.index_cast %swap3A_453 : i32 to index
    %swap3A_456 = arith.constant 80 : index
    %swap3A_457 = tpu.vector_load %arg7[%swap3A_454, %swap3A_455, %swap3A_456] {strides = array<i32>} : memref<5x2x128xi32, #tpu.memory_space<vmem>>, vector<1x1x16xi32>,
    %swap3A_458 = vector.shape_cast %swap3A_457 : vector<1x1x16xi32> to vector<16xi32>
    %swap3A_459 = vector.shape_cast %and3A_451 : vector<16xi32> to vector<1x1x16xi32>
    tpu.vector_store %arg7[%swap3A_454, %swap3A_455, %swap3A_456], %swap3A_459 {strides = array<i32>} : memref<5x2x128xi32, #tpu.memory_space<vmem>>, vector<1x1x16xi32>,
    %shift_right_logical3A_460 = arith.constant 16 : i32
    %shift_right_logical3A_461 = vector.broadcast %shift_right_logical3A_460 : i32 to vector<16xi32>
    %shift_right_logical3A_462 = arith.shrui %get3A_448, %shift_right_logical3A_461 : vector<16xi32>
    %swap3A_463 = arith.constant 1 : i32
    %swap3A_464 = arith.constant 1 : i32
    %swap3A_465 = arith.index_cast %swap3A_463 : i32 to index
    %swap3A_466 = arith.index_cast %swap3A_464 : i32 to index
    %swap3A_467 = arith.constant 80 : index
    %swap3A_468 = tpu.vector_load %arg7[%swap3A_465, %swap3A_466, %swap3A_467] {strides = array<i32>} : memref<5x2x128xi32, #tpu.memory_space<vmem>>, vector<1x1x16xi32>,
    %swap3A_469 = vector.shape_cast %swap3A_468 : vector<1x1x16xi32> to vector<16xi32>
    %swap3A_470 = vector.shape_cast %shift_right_logical3A_462 : vector<16xi32> to vector<1x1x16xi32>
    tpu.vector_store %arg7[%swap3A_465, %swap3A_466, %swap3A_467], %swap3A_470 {strides = array<i32>} : memref<5x2x128xi32, #tpu.memory_space<vmem>>, vector<1x1x16xi32>,
    %get3A_471 = arith.constant 1 : i32
    %get3A_472 = arith.index_cast %get3A_471 : i32 to index
    %get3A_473 = arith.constant 96 : index
    %get3A_474 = tpu.vector_load %arg6[%get3A_472, %get3A_473] {strides = array<i32>} : memref<5x128xi32, #tpu.memory_space<vmem>>, vector<1x16xi32>,
    %get3A_475 = vector.shape_cast %get3A_474 : vector<1x16xi32> to vector<16xi32>
    %and3A_476 = arith.constant 65535 : i32
    %and3A_477 = vector.broadcast %and3A_476 : i32 to vector<16xi32>
    %and3A_478 = arith.andi %get3A_475, %and3A_477 : vector<16xi32>
    %swap3A_479 = arith.constant 1 : i32
    %swap3A_480 = arith.constant 0 : i32
    %swap3A_481 = arith.index_cast %swap3A_479 : i32 to index
    %swap3A_482 = arith.index_cast %swap3A_480 : i32 to index
    %swap3A_483 = arith.constant 96 : index
    %swap3A_484 = tpu.vector_load %arg7[%swap3A_481, %swap3A_482, %swap3A_483] {strides = array<i32>} : memref<5x2x128xi32, #tpu.memory_space<vmem>>, vector<1x1x16xi32>,
    %swap3A_485 = vector.shape_cast %swap3A_484 : vector<1x1x16xi32> to vector<16xi32>
    %swap3A_486 = vector.shape_cast %and3A_478 : vector<16xi32> to vector<1x1x16xi32>
    tpu.vector_store %arg7[%swap3A_481, %swap3A_482, %swap3A_483], %swap3A_486 {strides = array<i32>} : memref<5x2x128xi32, #tpu.memory_space<vmem>>, vector<1x1x16xi32>,
    %shift_right_logical3A_487 = arith.constant 16 : i32
    %shift_right_logical3A_488 = vector.broadcast %shift_right_logical3A_487 : i32 to vector<16xi32>
    %shift_right_logical3A_489 = arith.shrui %get3A_475, %shift_right_logical3A_488 : vector<16xi32>
    %swap3A_490 = arith.constant 1 : i32
    %swap3A_491 = arith.constant 1 : i32
    %swap3A_492 = arith.index_cast %swap3A_490 : i32 to index
    %swap3A_493 = arith.index_cast %swap3A_491 : i32 to index
    %swap3A_494 = arith.constant 96 : index
    %swap3A_495 = tpu.vector_load %arg7[%swap3A_492, %swap3A_493, %swap3A_494] {strides = array<i32>} : memref<5x2x128xi32, #tpu.memory_space<vmem>>, vector<1x1x16xi32>,
    %swap3A_496 = vector.shape_cast %swap3A_495 : vector<1x1x16xi32> to vector<16xi32>
    %swap3A_497 = vector.shape_cast %shift_right_logical3A_489 : vector<16xi32> to vector<1x1x16xi32>
    tpu.vector_store %arg7[%swap3A_492, %swap3A_493, %swap3A_494], %swap3A_497 {strides = array<i32>} : memref<5x2x128xi32, #tpu.memory_space<vmem>>, vector<1x1x16xi32>,
    %get3A_498 = arith.constant 1 : i32
    %get3A_499 = arith.index_cast %get3A_498 : i32 to index
    %get3A_500 = arith.constant 112 : index
    %get3A_501 = tpu.vector_load %arg6[%get3A_499, %get3A_500] {strides = array<i32>} : memref<5x128xi32, #tpu.memory_space<vmem>>, vector<1x16xi32>,
    %get3A_502 = vector.shape_cast %get3A_501 : vector<1x16xi32> to vector<16xi32>
    %and3A_503 = arith.constant 65535 : i32
    %and3A_504 = vector.broadcast %and3A_503 : i32 to vector<16xi32>
    %and3A_505 = arith.andi %get3A_502, %and3A_504 : vector<16xi32>
    %swap3A_506 = arith.constant 1 : i32
    %swap3A_507 = arith.constant 0 : i32
    %swap3A_508 = arith.index_cast %swap3A_506 : i32 to index
    %swap3A_509 = arith.index_cast %swap3A_507 : i32 to index
    %swap3A_510 = arith.constant 112 : index
    %swap3A_511 = tpu.vector_load %arg7[%swap3A_508, %swap3A_509, %swap3A_510] {strides = array<i32>} : memref<5x2x128xi32, #tpu.memory_space<vmem>>, vector<1x1x16xi32>,
    %swap3A_512 = vector.shape_cast %swap3A_511 : vector<1x1x16xi32> to vector<16xi32>
    %swap3A_513 = vector.shape_cast %and3A_505 : vector<16xi32> to vector<1x1x16xi32>
    tpu.vector_store %arg7[%swap3A_508, %swap3A_509, %swap3A_510], %swap3A_513 {strides = array<i32>} : memref<5x2x128xi32, #tpu.memory_space<vmem>>, vector<1x1x16xi32>,
    %shift_right_logical3A_514 = arith.constant 16 : i32
    %shift_right_logical3A_515 = vector.broadcast %shift_right_logical3A_514 : i32 to vector<16xi32>
    %shift_right_logical3A_516 = arith.shrui %get3A_502, %shift_right_logical3A_515 : vector<16xi32>
    %swap3A_517 = arith.constant 1 : i32
    %swap3A_518 = arith.constant 1 : i32
    %swap3A_519 = arith.index_cast %swap3A_517 : i32 to index
    %swap3A_520 = arith.index_cast %swap3A_518 : i32 to index
    %swap3A_521 = arith.constant 112 : index
    %swap3A_522 = tpu.vector_load %arg7[%swap3A_519, %swap3A_520, %swap3A_521] {strides = array<i32>} : memref<5x2x128xi32, #tpu.memory_space<vmem>>, vector<1x1x16xi32>,
    %swap3A_523 = vector.shape_cast %swap3A_522 : vector<1x1x16xi32> to vector<16xi32>
    %swap3A_524 = vector.shape_cast %shift_right_logical3A_516 : vector<16xi32> to vector<1x1x16xi32>
    tpu.vector_store %arg7[%swap3A_519, %swap3A_520, %swap3A_521], %swap3A_524 {strides = array<i32>} : memref<5x2x128xi32, #tpu.memory_space<vmem>>, vector<1x1x16xi32>,
    %dma_start3A_525 = arith.constant 1 : i32
    %dma_start3A_526 = arith.constant 0 : i32
    %dma_start3A_527 = arith.constant 0 : i32
    %dma_start3A_528 = tpu.memref_slice %arg7[%dma_start3A_525, %dma_start3A_526, %dma_start3A_527] : memref<5x2x128xi32, #tpu.memory_space<vmem>> -> memref<1x1x128xi32, #tpu.memory_space<vmem>>
    %dma_start3A_529 = tpu.memref_squeeze %dma_start3A_528 : memref<1x1x128xi32, #tpu.memory_space<vmem>> -> memref<128xi32, #tpu.memory_space<vmem>>
    %dma_start3A_530 = arith.constant 0 : i32
    %dma_start3A_531 = arith.constant 0 : i32
    %dma_start3A_532 = tpu.memref_slice %arg13[%dma_start3A_530, %dma_start3A_531] : memref<10000x64xf32, #tpu.memory_space<vmem_shared>> -> memref<10000x64xf32, #tpu.memory_space<vmem_shared>>
    tpu.enqueue_indirect_dma source(%dma_start3A_532 : memref<10000x64xf32, #tpu.memory_space<vmem_shared>>) target(%arg9 : memref<128x64xf32, #tpu.memory_space<vmem>>) offsets(%dma_start3A_529 : memref<128xi32, #tpu.memory_space<vmem>>) semaphore(%arg21 : memref<!tpu.dma_semaphore, #tpu.memory_space<semaphore_mem>>)
    %scan3A = arith.constant 0 : i32
    %scan3A_533 = arith.constant 0 : i32
    %scan3A_534 = arith.constant 32 : i32
    %scan3A_535 = arith.addi %scan3A_533, %scan3A_534 : i32
    %scan3A_536 = arith.constant 1 : i32
    scf.for %scan3A_611 = %scan3A_533 to %scan3A_535 step %scan3A_536  : i32 {
      %mul3A_612 = arith.constant 5 : i32
      %mul3A_613 = arith.muli %scan3A_611, %mul3A_612 : i32
      %add3A_614 = arith.constant 0 : i32
      %add3A_615 = arith.addi %mul3A_613, %add3A_614 : i32
      %add3A_616 = arith.constant 2 : i32
      %add3A_617 = arith.addi %add3A_615, %add3A_616 : i32
      %add3A_618 = arith.constant 2 : i32
      %add3A_619 = arith.addi %add3A_617, %add3A_618 : i32
      %dma_start3A_620 = arith.constant 4 : i32
      %dma_start3A_621 = arith.constant 0 : i32
      %dma_start3A_622 = tpu.memref_slice %arg6[%dma_start3A_620, %dma_start3A_621] : memref<5x128xi32, #tpu.memory_space<vmem>> -> memref<1x128xi32, #tpu.memory_space<vmem>>
      %dma_start3A_623 = tpu.memref_squeeze %dma_start3A_622 : memref<1x128xi32, #tpu.memory_space<vmem>> -> memref<128xi32, #tpu.memory_space<vmem>>
      %dma_start3A_624 = arith.constant 0 : i32
      %dma_start3A_625 = tpu.memref_slice %arg3[%arg1, %add3A_619, %dma_start3A_624] : memref<16x164x128xi32, #tpu.memory_space<hbm>> -> memref<1x1x128xi32, #tpu.memory_space<hbm>>
      %dma_start3A_626 = tpu.memref_squeeze %dma_start3A_625 : memref<1x1x128xi32, #tpu.memory_space<hbm>> -> memref<128xi32, #tpu.memory_space<hbm>>
      %dma_start3A_627 = arith.constant 0 : i32
      %dma_start3A_628 = tpu.memref_slice %arg6[%dma_start3A_620, %dma_start3A_627] : memref<5x128xi32, #tpu.memory_space<vmem>> -> memref<1x128xi32, #tpu.memory_space<vmem>>
      %dma_start3A_629 = tpu.memref_squeeze %dma_start3A_628 : memref<1x128xi32, #tpu.memory_space<vmem>> -> memref<128xi32, #tpu.memory_space<vmem>>
      %dma_start3A_630 = arith.constant 0 : i32
      %dma_start3A_631 = tpu.memref_slice %arg3[%arg1, %add3A_619, %dma_start3A_630] : memref<16x164x128xi32, #tpu.memory_space<hbm>> -> memref<1x1x128xi32, #tpu.memory_space<hbm>>
      %dma_start3A_632 = tpu.memref_squeeze %dma_start3A_631 : memref<1x1x128xi32, #tpu.memory_space<hbm>> -> memref<128xi32, #tpu.memory_space<hbm>>
      tpu.enqueue_dma source(%dma_start3A_632 : memref<128xi32, #tpu.memory_space<hbm>>) target(%dma_start3A_629 : memref<128xi32, #tpu.memory_space<vmem>>) target_semaphore(%arg19 : memref<!tpu.dma_semaphore, #tpu.memory_space<semaphore_mem>>)
      %ge3A = arith.constant 3 : i32
      %ge3A_633 = arith.cmpi sge, %add3A_615, %ge3A : i32
      %convert_element_type3A = arith.extui %ge3A_633 : i1 to i32
      %cond3A = arith.constant 0 : i32
      %cond3A_634 = arith.cmpi ne, %convert_element_type3A, %cond3A : i32
      scf.if %cond3A_634 {
        %dma_wait3A_2001 = arith.constant 2 : i32
        %dma_wait3A_2002 = arith.constant 1 : i32
        %dma_wait3A_2003 = arith.constant 0 : i32
        %dma_wait3A_2004 = tpu.memref_slice %arg7[%dma_wait3A_2001, %dma_wait3A_2002, %dma_wait3A_2003] : memref<5x2x128xi32, #tpu.memory_space<vmem>> -> memref<1x1x128xi32, #tpu.memory_space<vmem>>
        %dma_wait3A_2005 = tpu.memref_squeeze %dma_wait3A_2004 : memref<1x1x128xi32, #tpu.memory_space<vmem>> -> memref<128xi32, #tpu.memory_space<vmem>>
        %dma_wait3A_2006 = arith.constant 0 : i32
        %dma_wait3A_2007 = arith.constant 0 : i32
        %dma_wait3A_2008 = tpu.memref_slice %arg14[%dma_wait3A_2006, %dma_wait3A_2007] : memref<10240x64xf32, #tpu.memory_space<vmem_shared>> -> memref<10240x64xf32, #tpu.memory_space<vmem_shared>>
        tpu.wait_indirect_dma semaphore(%arg27 : memref<!tpu.dma_semaphore, #tpu.memory_space<semaphore_mem>>) src(%arg10 : memref<128x64xf32, #tpu.memory_space<vmem>>) dst(%dma_wait3A_2008 : memref<10240x64xf32, #tpu.memory_space<vmem_shared>>)
      } else {
      }
      %dma_wait3A_635 = arith.constant 0 : i32
      %dma_wait3A_636 = arith.constant 2 : i32
      %dma_wait3A_637 = arith.constant 0 : i32
      %dma_wait3A_638 = tpu.memref_slice %arg6[%dma_wait3A_636, %dma_wait3A_637] : memref<5x128xi32, #tpu.memory_space<vmem>> -> memref<1x128xi32, #tpu.memory_space<vmem>>
      %dma_wait3A_639 = tpu.memref_squeeze %dma_wait3A_638 : memref<1x128xi32, #tpu.memory_space<vmem>> -> memref<128xi32, #tpu.memory_space<vmem>>
      %dma_wait3A_640 = arith.constant 0 : i32
      %dma_wait3A_641 = tpu.memref_slice %arg3[%arg1, %dma_wait3A_635, %dma_wait3A_640] : memref<16x164x128xi32, #tpu.memory_space<hbm>> -> memref<1x1x128xi32, #tpu.memory_space<hbm>>
      %dma_wait3A_642 = tpu.memref_squeeze %dma_wait3A_641 : memref<1x1x128xi32, #tpu.memory_space<hbm>> -> memref<128xi32, #tpu.memory_space<hbm>>
      %dma_wait3A_643 = arith.constant 0 : i32
      %dma_wait3A_644 = tpu.memref_slice %arg6[%dma_wait3A_636, %dma_wait3A_643] : memref<5x128xi32, #tpu.memory_space<vmem>> -> memref<1x128xi32, #tpu.memory_space<vmem>>
      %dma_wait3A_645 = tpu.memref_squeeze %dma_wait3A_644 : memref<1x128xi32, #tpu.memory_space<vmem>> -> memref<128xi32, #tpu.memory_space<vmem>>
      %dma_wait3A_646 = arith.constant 0 : i32
      %dma_wait3A_647 = tpu.memref_slice %arg3[%arg1, %dma_wait3A_635, %dma_wait3A_646] : memref<16x164x128xi32, #tpu.memory_space<hbm>> -> memref<1x1x128xi32, #tpu.memory_space<hbm>>
      %dma_wait3A_648 = tpu.memref_squeeze %dma_wait3A_647 : memref<1x1x128xi32, #tpu.memory_space<hbm>> -> memref<128xi32, #tpu.memory_space<hbm>>
      tpu.wait_dma2 semaphore(%arg17 : memref<!tpu.dma_semaphore, #tpu.memory_space<semaphore_mem>>) src(%dma_wait3A_648 : memref<128xi32, #tpu.memory_space<hbm>>) dst(%dma_wait3A_645 : memref<128xi32, #tpu.memory_space<vmem>>)
      %get3A_649 = arith.constant 2 : i32
      %get3A_650 = arith.index_cast %get3A_649 : i32 to index
      %get3A_651 = arith.constant 0 : index
      %get3A_652 = tpu.vector_load %arg6[%get3A_650, %get3A_651] {strides = array<i32>} : memref<5x128xi32, #tpu.memory_space<vmem>>, vector<1x16xi32>,
      %get3A_653 = vector.shape_cast %get3A_652 : vector<1x16xi32> to vector<16xi32>
      %and3A_654 = arith.constant 65535 : i32
      %and3A_655 = vector.broadcast %and3A_654 : i32 to vector<16xi32>
      %and3A_656 = arith.andi %get3A_653, %and3A_655 : vector<16xi32>
      %swap3A_657 = arith.constant 2 : i32
      %swap3A_658 = arith.constant 0 : i32
      %swap3A_659 = arith.index_cast %swap3A_657 : i32 to index
      %swap3A_660 = arith.index_cast %swap3A_658 : i32 to index
      %swap3A_661 = arith.constant 0 : index
      %swap3A_662 = tpu.vector_load %arg7[%swap3A_659, %swap3A_660, %swap3A_661] {strides = array<i32>} : memref<5x2x128xi32, #tpu.memory_space<vmem>>, vector<1x1x16xi32>,
      %swap3A_663 = vector.shape_cast %swap3A_662 : vector<1x1x16xi32> to vector<16xi32>
      %swap3A_664 = vector.shape_cast %and3A_656 : vector<16xi32> to vector<1x1x16xi32>
      tpu.vector_store %arg7[%swap3A_659, %swap3A_660, %swap3A_661], %swap3A_664 {strides = array<i32>} : memref<5x2x128xi32, #tpu.memory_space<vmem>>, vector<1x1x16xi32>,
      %shift_right_logical3A_665 = arith.constant 16 : i32
      %shift_right_logical3A_666 = vector.broadcast %shift_right_logical3A_665 : i32 to vector<16xi32>
      %shift_right_logical3A_667 = arith.shrui %get3A_653, %shift_right_logical3A_666 : vector<16xi32>
      %swap3A_668 = arith.constant 2 : i32
      %swap3A_669 = arith.constant 1 : i32
      %swap3A_670 = arith.index_cast %swap3A_668 : i32 to index
      %swap3A_671 = arith.index_cast %swap3A_669 : i32 to index
      %swap3A_672 = arith.constant 0 : index
      %swap3A_673 = tpu.vector_load %arg7[%swap3A_670, %swap3A_671, %swap3A_672] {strides = array<i32>} : memref<5x2x128xi32, #tpu.memory_space<vmem>>, vector<1x1x16xi32>,
      %swap3A_674 = vector.shape_cast %swap3A_673 : vector<1x1x16xi32> to vector<16xi32>
      %swap3A_675 = vector.shape_cast %shift_right_logical3A_667 : vector<16xi32> to vector<1x1x16xi32>
      tpu.vector_store %arg7[%swap3A_670, %swap3A_671, %swap3A_672], %swap3A_675 {strides = array<i32>} : memref<5x2x128xi32, #tpu.memory_space<vmem>>, vector<1x1x16xi32>,
      %get3A_676 = arith.constant 2 : i32
      %get3A_677 = arith.index_cast %get3A_676 : i32 to index
      %get3A_678 = arith.constant 16 : index
      %get3A_679 = tpu.vector_load %arg6[%get3A_677, %get3A_678] {strides = array<i32>} : memref<5x128xi32, #tpu.memory_space<vmem>>, vector<1x16xi32>,
      %get3A_680 = vector.shape_cast %get3A_679 : vector<1x16xi32> to vector<16xi32>
      %and3A_681 = arith.constant 65535 : i32
      %and3A_682 = vector.broadcast %and3A_681 : i32 to vector<16xi32>
      %and3A_683 = arith.andi %get3A_680, %and3A_682 : vector<16xi32>
      %swap3A_684 = arith.constant 2 : i32
      %swap3A_685 = arith.constant 0 : i32
      %swap3A_686 = arith.index_cast %swap3A_684 : i32 to index
      %swap3A_687 = arith.index_cast %swap3A_685 : i32 to index
      %swap3A_688 = arith.constant 16 : index
      %swap3A_689 = tpu.vector_load %arg7[%swap3A_686, %swap3A_687, %swap3A_688] {strides = array<i32>} : memref<5x2x128xi32, #tpu.memory_space<vmem>>, vector<1x1x16xi32>,
      %swap3A_690 = vector.shape_cast %swap3A_689 : vector<1x1x16xi32> to vector<16xi32>
      %swap3A_691 = vector.shape_cast %and3A_683 : vector<16xi32> to vector<1x1x16xi32>
      tpu.vector_store %arg7[%swap3A_686, %swap3A_687, %swap3A_688], %swap3A_691 {strides = array<i32>} : memref<5x2x128xi32, #tpu.memory_space<vmem>>, vector<1x1x16xi32>,
      %shift_right_logical3A_692 = arith.constant 16 : i32
      %shift_right_logical3A_693 = vector.broadcast %shift_right_logical3A_692 : i32 to vector<16xi32>
      %shift_right_logical3A_694 = arith.shrui %get3A_680, %shift_right_logical3A_693 : vector<16xi32>
      %swap3A_695 = arith.constant 2 : i32
      %swap3A_696 = arith.constant 1 : i32
      %swap3A_697 = arith.index_cast %swap3A_695 : i32 to index
      %swap3A_698 = arith.index_cast %swap3A_696 : i32 to index
      %swap3A_699 = arith.constant 16 : index
      %swap3A_700 = tpu.vector_load %arg7[%swap3A_697, %swap3A_698, %swap3A_699] {strides = array<i32>} : memref<5x2x128xi32, #tpu.memory_space<vmem>>, vector<1x1x16xi32>,
      %swap3A_701 = vector.shape_cast %swap3A_700 : vector<1x1x16xi32> to vector<16xi32>
      %swap3A_702 = vector.shape_cast %shift_right_logical3A_694 : vector<16xi32> to vector<1x1x16xi32>
      tpu.vector_store %arg7[%swap3A_697, %swap3A_698, %swap3A_699], %swap3A_702 {strides = array<i32>} : memref<5x2x128xi32, #tpu.memory_space<vmem>>, vector<1x1x16xi32>,
      %get3A_703 = arith.constant 2 : i32
      %get3A_704 = arith.index_cast %get3A_703 : i32 to index
      %get3A_705 = arith.constant 32 : index
      %get3A_706 = tpu.vector_load %arg6[%get3A_704, %get3A_705] {strides = array<i32>} : memref<5x128xi32, #tpu.memory_space<vmem>>, vector<1x16xi32>,
      %get3A_707 = vector.shape_cast %get3A_706 : vector<1x16xi32> to vector<16xi32>
      %and3A_708 = arith.constant 65535 : i32
      %and3A_709 = vector.broadcast %and3A_708 : i32 to vector<16xi32>
      %and3A_710 = arith.andi %get3A_707, %and3A_709 : vector<16xi32>
      %swap3A_711 = arith.constant 2 : i32
      %swap3A_712 = arith.constant 0 : i32
      %swap3A_713 = arith.index_cast %swap3A_711 : i32 to index
      %swap3A_714 = arith.index_cast %swap3A_712 : i32 to index
      %swap3A_715 = arith.constant 32 : index
      %swap3A_716 = tpu.vector_load %arg7[%swap3A_713, %swap3A_714, %swap3A_715] {strides = array<i32>} : memref<5x2x128xi32, #tpu.memory_space<vmem>>, vector<1x1x16xi32>,
      %swap3A_717 = vector.shape_cast %swap3A_716 : vector<1x1x16xi32> to vector<16xi32>
      %swap3A_718 = vector.shape_cast %and3A_710 : vector<16xi32> to vector<1x1x16xi32>
      tpu.vector_store %arg7[%swap3A_713, %swap3A_714, %swap3A_715], %swap3A_718 {strides = array<i32>} : memref<5x2x128xi32, #tpu.memory_space<vmem>>, vector<1x1x16xi32>,
      %shift_right_logical3A_719 = arith.constant 16 : i32
      %shift_right_logical3A_720 = vector.broadcast %shift_right_logical3A_719 : i32 to vector<16xi32>
      %shift_right_logical3A_721 = arith.shrui %get3A_707, %shift_right_logical3A_720 : vector<16xi32>
      %swap3A_722 = arith.constant 2 : i32
      %swap3A_723 = arith.constant 1 : i32
      %swap3A_724 = arith.index_cast %swap3A_722 : i32 to index
      %swap3A_725 = arith.index_cast %swap3A_723 : i32 to index
      %swap3A_726 = arith.constant 32 : index
      %swap3A_727 = tpu.vector_load %arg7[%swap3A_724, %swap3A_725, %swap3A_726] {strides = array<i32>} : memref<5x2x128xi32, #tpu.memory_space<vmem>>, vector<1x1x16xi32>,
      %swap3A_728 = vector.shape_cast %swap3A_727 : vector<1x1x16xi32> to vector<16xi32>
      %swap3A_729 = vector.shape_cast %shift_right_logical3A_721 : vector<16xi32> to vector<1x1x16xi32>
      tpu.vector_store %arg7[%swap3A_724, %swap3A_725, %swap3A_726], %swap3A_729 {strides = array<i32>} : memref<5x2x128xi32, #tpu.memory_space<vmem>>, vector<1x1x16xi32>,
      %get3A_730 = arith.constant 2 : i32
      %get3A_731 = arith.index_cast %get3A_730 : i32 to index
      %get3A_732 = arith.constant 48 : index
      %get3A_733 = tpu.vector_load %arg6[%get3A_731, %get3A_732] {strides = array<i32>} : memref<5x128xi32, #tpu.memory_space<vmem>>, vector<1x16xi32>,
      %get3A_734 = vector.shape_cast %get3A_733 : vector<1x16xi32> to vector<16xi32>
      %and3A_735 = arith.constant 65535 : i32
      %and3A_736 = vector.broadcast %and3A_735 : i32 to vector<16xi32>
      %and3A_737 = arith.andi %get3A_734, %and3A_736 : vector<16xi32>
      %swap3A_738 = arith.constant 2 : i32
      %swap3A_739 = arith.constant 0 : i32
      %swap3A_740 = arith.index_cast %swap3A_738 : i32 to index
      %swap3A_741 = arith.index_cast %swap3A_739 : i32 to index
      %swap3A_742 = arith.constant 48 : index
      %swap3A_743 = tpu.vector_load %arg7[%swap3A_740, %swap3A_741, %swap3A_742] {strides = array<i32>} : memref<5x2x128xi32, #tpu.memory_space<vmem>>, vector<1x1x16xi32>,
      %swap3A_744 = vector.shape_cast %swap3A_743 : vector<1x1x16xi32> to vector<16xi32>
      %swap3A_745 = vector.shape_cast %and3A_737 : vector<16xi32> to vector<1x1x16xi32>
      tpu.vector_store %arg7[%swap3A_740, %swap3A_741, %swap3A_742], %swap3A_745 {strides = array<i32>} : memref<5x2x128xi32, #tpu.memory_space<vmem>>, vector<1x1x16xi32>,
      %shift_right_logical3A_746 = arith.constant 16 : i32
      %shift_right_logical3A_747 = vector.broadcast %shift_right_logical3A_746 : i32 to vector<16xi32>
      %shift_right_logical3A_748 = arith.shrui %get3A_734, %shift_right_logical3A_747 : vector<16xi32>
      %swap3A_749 = arith.constant 2 : i32
      %swap3A_750 = arith.constant 1 : i32
      %swap3A_751 = arith.index_cast %swap3A_749 : i32 to index
      %swap3A_752 = arith.index_cast %swap3A_750 : i32 to index
      %swap3A_753 = arith.constant 48 : index
      %swap3A_754 = tpu.vector_load %arg7[%swap3A_751, %swap3A_752, %swap3A_753] {strides = array<i32>} : memref<5x2x128xi32, #tpu.memory_space<vmem>>, vector<1x1x16xi32>,
      %swap3A_755 = vector.shape_cast %swap3A_754 : vector<1x1x16xi32> to vector<16xi32>
      %swap3A_756 = vector.shape_cast %shift_right_logical3A_748 : vector<16xi32> to vector<1x1x16xi32>
      tpu.vector_store %arg7[%swap3A_751, %swap3A_752, %swap3A_753], %swap3A_756 {strides = array<i32>} : memref<5x2x128xi32, #tpu.memory_space<vmem>>, vector<1x1x16xi32>,
      %get3A_757 = arith.constant 2 : i32
      %get3A_758 = arith.index_cast %get3A_757 : i32 to index
      %get3A_759 = arith.constant 64 : index
      %get3A_760 = tpu.vector_load %arg6[%get3A_758, %get3A_759] {strides = array<i32>} : memref<5x128xi32, #tpu.memory_space<vmem>>, vector<1x16xi32>,
      %get3A_761 = vector.shape_cast %get3A_760 : vector<1x16xi32> to vector<16xi32>
      %and3A_762 = arith.constant 65535 : i32
      %and3A_763 = vector.broadcast %and3A_762 : i32 to vector<16xi32>
      %and3A_764 = arith.andi %get3A_761, %and3A_763 : vector<16xi32>
      %swap3A_765 = arith.constant 2 : i32
      %swap3A_766 = arith.constant 0 : i32
      %swap3A_767 = arith.index_cast %swap3A_765 : i32 to index
      %swap3A_768 = arith.index_cast %swap3A_766 : i32 to index
      %swap3A_769 = arith.constant 64 : index
      %swap3A_770 = tpu.vector_load %arg7[%swap3A_767, %swap3A_768, %swap3A_769] {strides = array<i32>} : memref<5x2x128xi32, #tpu.memory_space<vmem>>, vector<1x1x16xi32>,
      %swap3A_771 = vector.shape_cast %swap3A_770 : vector<1x1x16xi32> to vector<16xi32>
      %swap3A_772 = vector.shape_cast %and3A_764 : vector<16xi32> to vector<1x1x16xi32>
      tpu.vector_store %arg7[%swap3A_767, %swap3A_768, %swap3A_769], %swap3A_772 {strides = array<i32>} : memref<5x2x128xi32, #tpu.memory_space<vmem>>, vector<1x1x16xi32>,
      %shift_right_logical3A_773 = arith.constant 16 : i32
      %shift_right_logical3A_774 = vector.broadcast %shift_right_logical3A_773 : i32 to vector<16xi32>
      %shift_right_logical3A_775 = arith.shrui %get3A_761, %shift_right_logical3A_774 : vector<16xi32>
      %swap3A_776 = arith.constant 2 : i32
      %swap3A_777 = arith.constant 1 : i32
      %swap3A_778 = arith.index_cast %swap3A_776 : i32 to index
      %swap3A_779 = arith.index_cast %swap3A_777 : i32 to index
      %swap3A_780 = arith.constant 64 : index
      %swap3A_781 = tpu.vector_load %arg7[%swap3A_778, %swap3A_779, %swap3A_780] {strides = array<i32>} : memref<5x2x128xi32, #tpu.memory_space<vmem>>, vector<1x1x16xi32>,
      %swap3A_782 = vector.shape_cast %swap3A_781 : vector<1x1x16xi32> to vector<16xi32>
      %swap3A_783 = vector.shape_cast %shift_right_logical3A_775 : vector<16xi32> to vector<1x1x16xi32>
      tpu.vector_store %arg7[%swap3A_778, %swap3A_779, %swap3A_780], %swap3A_783 {strides = array<i32>} : memref<5x2x128xi32, #tpu.memory_space<vmem>>, vector<1x1x16xi32>,
      %get3A_784 = arith.constant 2 : i32
      %get3A_785 = arith.index_cast %get3A_784 : i32 to index
      %get3A_786 = arith.constant 80 : index
      %get3A_787 = tpu.vector_load %arg6[%get3A_785, %get3A_786] {strides = array<i32>} : memref<5x128xi32, #tpu.memory_space<vmem>>, vector<1x16xi32>,
      %get3A_788 = vector.shape_cast %get3A_787 : vector<1x16xi32> to vector<16xi32>
      %and3A_789 = arith.constant 65535 : i32
      %and3A_790 = vector.broadcast %and3A_789 : i32 to vector<16xi32>
      %and3A_791 = arith.andi %get3A_788, %and3A_790 : vector<16xi32>
      %swap3A_792 = arith.constant 2 : i32
      %swap3A_793 = arith.constant 0 : i32
      %swap3A_794 = arith.index_cast %swap3A_792 : i32 to index
      %swap3A_795 = arith.index_cast %swap3A_793 : i32 to index
      %swap3A_796 = arith.constant 80 : index
      %swap3A_797 = tpu.vector_load %arg7[%swap3A_794, %swap3A_795, %swap3A_796] {strides = array<i32>} : memref<5x2x128xi32, #tpu.memory_space<vmem>>, vector<1x1x16xi32>,
      %swap3A_798 = vector.shape_cast %swap3A_797 : vector<1x1x16xi32> to vector<16xi32>
      %swap3A_799 = vector.shape_cast %and3A_791 : vector<16xi32> to vector<1x1x16xi32>
      tpu.vector_store %arg7[%swap3A_794, %swap3A_795, %swap3A_796], %swap3A_799 {strides = array<i32>} : memref<5x2x128xi32, #tpu.memory_space<vmem>>, vector<1x1x16xi32>,
      %shift_right_logical3A_800 = arith.constant 16 : i32
      %shift_right_logical3A_801 = vector.broadcast %shift_right_logical3A_800 : i32 to vector<16xi32>
      %shift_right_logical3A_802 = arith.shrui %get3A_788, %shift_right_logical3A_801 : vector<16xi32>
      %swap3A_803 = arith.constant 2 : i32
      %swap3A_804 = arith.constant 1 : i32
      %swap3A_805 = arith.index_cast %swap3A_803 : i32 to index
      %swap3A_806 = arith.index_cast %swap3A_804 : i32 to index
      %swap3A_807 = arith.constant 80 : index
      %swap3A_808 = tpu.vector_load %arg7[%swap3A_805, %swap3A_806, %swap3A_807] {strides = array<i32>} : memref<5x2x128xi32, #tpu.memory_space<vmem>>, vector<1x1x16xi32>,
      %swap3A_809 = vector.shape_cast %swap3A_808 : vector<1x1x16xi32> to vector<16xi32>
      %swap3A_810 = vector.shape_cast %shift_right_logical3A_802 : vector<16xi32> to vector<1x1x16xi32>
      tpu.vector_store %arg7[%swap3A_805, %swap3A_806, %swap3A_807], %swap3A_810 {strides = array<i32>} : memref<5x2x128xi32, #tpu.memory_space<vmem>>, vector<1x1x16xi32>,
      %get3A_811 = arith.constant 2 : i32
      %get3A_812 = arith.index_cast %get3A_811 : i32 to index
      %get3A_813 = arith.constant 96 : index
      %get3A_814 = tpu.vector_load %arg6[%get3A_812, %get3A_813] {strides = array<i32>} : memref<5x128xi32, #tpu.memory_space<vmem>>, vector<1x16xi32>,
      %get3A_815 = vector.shape_cast %get3A_814 : vector<1x16xi32> to vector<16xi32>
      %and3A_816 = arith.constant 65535 : i32
      %and3A_817 = vector.broadcast %and3A_816 : i32 to vector<16xi32>
      %and3A_818 = arith.andi %get3A_815, %and3A_817 : vector<16xi32>
      %swap3A_819 = arith.constant 2 : i32
      %swap3A_820 = arith.constant 0 : i32
      %swap3A_821 = arith.index_cast %swap3A_819 : i32 to index
      %swap3A_822 = arith.index_cast %swap3A_820 : i32 to index
      %swap3A_823 = arith.constant 96 : index
      %swap3A_824 = tpu.vector_load %arg7[%swap3A_821, %swap3A_822, %swap3A_823] {strides = array<i32>} : memref<5x2x128xi32, #tpu.memory_space<vmem>>, vector<1x1x16xi32>,
      %swap3A_825 = vector.shape_cast %swap3A_824 : vector<1x1x16xi32> to vector<16xi32>
      %swap3A_826 = vector.shape_cast %and3A_818 : vector<16xi32> to vector<1x1x16xi32>
      tpu.vector_store %arg7[%swap3A_821, %swap3A_822, %swap3A_823], %swap3A_826 {strides = array<i32>} : memref<5x2x128xi32, #tpu.memory_space<vmem>>, vector<1x1x16xi32>,
      %shift_right_logical3A_827 = arith.constant 16 : i32
      %shift_right_logical3A_828 = vector.broadcast %shift_right_logical3A_827 : i32 to vector<16xi32>
      %shift_right_logical3A_829 = arith.shrui %get3A_815, %shift_right_logical3A_828 : vector<16xi32>
      %swap3A_830 = arith.constant 2 : i32
      %swap3A_831 = arith.constant 1 : i32
      %swap3A_832 = arith.index_cast %swap3A_830 : i32 to index
      %swap3A_833 = arith.index_cast %swap3A_831 : i32 to index
      %swap3A_834 = arith.constant 96 : index
      %swap3A_835 = tpu.vector_load %arg7[%swap3A_832, %swap3A_833, %swap3A_834] {strides = array<i32>} : memref<5x2x128xi32, #tpu.memory_space<vmem>>, vector<1x1x16xi32>,
      %swap3A_836 = vector.shape_cast %swap3A_835 : vector<1x1x16xi32> to vector<16xi32>
      %swap3A_837 = vector.shape_cast %shift_right_logical3A_829 : vector<16xi32> to vector<1x1x16xi32>
      tpu.vector_store %arg7[%swap3A_832, %swap3A_833, %swap3A_834], %swap3A_837 {strides = array<i32>} : memref<5x2x128xi32, #tpu.memory_space<vmem>>, vector<1x1x16xi32>,
      %get3A_838 = arith.constant 2 : i32
      %get3A_839 = arith.index_cast %get3A_838 : i32 to index
      %get3A_840 = arith.constant 112 : index
      %get3A_841 = tpu.vector_load %arg6[%get3A_839, %get3A_840] {strides = array<i32>} : memref<5x128xi32, #tpu.memory_space<vmem>>, vector<1x16xi32>,
      %get3A_842 = vector.shape_cast %get3A_841 : vector<1x16xi32> to vector<16xi32>
      %and3A_843 = arith.constant 65535 : i32
      %and3A_844 = vector.broadcast %and3A_843 : i32 to vector<16xi32>
      %and3A_845 = arith.andi %get3A_842, %and3A_844 : vector<16xi32>
      %swap3A_846 = arith.constant 2 : i32
      %swap3A_847 = arith.constant 0 : i32
      %swap3A_848 = arith.index_cast %swap3A_846 : i32 to index
      %swap3A_849 = arith.index_cast %swap3A_847 : i32 to index
      %swap3A_850 = arith.constant 112 : index
      %swap3A_851 = tpu.vector_load %arg7[%swap3A_848, %swap3A_849, %swap3A_850] {strides = array<i32>} : memref<5x2x128xi32, #tpu.memory_space<vmem>>, vector<1x1x16xi32>,
      %swap3A_852 = vector.shape_cast %swap3A_851 : vector<1x1x16xi32> to vector<16xi32>
      %swap3A_853 = vector.shape_cast %and3A_845 : vector<16xi32> to vector<1x1x16xi32>
      tpu.vector_store %arg7[%swap3A_848, %swap3A_849, %swap3A_850], %swap3A_853 {strides = array<i32>} : memref<5x2x128xi32, #tpu.memory_space<vmem>>, vector<1x1x16xi32>,
      %shift_right_logical3A_854 = arith.constant 16 : i32
      %shift_right_logical3A_855 = vector.broadcast %shift_right_logical3A_854 : i32 to vector<16xi32>
      %shift_right_logical3A_856 = arith.shrui %get3A_842, %shift_right_logical3A_855 : vector<16xi32>
      %swap3A_857 = arith.constant 2 : i32
      %swap3A_858 = arith.constant 1 : i32
      %swap3A_859 = arith.index_cast %swap3A_857 : i32 to index
      %swap3A_860 = arith.index_cast %swap3A_858 : i32 to index
      %swap3A_861 = arith.constant 112 : index
      %swap3A_862 = tpu.vector_load %arg7[%swap3A_859, %swap3A_860, %swap3A_861] {strides = array<i32>} : memref<5x2x128xi32, #tpu.memory_space<vmem>>, vector<1x1x16xi32>,
      %swap3A_863 = vector.shape_cast %swap3A_862 : vector<1x1x16xi32> to vector<16xi32>
      %swap3A_864 = vector.shape_cast %shift_right_logical3A_856 : vector<16xi32> to vector<1x1x16xi32>
      tpu.vector_store %arg7[%swap3A_859, %swap3A_860, %swap3A_861], %swap3A_864 {strides = array<i32>} : memref<5x2x128xi32, #tpu.memory_space<vmem>>, vector<1x1x16xi32>,
      %dma_start3A_865 = arith.constant 2 : i32
      %dma_start3A_866 = arith.constant 0 : i32
      %dma_start3A_867 = arith.constant 0 : i32
      %dma_start3A_868 = tpu.memref_slice %arg7[%dma_start3A_865, %dma_start3A_866, %dma_start3A_867] : memref<5x2x128xi32, #tpu.memory_space<vmem>> -> memref<1x1x128xi32, #tpu.memory_space<vmem>>
      %dma_start3A_869 = tpu.memref_squeeze %dma_start3A_868 : memref<1x1x128xi32, #tpu.memory_space<vmem>> -> memref<128xi32, #tpu.memory_space<vmem>>
      %dma_start3A_870 = arith.constant 0 : i32
      %dma_start3A_871 = arith.constant 0 : i32
      %dma_start3A_872 = tpu.memref_slice %arg13[%dma_start3A_870, %dma_start3A_871] : memref<10000x64xf32, #tpu.memory_space<vmem_shared>> -> memref<10000x64xf32, #tpu.memory_space<vmem_shared>>
      tpu.enqueue_indirect_dma source(%dma_start3A_872 : memref<10000x64xf32, #tpu.memory_space<vmem_shared>>) target(%arg10 : memref<128x64xf32, #tpu.memory_space<vmem>>) offsets(%dma_start3A_869 : memref<128xi32, #tpu.memory_space<vmem>>) semaphore(%arg22 : memref<!tpu.dma_semaphore, #tpu.memory_space<semaphore_mem>>)
      %dma_wait3A_873 = arith.constant 0 : i32
      %dma_wait3A_874 = arith.constant 0 : i32
      %dma_wait3A_875 = arith.constant 0 : i32
      %dma_wait3A_876 = tpu.memref_slice %arg7[%dma_wait3A_873, %dma_wait3A_874, %dma_wait3A_875] : memref<5x2x128xi32, #tpu.memory_space<vmem>> -> memref<1x1x128xi32, #tpu.memory_space<vmem>>
      %dma_wait3A_877 = tpu.memref_squeeze %dma_wait3A_876 : memref<1x1x128xi32, #tpu.memory_space<vmem>> -> memref<128xi32, #tpu.memory_space<vmem>>
      %dma_wait3A_878 = arith.constant 0 : i32
      %dma_wait3A_879 = arith.constant 0 : i32
      %dma_wait3A_880 = tpu.memref_slice %arg13[%dma_wait3A_878, %dma_wait3A_879] : memref<10000x64xf32, #tpu.memory_space<vmem_shared>> -> memref<10000x64xf32, #tpu.memory_space<vmem_shared>>
      tpu.wait_indirect_dma semaphore(%arg20 : memref<!tpu.dma_semaphore, #tpu.memory_space<semaphore_mem>>) src(%dma_wait3A_880 : memref<10000x64xf32, #tpu.memory_space<vmem_shared>>) dst(%arg8 : memref<128x64xf32, #tpu.memory_space<vmem>>)
      %dma_start3A_881 = arith.constant 0 : i32
      %dma_start3A_882 = arith.constant 1 : i32
      %dma_start3A_883 = arith.constant 0 : i32
      %dma_start3A_884 = tpu.memref_slice %arg7[%dma_start3A_881, %dma_start3A_882, %dma_start3A_883] : memref<5x2x128xi32, #tpu.memory_space<vmem>> -> memref<1x1x128xi32, #tpu.memory_space<vmem>>
      %dma_start3A_885 = tpu.memref_squeeze %dma_start3A_884 : memref<1x1x128xi32, #tpu.memory_space<vmem>> -> memref<128xi32, #tpu.memory_space<vmem>>
      %dma_start3A_886 = arith.constant 0 : i32
      %dma_start3A_887 = arith.constant 0 : i32
      %dma_start3A_888 = tpu.memref_slice %arg14[%dma_start3A_886, %dma_start3A_887] : memref<10240x64xf32, #tpu.memory_space<vmem_shared>> -> memref<10240x64xf32, #tpu.memory_space<vmem_shared>>
      tpu.enqueue_indirect_dma source(%arg8 : memref<128x64xf32, #tpu.memory_space<vmem>>) target(%dma_start3A_888 : memref<10240x64xf32, #tpu.memory_space<vmem_shared>>) offsets(%dma_start3A_885 : memref<128xi32, #tpu.memory_space<vmem>>) semaphore(%arg25 : memref<!tpu.dma_semaphore, #tpu.memory_space<semaphore_mem>>) {add = true}
      %add3A_889 = arith.constant 1 : i32
      %add3A_890 = arith.addi %mul3A_613, %add3A_889 : i32
      %add3A_891 = arith.constant 2 : i32
      %add3A_892 = arith.addi %add3A_890, %add3A_891 : i32
      %add3A_893 = arith.constant 2 : i32
      %add3A_894 = arith.addi %add3A_892, %add3A_893 : i32
      %dma_start3A_895 = arith.constant 0 : i32
      %dma_start3A_896 = arith.constant 0 : i32
      %dma_start3A_897 = tpu.memref_slice %arg6[%dma_start3A_895, %dma_start3A_896] : memref<5x128xi32, #tpu.memory_space<vmem>> -> memref<1x128xi32, #tpu.memory_space<vmem>>
      %dma_start3A_898 = tpu.memref_squeeze %dma_start3A_897 : memref<1x128xi32, #tpu.memory_space<vmem>> -> memref<128xi32, #tpu.memory_space<vmem>>
      %dma_start3A_899 = arith.constant 0 : i32
      %dma_start3A_900 = tpu.memref_slice %arg3[%arg1, %add3A_894, %dma_start3A_899] : memref<16x164x128xi32, #tpu.memory_space<hbm>> -> memref<1x1x128xi32, #tpu.memory_space<hbm>>
      %dma_start3A_901 = tpu.memref_squeeze %dma_start3A_900 : memref<1x1x128xi32, #tpu.memory_space<hbm>> -> memref<128xi32, #tpu.memory_space<hbm>>
      %dma_start3A_902 = arith.constant 0 : i32
      %dma_start3A_903 = tpu.memref_slice %arg6[%dma_start3A_895, %dma_start3A_902] : memref<5x128xi32, #tpu.memory_space<vmem>> -> memref<1x128xi32, #tpu.memory_space<vmem>>
      %dma_start3A_904 = tpu.memref_squeeze %dma_start3A_903 : memref<1x128xi32, #tpu.memory_space<vmem>> -> memref<128xi32, #tpu.memory_space<vmem>>
      %dma_start3A_905 = arith.constant 0 : i32
      %dma_start3A_906 = tpu.memref_slice %arg3[%arg1, %add3A_894, %dma_start3A_905] : memref<16x164x128xi32, #tpu.memory_space<hbm>> -> memref<1x1x128xi32, #tpu.memory_space<hbm>>
      %dma_start3A_907 = tpu.memref_squeeze %dma_start3A_906 : memref<1x1x128xi32, #tpu.memory_space<hbm>> -> memref<128xi32, #tpu.memory_space<hbm>>
      tpu.enqueue_dma source(%dma_start3A_907 : memref<128xi32, #tpu.memory_space<hbm>>) target(%dma_start3A_904 : memref<128xi32, #tpu.memory_space<vmem>>) target_semaphore(%arg15 : memref<!tpu.dma_semaphore, #tpu.memory_space<semaphore_mem>>)
      %ge3A_908 = arith.constant 3 : i32
      %ge3A_909 = arith.cmpi sge, %add3A_890, %ge3A_908 : i32
      %convert_element_type3A_910 = arith.extui %ge3A_909 : i1 to i32
      %cond3A_911 = arith.constant 0 : i32
      %cond3A_912 = arith.cmpi ne, %convert_element_type3A_910, %cond3A_911 : i32
      scf.if %cond3A_912 {
        %dma_wait3A_2001 = arith.constant 3 : i32
        %dma_wait3A_2002 = arith.constant 1 : i32
        %dma_wait3A_2003 = arith.constant 0 : i32
        %dma_wait3A_2004 = tpu.memref_slice %arg7[%dma_wait3A_2001, %dma_wait3A_2002, %dma_wait3A_2003] : memref<5x2x128xi32, #tpu.memory_space<vmem>> -> memref<1x1x128xi32, #tpu.memory_space<vmem>>
        %dma_wait3A_2005 = tpu.memref_squeeze %dma_wait3A_2004 : memref<1x1x128xi32, #tpu.memory_space<vmem>> -> memref<128xi32, #tpu.memory_space<vmem>>
        %dma_wait3A_2006 = arith.constant 0 : i32
        %dma_wait3A_2007 = arith.constant 0 : i32
        %dma_wait3A_2008 = tpu.memref_slice %arg14[%dma_wait3A_2006, %dma_wait3A_2007] : memref<10240x64xf32, #tpu.memory_space<vmem_shared>> -> memref<10240x64xf32, #tpu.memory_space<vmem_shared>>
        tpu.wait_indirect_dma semaphore(%arg28 : memref<!tpu.dma_semaphore, #tpu.memory_space<semaphore_mem>>) src(%arg11 : memref<128x64xf32, #tpu.memory_space<vmem>>) dst(%dma_wait3A_2008 : memref<10240x64xf32, #tpu.memory_space<vmem_shared>>)
      } else {
      }
      %dma_wait3A_913 = arith.constant 0 : i32
      %dma_wait3A_914 = arith.constant 3 : i32
      %dma_wait3A_915 = arith.constant 0 : i32
      %dma_wait3A_916 = tpu.memref_slice %arg6[%dma_wait3A_914, %dma_wait3A_915] : memref<5x128xi32, #tpu.memory_space<vmem>> -> memref<1x128xi32, #tpu.memory_space<vmem>>
      %dma_wait3A_917 = tpu.memref_squeeze %dma_wait3A_916 : memref<1x128xi32, #tpu.memory_space<vmem>> -> memref<128xi32, #tpu.memory_space<vmem>>
      %dma_wait3A_918 = arith.constant 0 : i32
      %dma_wait3A_919 = tpu.memref_slice %arg3[%arg1, %dma_wait3A_913, %dma_wait3A_918] : memref<16x164x128xi32, #tpu.memory_space<hbm>> -> memref<1x1x128xi32, #tpu.memory_space<hbm>>
      %dma_wait3A_920 = tpu.memref_squeeze %dma_wait3A_919 : memref<1x1x128xi32, #tpu.memory_space<hbm>> -> memref<128xi32, #tpu.memory_space<hbm>>
      %dma_wait3A_921 = arith.constant 0 : i32
      %dma_wait3A_922 = tpu.memref_slice %arg6[%dma_wait3A_914, %dma_wait3A_921] : memref<5x128xi32, #tpu.memory_space<vmem>> -> memref<1x128xi32, #tpu.memory_space<vmem>>
      %dma_wait3A_923 = tpu.memref_squeeze %dma_wait3A_922 : memref<1x128xi32, #tpu.memory_space<vmem>> -> memref<128xi32, #tpu.memory_space<vmem>>
      %dma_wait3A_924 = arith.constant 0 : i32
      %dma_wait3A_925 = tpu.memref_slice %arg3[%arg1, %dma_wait3A_913, %dma_wait3A_924] : memref<16x164x128xi32, #tpu.memory_space<hbm>> -> memref<1x1x128xi32, #tpu.memory_space<hbm>>
      %dma_wait3A_926 = tpu.memref_squeeze %dma_wait3A_925 : memref<1x1x128xi32, #tpu.memory_space<hbm>> -> memref<128xi32, #tpu.memory_space<hbm>>
      tpu.wait_dma2 semaphore(%arg18 : memref<!tpu.dma_semaphore, #tpu.memory_space<semaphore_mem>>) src(%dma_wait3A_926 : memref<128xi32, #tpu.memory_space<hbm>>) dst(%dma_wait3A_923 : memref<128xi32, #tpu.memory_space<vmem>>)
      %get3A_927 = arith.constant 3 : i32
      %get3A_928 = arith.index_cast %get3A_927 : i32 to index
      %get3A_929 = arith.constant 0 : index
      %get3A_930 = tpu.vector_load %arg6[%get3A_928, %get3A_929] {strides = array<i32>} : memref<5x128xi32, #tpu.memory_space<vmem>>, vector<1x16xi32>,
      %get3A_931 = vector.shape_cast %get3A_930 : vector<1x16xi32> to vector<16xi32>
      %and3A_932 = arith.constant 65535 : i32
      %and3A_933 = vector.broadcast %and3A_932 : i32 to vector<16xi32>
      %and3A_934 = arith.andi %get3A_931, %and3A_933 : vector<16xi32>
      %swap3A_935 = arith.constant 3 : i32
      %swap3A_936 = arith.constant 0 : i32
      %swap3A_937 = arith.index_cast %swap3A_935 : i32 to index
      %swap3A_938 = arith.index_cast %swap3A_936 : i32 to index
      %swap3A_939 = arith.constant 0 : index
      %swap3A_940 = tpu.vector_load %arg7[%swap3A_937, %swap3A_938, %swap3A_939] {strides = array<i32>} : memref<5x2x128xi32, #tpu.memory_space<vmem>>, vector<1x1x16xi32>,
      %swap3A_941 = vector.shape_cast %swap3A_940 : vector<1x1x16xi32> to vector<16xi32>
      %swap3A_942 = vector.shape_cast %and3A_934 : vector<16xi32> to vector<1x1x16xi32>
      tpu.vector_store %arg7[%swap3A_937, %swap3A_938, %swap3A_939], %swap3A_942 {strides = array<i32>} : memref<5x2x128xi32, #tpu.memory_space<vmem>>, vector<1x1x16xi32>,
      %shift_right_logical3A_943 = arith.constant 16 : i32
      %shift_right_logical3A_944 = vector.broadcast %shift_right_logical3A_943 : i32 to vector<16xi32>
      %shift_right_logical3A_945 = arith.shrui %get3A_931, %shift_right_logical3A_944 : vector<16xi32>
      %swap3A_946 = arith.constant 3 : i32
      %swap3A_947 = arith.constant 1 : i32
      %swap3A_948 = arith.index_cast %swap3A_946 : i32 to index
      %swap3A_949 = arith.index_cast %swap3A_947 : i32 to index
      %swap3A_950 = arith.constant 0 : index
      %swap3A_951 = tpu.vector_load %arg7[%swap3A_948, %swap3A_949, %swap3A_950] {strides = array<i32>} : memref<5x2x128xi32, #tpu.memory_space<vmem>>, vector<1x1x16xi32>,
      %swap3A_952 = vector.shape_cast %swap3A_951 : vector<1x1x16xi32> to vector<16xi32>
      %swap3A_953 = vector.shape_cast %shift_right_logical3A_945 : vector<16xi32> to vector<1x1x16xi32>
      tpu.vector_store %arg7[%swap3A_948, %swap3A_949, %swap3A_950], %swap3A_953 {strides = array<i32>} : memref<5x2x128xi32, #tpu.memory_space<vmem>>, vector<1x1x16xi32>,
      %get3A_954 = arith.constant 3 : i32
      %get3A_955 = arith.index_cast %get3A_954 : i32 to index
      %get3A_956 = arith.constant 16 : index
      %get3A_957 = tpu.vector_load %arg6[%get3A_955, %get3A_956] {strides = array<i32>} : memref<5x128xi32, #tpu.memory_space<vmem>>, vector<1x16xi32>,
      %get3A_958 = vector.shape_cast %get3A_957 : vector<1x16xi32> to vector<16xi32>
      %and3A_959 = arith.constant 65535 : i32
      %and3A_960 = vector.broadcast %and3A_959 : i32 to vector<16xi32>
      %and3A_961 = arith.andi %get3A_958, %and3A_960 : vector<16xi32>
      %swap3A_962 = arith.constant 3 : i32
      %swap3A_963 = arith.constant 0 : i32
      %swap3A_964 = arith.index_cast %swap3A_962 : i32 to index
      %swap3A_965 = arith.index_cast %swap3A_963 : i32 to index
      %swap3A_966 = arith.constant 16 : index
      %swap3A_967 = tpu.vector_load %arg7[%swap3A_964, %swap3A_965, %swap3A_966] {strides = array<i32>} : memref<5x2x128xi32, #tpu.memory_space<vmem>>, vector<1x1x16xi32>,
      %swap3A_968 = vector.shape_cast %swap3A_967 : vector<1x1x16xi32> to vector<16xi32>
      %swap3A_969 = vector.shape_cast %and3A_961 : vector<16xi32> to vector<1x1x16xi32>
      tpu.vector_store %arg7[%swap3A_964, %swap3A_965, %swap3A_966], %swap3A_969 {strides = array<i32>} : memref<5x2x128xi32, #tpu.memory_space<vmem>>, vector<1x1x16xi32>,
      %shift_right_logical3A_970 = arith.constant 16 : i32
      %shift_right_logical3A_971 = vector.broadcast %shift_right_logical3A_970 : i32 to vector<16xi32>
      %shift_right_logical3A_972 = arith.shrui %get3A_958, %shift_right_logical3A_971 : vector<16xi32>
      %swap3A_973 = arith.constant 3 : i32
      %swap3A_974 = arith.constant 1 : i32
      %swap3A_975 = arith.index_cast %swap3A_973 : i32 to index
      %swap3A_976 = arith.index_cast %swap3A_974 : i32 to index
      %swap3A_977 = arith.constant 16 : index
      %swap3A_978 = tpu.vector_load %arg7[%swap3A_975, %swap3A_976, %swap3A_977] {strides = array<i32>} : memref<5x2x128xi32, #tpu.memory_space<vmem>>, vector<1x1x16xi32>,
      %swap3A_979 = vector.shape_cast %swap3A_978 : vector<1x1x16xi32> to vector<16xi32>
      %swap3A_980 = vector.shape_cast %shift_right_logical3A_972 : vector<16xi32> to vector<1x1x16xi32>
      tpu.vector_store %arg7[%swap3A_975, %swap3A_976, %swap3A_977], %swap3A_980 {strides = array<i32>} : memref<5x2x128xi32, #tpu.memory_space<vmem>>, vector<1x1x16xi32>,
      %get3A_981 = arith.constant 3 : i32
      %get3A_982 = arith.index_cast %get3A_981 : i32 to index
      %get3A_983 = arith.constant 32 : index
      %get3A_984 = tpu.vector_load %arg6[%get3A_982, %get3A_983] {strides = array<i32>} : memref<5x128xi32, #tpu.memory_space<vmem>>, vector<1x16xi32>,
      %get3A_985 = vector.shape_cast %get3A_984 : vector<1x16xi32> to vector<16xi32>
      %and3A_986 = arith.constant 65535 : i32
      %and3A_987 = vector.broadcast %and3A_986 : i32 to vector<16xi32>
      %and3A_988 = arith.andi %get3A_985, %and3A_987 : vector<16xi32>
      %swap3A_989 = arith.constant 3 : i32
      %swap3A_990 = arith.constant 0 : i32
      %swap3A_991 = arith.index_cast %swap3A_989 : i32 to index
      %swap3A_992 = arith.index_cast %swap3A_990 : i32 to index
      %swap3A_993 = arith.constant 32 : index
      %swap3A_994 = tpu.vector_load %arg7[%swap3A_991, %swap3A_992, %swap3A_993] {strides = array<i32>} : memref<5x2x128xi32, #tpu.memory_space<vmem>>, vector<1x1x16xi32>,
      %swap3A_995 = vector.shape_cast %swap3A_994 : vector<1x1x16xi32> to vector<16xi32>
      %swap3A_996 = vector.shape_cast %and3A_988 : vector<16xi32> to vector<1x1x16xi32>
      tpu.vector_store %arg7[%swap3A_991, %swap3A_992, %swap3A_993], %swap3A_996 {strides = array<i32>} : memref<5x2x128xi32, #tpu.memory_space<vmem>>, vector<1x1x16xi32>,
      %shift_right_logical3A_997 = arith.constant 16 : i32
      %shift_right_logical3A_998 = vector.broadcast %shift_right_logical3A_997 : i32 to vector<16xi32>
      %shift_right_logical3A_999 = arith.shrui %get3A_985, %shift_right_logical3A_998 : vector<16xi32>
      %swap3A_1000 = arith.constant 3 : i32
      %swap3A_1001 = arith.constant 1 : i32
      %swap3A_1002 = arith.index_cast %swap3A_1000 : i32 to index
      %swap3A_1003 = arith.index_cast %swap3A_1001 : i32 to index
      %swap3A_1004 = arith.constant 32 : index
      %swap3A_1005 = tpu.vector_load %arg7[%swap3A_1002, %swap3A_1003, %swap3A_1004] {strides = array<i32>} : memref<5x2x128xi32, #tpu.memory_space<vmem>>, vector<1x1x16xi32>,
      %swap3A_1006 = vector.shape_cast %swap3A_1005 : vector<1x1x16xi32> to vector<16xi32>
      %swap3A_1007 = vector.shape_cast %shift_right_logical3A_999 : vector<16xi32> to vector<1x1x16xi32>
      tpu.vector_store %arg7[%swap3A_1002, %swap3A_1003, %swap3A_1004], %swap3A_1007 {strides = array<i32>} : memref<5x2x128xi32, #tpu.memory_space<vmem>>, vector<1x1x16xi32>,
      %get3A_1008 = arith.constant 3 : i32
      %get3A_1009 = arith.index_cast %get3A_1008 : i32 to index
      %get3A_1010 = arith.constant 48 : index
      %get3A_1011 = tpu.vector_load %arg6[%get3A_1009, %get3A_1010] {strides = array<i32>} : memref<5x128xi32, #tpu.memory_space<vmem>>, vector<1x16xi32>,
      %get3A_1012 = vector.shape_cast %get3A_1011 : vector<1x16xi32> to vector<16xi32>
      %and3A_1013 = arith.constant 65535 : i32
      %and3A_1014 = vector.broadcast %and3A_1013 : i32 to vector<16xi32>
      %and3A_1015 = arith.andi %get3A_1012, %and3A_1014 : vector<16xi32>
      %swap3A_1016 = arith.constant 3 : i32
      %swap3A_1017 = arith.constant 0 : i32
      %swap3A_1018 = arith.index_cast %swap3A_1016 : i32 to index
      %swap3A_1019 = arith.index_cast %swap3A_1017 : i32 to index
      %swap3A_1020 = arith.constant 48 : index
      %swap3A_1021 = tpu.vector_load %arg7[%swap3A_1018, %swap3A_1019, %swap3A_1020] {strides = array<i32>} : memref<5x2x128xi32, #tpu.memory_space<vmem>>, vector<1x1x16xi32>,
      %swap3A_1022 = vector.shape_cast %swap3A_1021 : vector<1x1x16xi32> to vector<16xi32>
      %swap3A_1023 = vector.shape_cast %and3A_1015 : vector<16xi32> to vector<1x1x16xi32>
      tpu.vector_store %arg7[%swap3A_1018, %swap3A_1019, %swap3A_1020], %swap3A_1023 {strides = array<i32>} : memref<5x2x128xi32, #tpu.memory_space<vmem>>, vector<1x1x16xi32>,
      %shift_right_logical3A_1024 = arith.constant 16 : i32
      %shift_right_logical3A_1025 = vector.broadcast %shift_right_logical3A_1024 : i32 to vector<16xi32>
      %shift_right_logical3A_1026 = arith.shrui %get3A_1012, %shift_right_logical3A_1025 : vector<16xi32>
      %swap3A_1027 = arith.constant 3 : i32
      %swap3A_1028 = arith.constant 1 : i32
      %swap3A_1029 = arith.index_cast %swap3A_1027 : i32 to index
      %swap3A_1030 = arith.index_cast %swap3A_1028 : i32 to index
      %swap3A_1031 = arith.constant 48 : index
      %swap3A_1032 = tpu.vector_load %arg7[%swap3A_1029, %swap3A_1030, %swap3A_1031] {strides = array<i32>} : memref<5x2x128xi32, #tpu.memory_space<vmem>>, vector<1x1x16xi32>,
      %swap3A_1033 = vector.shape_cast %swap3A_1032 : vector<1x1x16xi32> to vector<16xi32>
      %swap3A_1034 = vector.shape_cast %shift_right_logical3A_1026 : vector<16xi32> to vector<1x1x16xi32>
      tpu.vector_store %arg7[%swap3A_1029, %swap3A_1030, %swap3A_1031], %swap3A_1034 {strides = array<i32>} : memref<5x2x128xi32, #tpu.memory_space<vmem>>, vector<1x1x16xi32>,
      %get3A_1035 = arith.constant 3 : i32
      %get3A_1036 = arith.index_cast %get3A_1035 : i32 to index
      %get3A_1037 = arith.constant 64 : index
      %get3A_1038 = tpu.vector_load %arg6[%get3A_1036, %get3A_1037] {strides = array<i32>} : memref<5x128xi32, #tpu.memory_space<vmem>>, vector<1x16xi32>,
      %get3A_1039 = vector.shape_cast %get3A_1038 : vector<1x16xi32> to vector<16xi32>
      %and3A_1040 = arith.constant 65535 : i32
      %and3A_1041 = vector.broadcast %and3A_1040 : i32 to vector<16xi32>
      %and3A_1042 = arith.andi %get3A_1039, %and3A_1041 : vector<16xi32>
      %swap3A_1043 = arith.constant 3 : i32
      %swap3A_1044 = arith.constant 0 : i32
      %swap3A_1045 = arith.index_cast %swap3A_1043 : i32 to index
      %swap3A_1046 = arith.index_cast %swap3A_1044 : i32 to index
      %swap3A_1047 = arith.constant 64 : index
      %swap3A_1048 = tpu.vector_load %arg7[%swap3A_1045, %swap3A_1046, %swap3A_1047] {strides = array<i32>} : memref<5x2x128xi32, #tpu.memory_space<vmem>>, vector<1x1x16xi32>,
      %swap3A_1049 = vector.shape_cast %swap3A_1048 : vector<1x1x16xi32> to vector<16xi32>
      %swap3A_1050 = vector.shape_cast %and3A_1042 : vector<16xi32> to vector<1x1x16xi32>
      tpu.vector_store %arg7[%swap3A_1045, %swap3A_1046, %swap3A_1047], %swap3A_1050 {strides = array<i32>} : memref<5x2x128xi32, #tpu.memory_space<vmem>>, vector<1x1x16xi32>,
      %shift_right_logical3A_1051 = arith.constant 16 : i32
      %shift_right_logical3A_1052 = vector.broadcast %shift_right_logical3A_1051 : i32 to vector<16xi32>
      %shift_right_logical3A_1053 = arith.shrui %get3A_1039, %shift_right_logical3A_1052 : vector<16xi32>
      %swap3A_1054 = arith.constant 3 : i32
      %swap3A_1055 = arith.constant 1 : i32
      %swap3A_1056 = arith.index_cast %swap3A_1054 : i32 to index
      %swap3A_1057 = arith.index_cast %swap3A_1055 : i32 to index
      %swap3A_1058 = arith.constant 64 : index
      %swap3A_1059 = tpu.vector_load %arg7[%swap3A_1056, %swap3A_1057, %swap3A_1058] {strides = array<i32>} : memref<5x2x128xi32, #tpu.memory_space<vmem>>, vector<1x1x16xi32>,
      %swap3A_1060 = vector.shape_cast %swap3A_1059 : vector<1x1x16xi32> to vector<16xi32>
      %swap3A_1061 = vector.shape_cast %shift_right_logical3A_1053 : vector<16xi32> to vector<1x1x16xi32>
      tpu.vector_store %arg7[%swap3A_1056, %swap3A_1057, %swap3A_1058], %swap3A_1061 {strides = array<i32>} : memref<5x2x128xi32, #tpu.memory_space<vmem>>, vector<1x1x16xi32>,
      %get3A_1062 = arith.constant 3 : i32
      %get3A_1063 = arith.index_cast %get3A_1062 : i32 to index
      %get3A_1064 = arith.constant 80 : index
      %get3A_1065 = tpu.vector_load %arg6[%get3A_1063, %get3A_1064] {strides = array<i32>} : memref<5x128xi32, #tpu.memory_space<vmem>>, vector<1x16xi32>,
      %get3A_1066 = vector.shape_cast %get3A_1065 : vector<1x16xi32> to vector<16xi32>
      %and3A_1067 = arith.constant 65535 : i32
      %and3A_1068 = vector.broadcast %and3A_1067 : i32 to vector<16xi32>
      %and3A_1069 = arith.andi %get3A_1066, %and3A_1068 : vector<16xi32>
      %swap3A_1070 = arith.constant 3 : i32
      %swap3A_1071 = arith.constant 0 : i32
      %swap3A_1072 = arith.index_cast %swap3A_1070 : i32 to index
      %swap3A_1073 = arith.index_cast %swap3A_1071 : i32 to index
      %swap3A_1074 = arith.constant 80 : index
      %swap3A_1075 = tpu.vector_load %arg7[%swap3A_1072, %swap3A_1073, %swap3A_1074] {strides = array<i32>} : memref<5x2x128xi32, #tpu.memory_space<vmem>>, vector<1x1x16xi32>,
      %swap3A_1076 = vector.shape_cast %swap3A_1075 : vector<1x1x16xi32> to vector<16xi32>
      %swap3A_1077 = vector.shape_cast %and3A_1069 : vector<16xi32> to vector<1x1x16xi32>
      tpu.vector_store %arg7[%swap3A_1072, %swap3A_1073, %swap3A_1074], %swap3A_1077 {strides = array<i32>} : memref<5x2x128xi32, #tpu.memory_space<vmem>>, vector<1x1x16xi32>,
      %shift_right_logical3A_1078 = arith.constant 16 : i32
      %shift_right_logical3A_1079 = vector.broadcast %shift_right_logical3A_1078 : i32 to vector<16xi32>
      %shift_right_logical3A_1080 = arith.shrui %get3A_1066, %shift_right_logical3A_1079 : vector<16xi32>
      %swap3A_1081 = arith.constant 3 : i32
      %swap3A_1082 = arith.constant 1 : i32
      %swap3A_1083 = arith.index_cast %swap3A_1081 : i32 to index
      %swap3A_1084 = arith.index_cast %swap3A_1082 : i32 to index
      %swap3A_1085 = arith.constant 80 : index
      %swap3A_1086 = tpu.vector_load %arg7[%swap3A_1083, %swap3A_1084, %swap3A_1085] {strides = array<i32>} : memref<5x2x128xi32, #tpu.memory_space<vmem>>, vector<1x1x16xi32>,
      %swap3A_1087 = vector.shape_cast %swap3A_1086 : vector<1x1x16xi32> to vector<16xi32>
      %swap3A_1088 = vector.shape_cast %shift_right_logical3A_1080 : vector<16xi32> to vector<1x1x16xi32>
      tpu.vector_store %arg7[%swap3A_1083, %swap3A_1084, %swap3A_1085], %swap3A_1088 {strides = array<i32>} : memref<5x2x128xi32, #tpu.memory_space<vmem>>, vector<1x1x16xi32>,
      %get3A_1089 = arith.constant 3 : i32
      %get3A_1090 = arith.index_cast %get3A_1089 : i32 to index
      %get3A_1091 = arith.constant 96 : index
      %get3A_1092 = tpu.vector_load %arg6[%get3A_1090, %get3A_1091] {strides = array<i32>} : memref<5x128xi32, #tpu.memory_space<vmem>>, vector<1x16xi32>,
      %get3A_1093 = vector.shape_cast %get3A_1092 : vector<1x16xi32> to vector<16xi32>
      %and3A_1094 = arith.constant 65535 : i32
      %and3A_1095 = vector.broadcast %and3A_1094 : i32 to vector<16xi32>
      %and3A_1096 = arith.andi %get3A_1093, %and3A_1095 : vector<16xi32>
      %swap3A_1097 = arith.constant 3 : i32
      %swap3A_1098 = arith.constant 0 : i32
      %swap3A_1099 = arith.index_cast %swap3A_1097 : i32 to index
      %swap3A_1100 = arith.index_cast %swap3A_1098 : i32 to index
      %swap3A_1101 = arith.constant 96 : index
      %swap3A_1102 = tpu.vector_load %arg7[%swap3A_1099, %swap3A_1100, %swap3A_1101] {strides = array<i32>} : memref<5x2x128xi32, #tpu.memory_space<vmem>>, vector<1x1x16xi32>,
      %swap3A_1103 = vector.shape_cast %swap3A_1102 : vector<1x1x16xi32> to vector<16xi32>
      %swap3A_1104 = vector.shape_cast %and3A_1096 : vector<16xi32> to vector<1x1x16xi32>
      tpu.vector_store %arg7[%swap3A_1099, %swap3A_1100, %swap3A_1101], %swap3A_1104 {strides = array<i32>} : memref<5x2x128xi32, #tpu.memory_space<vmem>>, vector<1x1x16xi32>,
      %shift_right_logical3A_1105 = arith.constant 16 : i32
      %shift_right_logical3A_1106 = vector.broadcast %shift_right_logical3A_1105 : i32 to vector<16xi32>
      %shift_right_logical3A_1107 = arith.shrui %get3A_1093, %shift_right_logical3A_1106 : vector<16xi32>
      %swap3A_1108 = arith.constant 3 : i32
      %swap3A_1109 = arith.constant 1 : i32
      %swap3A_1110 = arith.index_cast %swap3A_1108 : i32 to index
      %swap3A_1111 = arith.index_cast %swap3A_1109 : i32 to index
      %swap3A_1112 = arith.constant 96 : index
      %swap3A_1113 = tpu.vector_load %arg7[%swap3A_1110, %swap3A_1111, %swap3A_1112] {strides = array<i32>} : memref<5x2x128xi32, #tpu.memory_space<vmem>>, vector<1x1x16xi32>,
      %swap3A_1114 = vector.shape_cast %swap3A_1113 : vector<1x1x16xi32> to vector<16xi32>
      %swap3A_1115 = vector.shape_cast %shift_right_logical3A_1107 : vector<16xi32> to vector<1x1x16xi32>
      tpu.vector_store %arg7[%swap3A_1110, %swap3A_1111, %swap3A_1112], %swap3A_1115 {strides = array<i32>} : memref<5x2x128xi32, #tpu.memory_space<vmem>>, vector<1x1x16xi32>,
      %get3A_1116 = arith.constant 3 : i32
      %get3A_1117 = arith.index_cast %get3A_1116 : i32 to index
      %get3A_1118 = arith.constant 112 : index
      %get3A_1119 = tpu.vector_load %arg6[%get3A_1117, %get3A_1118] {strides = array<i32>} : memref<5x128xi32, #tpu.memory_space<vmem>>, vector<1x16xi32>,
      %get3A_1120 = vector.shape_cast %get3A_1119 : vector<1x16xi32> to vector<16xi32>
      %and3A_1121 = arith.constant 65535 : i32
      %and3A_1122 = vector.broadcast %and3A_1121 : i32 to vector<16xi32>
      %and3A_1123 = arith.andi %get3A_1120, %and3A_1122 : vector<16xi32>
      %swap3A_1124 = arith.constant 3 : i32
      %swap3A_1125 = arith.constant 0 : i32
      %swap3A_1126 = arith.index_cast %swap3A_1124 : i32 to index
      %swap3A_1127 = arith.index_cast %swap3A_1125 : i32 to index
      %swap3A_1128 = arith.constant 112 : index
      %swap3A_1129 = tpu.vector_load %arg7[%swap3A_1126, %swap3A_1127, %swap3A_1128] {strides = array<i32>} : memref<5x2x128xi32, #tpu.memory_space<vmem>>, vector<1x1x16xi32>,
      %swap3A_1130 = vector.shape_cast %swap3A_1129 : vector<1x1x16xi32> to vector<16xi32>
      %swap3A_1131 = vector.shape_cast %and3A_1123 : vector<16xi32> to vector<1x1x16xi32>
      tpu.vector_store %arg7[%swap3A_1126, %swap3A_1127, %swap3A_1128], %swap3A_1131 {strides = array<i32>} : memref<5x2x128xi32, #tpu.memory_space<vmem>>, vector<1x1x16xi32>,
      %shift_right_logical3A_1132 = arith.constant 16 : i32
      %shift_right_logical3A_1133 = vector.broadcast %shift_right_logical3A_1132 : i32 to vector<16xi32>
      %shift_right_logical3A_1134 = arith.shrui %get3A_1120, %shift_right_logical3A_1133 : vector<16xi32>
      %swap3A_1135 = arith.constant 3 : i32
      %swap3A_1136 = arith.constant 1 : i32
      %swap3A_1137 = arith.index_cast %swap3A_1135 : i32 to index
      %swap3A_1138 = arith.index_cast %swap3A_1136 : i32 to index
      %swap3A_1139 = arith.constant 112 : index
      %swap3A_1140 = tpu.vector_load %arg7[%swap3A_1137, %swap3A_1138, %swap3A_1139] {strides = array<i32>} : memref<5x2x128xi32, #tpu.memory_space<vmem>>, vector<1x1x16xi32>,
      %swap3A_1141 = vector.shape_cast %swap3A_1140 : vector<1x1x16xi32> to vector<16xi32>
      %swap3A_1142 = vector.shape_cast %shift_right_logical3A_1134 : vector<16xi32> to vector<1x1x16xi32>
      tpu.vector_store %arg7[%swap3A_1137, %swap3A_1138, %swap3A_1139], %swap3A_1142 {strides = array<i32>} : memref<5x2x128xi32, #tpu.memory_space<vmem>>, vector<1x1x16xi32>,
      %dma_start3A_1143 = arith.constant 3 : i32
      %dma_start3A_1144 = arith.constant 0 : i32
      %dma_start3A_1145 = arith.constant 0 : i32
      %dma_start3A_1146 = tpu.memref_slice %arg7[%dma_start3A_1143, %dma_start3A_1144, %dma_start3A_1145] : memref<5x2x128xi32, #tpu.memory_space<vmem>> -> memref<1x1x128xi32, #tpu.memory_space<vmem>>
      %dma_start3A_1147 = tpu.memref_squeeze %dma_start3A_1146 : memref<1x1x128xi32, #tpu.memory_space<vmem>> -> memref<128xi32, #tpu.memory_space<vmem>>
      %dma_start3A_1148 = arith.constant 0 : i32
      %dma_start3A_1149 = arith.constant 0 : i32
      %dma_start3A_1150 = tpu.memref_slice %arg13[%dma_start3A_1148, %dma_start3A_1149] : memref<10000x64xf32, #tpu.memory_space<vmem_shared>> -> memref<10000x64xf32, #tpu.memory_space<vmem_shared>>
      tpu.enqueue_indirect_dma source(%dma_start3A_1150 : memref<10000x64xf32, #tpu.memory_space<vmem_shared>>) target(%arg11 : memref<128x64xf32, #tpu.memory_space<vmem>>) offsets(%dma_start3A_1147 : memref<128xi32, #tpu.memory_space<vmem>>) semaphore(%arg23 : memref<!tpu.dma_semaphore, #tpu.memory_space<semaphore_mem>>)
      %dma_wait3A_1151 = arith.constant 1 : i32
      %dma_wait3A_1152 = arith.constant 0 : i32
      %dma_wait3A_1153 = arith.constant 0 : i32
      %dma_wait3A_1154 = tpu.memref_slice %arg7[%dma_wait3A_1151, %dma_wait3A_1152, %dma_wait3A_1153] : memref<5x2x128xi32, #tpu.memory_space<vmem>> -> memref<1x1x128xi32, #tpu.memory_space<vmem>>
      %dma_wait3A_1155 = tpu.memref_squeeze %dma_wait3A_1154 : memref<1x1x128xi32, #tpu.memory_space<vmem>> -> memref<128xi32, #tpu.memory_space<vmem>>
      %dma_wait3A_1156 = arith.constant 0 : i32
      %dma_wait3A_1157 = arith.constant 0 : i32
      %dma_wait3A_1158 = tpu.memref_slice %arg13[%dma_wait3A_1156, %dma_wait3A_1157] : memref<10000x64xf32, #tpu.memory_space<vmem_shared>> -> memref<10000x64xf32, #tpu.memory_space<vmem_shared>>
      tpu.wait_indirect_dma semaphore(%arg21 : memref<!tpu.dma_semaphore, #tpu.memory_space<semaphore_mem>>) src(%dma_wait3A_1158 : memref<10000x64xf32, #tpu.memory_space<vmem_shared>>) dst(%arg9 : memref<128x64xf32, #tpu.memory_space<vmem>>)
      %dma_start3A_1159 = arith.constant 1 : i32
      %dma_start3A_1160 = arith.constant 1 : i32
      %dma_start3A_1161 = arith.constant 0 : i32
      %dma_start3A_1162 = tpu.memref_slice %arg7[%dma_start3A_1159, %dma_start3A_1160, %dma_start3A_1161] : memref<5x2x128xi32, #tpu.memory_space<vmem>> -> memref<1x1x128xi32, #tpu.memory_space<vmem>>
      %dma_start3A_1163 = tpu.memref_squeeze %dma_start3A_1162 : memref<1x1x128xi32, #tpu.memory_space<vmem>> -> memref<128xi32, #tpu.memory_space<vmem>>
      %dma_start3A_1164 = arith.constant 0 : i32
      %dma_start3A_1165 = arith.constant 0 : i32
      %dma_start3A_1166 = tpu.memref_slice %arg14[%dma_start3A_1164, %dma_start3A_1165] : memref<10240x64xf32, #tpu.memory_space<vmem_shared>> -> memref<10240x64xf32, #tpu.memory_space<vmem_shared>>
      tpu.enqueue_indirect_dma source(%arg9 : memref<128x64xf32, #tpu.memory_space<vmem>>) target(%dma_start3A_1166 : memref<10240x64xf32, #tpu.memory_space<vmem_shared>>) offsets(%dma_start3A_1163 : memref<128xi32, #tpu.memory_space<vmem>>) semaphore(%arg26 : memref<!tpu.dma_semaphore, #tpu.memory_space<semaphore_mem>>) {add = true}
      %add3A_1167 = arith.constant 2 : i32
      %add3A_1168 = arith.addi %mul3A_613, %add3A_1167 : i32
      %add3A_1169 = arith.constant 2 : i32
      %add3A_1170 = arith.addi %add3A_1168, %add3A_1169 : i32
      %add3A_1171 = arith.constant 2 : i32
      %add3A_1172 = arith.addi %add3A_1170, %add3A_1171 : i32
      %dma_start3A_1173 = arith.constant 1 : i32
      %dma_start3A_1174 = arith.constant 0 : i32
      %dma_start3A_1175 = tpu.memref_slice %arg6[%dma_start3A_1173, %dma_start3A_1174] : memref<5x128xi32, #tpu.memory_space<vmem>> -> memref<1x128xi32, #tpu.memory_space<vmem>>
      %dma_start3A_1176 = tpu.memref_squeeze %dma_start3A_1175 : memref<1x128xi32, #tpu.memory_space<vmem>> -> memref<128xi32, #tpu.memory_space<vmem>>
      %dma_start3A_1177 = arith.constant 0 : i32
      %dma_start3A_1178 = tpu.memref_slice %arg3[%arg1, %add3A_1172, %dma_start3A_1177] : memref<16x164x128xi32, #tpu.memory_space<hbm>> -> memref<1x1x128xi32, #tpu.memory_space<hbm>>
      %dma_start3A_1179 = tpu.memref_squeeze %dma_start3A_1178 : memref<1x1x128xi32, #tpu.memory_space<hbm>> -> memref<128xi32, #tpu.memory_space<hbm>>
      %dma_start3A_1180 = arith.constant 0 : i32
      %dma_start3A_1181 = tpu.memref_slice %arg6[%dma_start3A_1173, %dma_start3A_1180] : memref<5x128xi32, #tpu.memory_space<vmem>> -> memref<1x128xi32, #tpu.memory_space<vmem>>
      %dma_start3A_1182 = tpu.memref_squeeze %dma_start3A_1181 : memref<1x128xi32, #tpu.memory_space<vmem>> -> memref<128xi32, #tpu.memory_space<vmem>>
      %dma_start3A_1183 = arith.constant 0 : i32
      %dma_start3A_1184 = tpu.memref_slice %arg3[%arg1, %add3A_1172, %dma_start3A_1183] : memref<16x164x128xi32, #tpu.memory_space<hbm>> -> memref<1x1x128xi32, #tpu.memory_space<hbm>>
      %dma_start3A_1185 = tpu.memref_squeeze %dma_start3A_1184 : memref<1x1x128xi32, #tpu.memory_space<hbm>> -> memref<128xi32, #tpu.memory_space<hbm>>
      tpu.enqueue_dma source(%dma_start3A_1185 : memref<128xi32, #tpu.memory_space<hbm>>) target(%dma_start3A_1182 : memref<128xi32, #tpu.memory_space<vmem>>) target_semaphore(%arg16 : memref<!tpu.dma_semaphore, #tpu.memory_space<semaphore_mem>>)
      %ge3A_1186 = arith.constant 3 : i32
      %ge3A_1187 = arith.cmpi sge, %add3A_1168, %ge3A_1186 : i32
      %convert_element_type3A_1188 = arith.extui %ge3A_1187 : i1 to i32
      %cond3A_1189 = arith.constant 0 : i32
      %cond3A_1190 = arith.cmpi ne, %convert_element_type3A_1188, %cond3A_1189 : i32
      scf.if %cond3A_1190 {
        %dma_wait3A_2001 = arith.constant 4 : i32
        %dma_wait3A_2002 = arith.constant 1 : i32
        %dma_wait3A_2003 = arith.constant 0 : i32
        %dma_wait3A_2004 = tpu.memref_slice %arg7[%dma_wait3A_2001, %dma_wait3A_2002, %dma_wait3A_2003] : memref<5x2x128xi32, #tpu.memory_space<vmem>> -> memref<1x1x128xi32, #tpu.memory_space<vmem>>
        %dma_wait3A_2005 = tpu.memref_squeeze %dma_wait3A_2004 : memref<1x1x128xi32, #tpu.memory_space<vmem>> -> memref<128xi32, #tpu.memory_space<vmem>>
        %dma_wait3A_2006 = arith.constant 0 : i32
        %dma_wait3A_2007 = arith.constant 0 : i32
        %dma_wait3A_2008 = tpu.memref_slice %arg14[%dma_wait3A_2006, %dma_wait3A_2007] : memref<10240x64xf32, #tpu.memory_space<vmem_shared>> -> memref<10240x64xf32, #tpu.memory_space<vmem_shared>>
        tpu.wait_indirect_dma semaphore(%arg29 : memref<!tpu.dma_semaphore, #tpu.memory_space<semaphore_mem>>) src(%arg12 : memref<128x64xf32, #tpu.memory_space<vmem>>) dst(%dma_wait3A_2008 : memref<10240x64xf32, #tpu.memory_space<vmem_shared>>)
      } else {
      }
      %dma_wait3A_1191 = arith.constant 0 : i32
      %dma_wait3A_1192 = arith.constant 4 : i32
      %dma_wait3A_1193 = arith.constant 0 : i32
      %dma_wait3A_1194 = tpu.memref_slice %arg6[%dma_wait3A_1192, %dma_wait3A_1193] : memref<5x128xi32, #tpu.memory_space<vmem>> -> memref<1x128xi32, #tpu.memory_space<vmem>>
      %dma_wait3A_1195 = tpu.memref_squeeze %dma_wait3A_1194 : memref<1x128xi32, #tpu.memory_space<vmem>> -> memref<128xi32, #tpu.memory_space<vmem>>
      %dma_wait3A_1196 = arith.constant 0 : i32
      %dma_wait3A_1197 = tpu.memref_slice %arg3[%arg1, %dma_wait3A_1191, %dma_wait3A_1196] : memref<16x164x128xi32, #tpu.memory_space<hbm>> -> memref<1x1x128xi32, #tpu.memory_space<hbm>>
      %dma_wait3A_1198 = tpu.memref_squeeze %dma_wait3A_1197 : memref<1x1x128xi32, #tpu.memory_space<hbm>> -> memref<128xi32, #tpu.memory_space<hbm>>
      %dma_wait3A_1199 = arith.constant 0 : i32
      %dma_wait3A_1200 = tpu.memref_slice %arg6[%dma_wait3A_1192, %dma_wait3A_1199] : memref<5x128xi32, #tpu.memory_space<vmem>> -> memref<1x128xi32, #tpu.memory_space<vmem>>
      %dma_wait3A_1201 = tpu.memref_squeeze %dma_wait3A_1200 : memref<1x128xi32, #tpu.memory_space<vmem>> -> memref<128xi32, #tpu.memory_space<vmem>>
      %dma_wait3A_1202 = arith.constant 0 : i32
      %dma_wait3A_1203 = tpu.memref_slice %arg3[%arg1, %dma_wait3A_1191, %dma_wait3A_1202] : memref<16x164x128xi32, #tpu.memory_space<hbm>> -> memref<1x1x128xi32, #tpu.memory_space<hbm>>
      %dma_wait3A_1204 = tpu.memref_squeeze %dma_wait3A_1203 : memref<1x1x128xi32, #tpu.memory_space<hbm>> -> memref<128xi32, #tpu.memory_space<hbm>>
      tpu.wait_dma2 semaphore(%arg19 : memref<!tpu.dma_semaphore, #tpu.memory_space<semaphore_mem>>) src(%dma_wait3A_1204 : memref<128xi32, #tpu.memory_space<hbm>>) dst(%dma_wait3A_1201 : memref<128xi32, #tpu.memory_space<vmem>>)
      %get3A_1205 = arith.constant 4 : i32
      %get3A_1206 = arith.index_cast %get3A_1205 : i32 to index
      %get3A_1207 = arith.constant 0 : index
      %get3A_1208 = tpu.vector_load %arg6[%get3A_1206, %get3A_1207] {strides = array<i32>} : memref<5x128xi32, #tpu.memory_space<vmem>>, vector<1x16xi32>,
      %get3A_1209 = vector.shape_cast %get3A_1208 : vector<1x16xi32> to vector<16xi32>
      %and3A_1210 = arith.constant 65535 : i32
      %and3A_1211 = vector.broadcast %and3A_1210 : i32 to vector<16xi32>
      %and3A_1212 = arith.andi %get3A_1209, %and3A_1211 : vector<16xi32>
      %swap3A_1213 = arith.constant 4 : i32
      %swap3A_1214 = arith.constant 0 : i32
      %swap3A_1215 = arith.index_cast %swap3A_1213 : i32 to index
      %swap3A_1216 = arith.index_cast %swap3A_1214 : i32 to index
      %swap3A_1217 = arith.constant 0 : index
      %swap3A_1218 = tpu.vector_load %arg7[%swap3A_1215, %swap3A_1216, %swap3A_1217] {strides = array<i32>} : memref<5x2x128xi32, #tpu.memory_space<vmem>>, vector<1x1x16xi32>,
      %swap3A_1219 = vector.shape_cast %swap3A_1218 : vector<1x1x16xi32> to vector<16xi32>
      %swap3A_1220 = vector.shape_cast %and3A_1212 : vector<16xi32> to vector<1x1x16xi32>
      tpu.vector_store %arg7[%swap3A_1215, %swap3A_1216, %swap3A_1217], %swap3A_1220 {strides = array<i32>} : memref<5x2x128xi32, #tpu.memory_space<vmem>>, vector<1x1x16xi32>,
      %shift_right_logical3A_1221 = arith.constant 16 : i32
      %shift_right_logical3A_1222 = vector.broadcast %shift_right_logical3A_1221 : i32 to vector<16xi32>
      %shift_right_logical3A_1223 = arith.shrui %get3A_1209, %shift_right_logical3A_1222 : vector<16xi32>
      %swap3A_1224 = arith.constant 4 : i32
      %swap3A_1225 = arith.constant 1 : i32
      %swap3A_1226 = arith.index_cast %swap3A_1224 : i32 to index
      %swap3A_1227 = arith.index_cast %swap3A_1225 : i32 to index
      %swap3A_1228 = arith.constant 0 : index
      %swap3A_1229 = tpu.vector_load %arg7[%swap3A_1226, %swap3A_1227, %swap3A_1228] {strides = array<i32>} : memref<5x2x128xi32, #tpu.memory_space<vmem>>, vector<1x1x16xi32>,
      %swap3A_1230 = vector.shape_cast %swap3A_1229 : vector<1x1x16xi32> to vector<16xi32>
      %swap3A_1231 = vector.shape_cast %shift_right_logical3A_1223 : vector<16xi32> to vector<1x1x16xi32>
      tpu.vector_store %arg7[%swap3A_1226, %swap3A_1227, %swap3A_1228], %swap3A_1231 {strides = array<i32>} : memref<5x2x128xi32, #tpu.memory_space<vmem>>, vector<1x1x16xi32>,
      %get3A_1232 = arith.constant 4 : i32
      %get3A_1233 = arith.index_cast %get3A_1232 : i32 to index
      %get3A_1234 = arith.constant 16 : index
      %get3A_1235 = tpu.vector_load %arg6[%get3A_1233, %get3A_1234] {strides = array<i32>} : memref<5x128xi32, #tpu.memory_space<vmem>>, vector<1x16xi32>,
      %get3A_1236 = vector.shape_cast %get3A_1235 : vector<1x16xi32> to vector<16xi32>
      %and3A_1237 = arith.constant 65535 : i32
      %and3A_1238 = vector.broadcast %and3A_1237 : i32 to vector<16xi32>
      %and3A_1239 = arith.andi %get3A_1236, %and3A_1238 : vector<16xi32>
      %swap3A_1240 = arith.constant 4 : i32
      %swap3A_1241 = arith.constant 0 : i32
      %swap3A_1242 = arith.index_cast %swap3A_1240 : i32 to index
      %swap3A_1243 = arith.index_cast %swap3A_1241 : i32 to index
      %swap3A_1244 = arith.constant 16 : index
      %swap3A_1245 = tpu.vector_load %arg7[%swap3A_1242, %swap3A_1243, %swap3A_1244] {strides = array<i32>} : memref<5x2x128xi32, #tpu.memory_space<vmem>>, vector<1x1x16xi32>,
      %swap3A_1246 = vector.shape_cast %swap3A_1245 : vector<1x1x16xi32> to vector<16xi32>
      %swap3A_1247 = vector.shape_cast %and3A_1239 : vector<16xi32> to vector<1x1x16xi32>
      tpu.vector_store %arg7[%swap3A_1242, %swap3A_1243, %swap3A_1244], %swap3A_1247 {strides = array<i32>} : memref<5x2x128xi32, #tpu.memory_space<vmem>>, vector<1x1x16xi32>,
      %shift_right_logical3A_1248 = arith.constant 16 : i32
      %shift_right_logical3A_1249 = vector.broadcast %shift_right_logical3A_1248 : i32 to vector<16xi32>
      %shift_right_logical3A_1250 = arith.shrui %get3A_1236, %shift_right_logical3A_1249 : vector<16xi32>
      %swap3A_1251 = arith.constant 4 : i32
      %swap3A_1252 = arith.constant 1 : i32
      %swap3A_1253 = arith.index_cast %swap3A_1251 : i32 to index
      %swap3A_1254 = arith.index_cast %swap3A_1252 : i32 to index
      %swap3A_1255 = arith.constant 16 : index
      %swap3A_1256 = tpu.vector_load %arg7[%swap3A_1253, %swap3A_1254, %swap3A_1255] {strides = array<i32>} : memref<5x2x128xi32, #tpu.memory_space<vmem>>, vector<1x1x16xi32>,
      %swap3A_1257 = vector.shape_cast %swap3A_1256 : vector<1x1x16xi32> to vector<16xi32>
      %swap3A_1258 = vector.shape_cast %shift_right_logical3A_1250 : vector<16xi32> to vector<1x1x16xi32>
      tpu.vector_store %arg7[%swap3A_1253, %swap3A_1254, %swap3A_1255], %swap3A_1258 {strides = array<i32>} : memref<5x2x128xi32, #tpu.memory_space<vmem>>, vector<1x1x16xi32>,
      %get3A_1259 = arith.constant 4 : i32
      %get3A_1260 = arith.index_cast %get3A_1259 : i32 to index
      %get3A_1261 = arith.constant 32 : index
      %get3A_1262 = tpu.vector_load %arg6[%get3A_1260, %get3A_1261] {strides = array<i32>} : memref<5x128xi32, #tpu.memory_space<vmem>>, vector<1x16xi32>,
      %get3A_1263 = vector.shape_cast %get3A_1262 : vector<1x16xi32> to vector<16xi32>
      %and3A_1264 = arith.constant 65535 : i32
      %and3A_1265 = vector.broadcast %and3A_1264 : i32 to vector<16xi32>
      %and3A_1266 = arith.andi %get3A_1263, %and3A_1265 : vector<16xi32>
      %swap3A_1267 = arith.constant 4 : i32
      %swap3A_1268 = arith.constant 0 : i32
      %swap3A_1269 = arith.index_cast %swap3A_1267 : i32 to index
      %swap3A_1270 = arith.index_cast %swap3A_1268 : i32 to index
      %swap3A_1271 = arith.constant 32 : index
      %swap3A_1272 = tpu.vector_load %arg7[%swap3A_1269, %swap3A_1270, %swap3A_1271] {strides = array<i32>} : memref<5x2x128xi32, #tpu.memory_space<vmem>>, vector<1x1x16xi32>,
      %swap3A_1273 = vector.shape_cast %swap3A_1272 : vector<1x1x16xi32> to vector<16xi32>
      %swap3A_1274 = vector.shape_cast %and3A_1266 : vector<16xi32> to vector<1x1x16xi32>
      tpu.vector_store %arg7[%swap3A_1269, %swap3A_1270, %swap3A_1271], %swap3A_1274 {strides = array<i32>} : memref<5x2x128xi32, #tpu.memory_space<vmem>>, vector<1x1x16xi32>,
      %shift_right_logical3A_1275 = arith.constant 16 : i32
      %shift_right_logical3A_1276 = vector.broadcast %shift_right_logical3A_1275 : i32 to vector<16xi32>
      %shift_right_logical3A_1277 = arith.shrui %get3A_1263, %shift_right_logical3A_1276 : vector<16xi32>
      %swap3A_1278 = arith.constant 4 : i32
      %swap3A_1279 = arith.constant 1 : i32
      %swap3A_1280 = arith.index_cast %swap3A_1278 : i32 to index
      %swap3A_1281 = arith.index_cast %swap3A_1279 : i32 to index
      %swap3A_1282 = arith.constant 32 : index
      %swap3A_1283 = tpu.vector_load %arg7[%swap3A_1280, %swap3A_1281, %swap3A_1282] {strides = array<i32>} : memref<5x2x128xi32, #tpu.memory_space<vmem>>, vector<1x1x16xi32>,
      %swap3A_1284 = vector.shape_cast %swap3A_1283 : vector<1x1x16xi32> to vector<16xi32>
      %swap3A_1285 = vector.shape_cast %shift_right_logical3A_1277 : vector<16xi32> to vector<1x1x16xi32>
      tpu.vector_store %arg7[%swap3A_1280, %swap3A_1281, %swap3A_1282], %swap3A_1285 {strides = array<i32>} : memref<5x2x128xi32, #tpu.memory_space<vmem>>, vector<1x1x16xi32>,
      %get3A_1286 = arith.constant 4 : i32
      %get3A_1287 = arith.index_cast %get3A_1286 : i32 to index
      %get3A_1288 = arith.constant 48 : index
      %get3A_1289 = tpu.vector_load %arg6[%get3A_1287, %get3A_1288] {strides = array<i32>} : memref<5x128xi32, #tpu.memory_space<vmem>>, vector<1x16xi32>,
      %get3A_1290 = vector.shape_cast %get3A_1289 : vector<1x16xi32> to vector<16xi32>
      %and3A_1291 = arith.constant 65535 : i32
      %and3A_1292 = vector.broadcast %and3A_1291 : i32 to vector<16xi32>
      %and3A_1293 = arith.andi %get3A_1290, %and3A_1292 : vector<16xi32>
      %swap3A_1294 = arith.constant 4 : i32
      %swap3A_1295 = arith.constant 0 : i32
      %swap3A_1296 = arith.index_cast %swap3A_1294 : i32 to index
      %swap3A_1297 = arith.index_cast %swap3A_1295 : i32 to index
      %swap3A_1298 = arith.constant 48 : index
      %swap3A_1299 = tpu.vector_load %arg7[%swap3A_1296, %swap3A_1297, %swap3A_1298] {strides = array<i32>} : memref<5x2x128xi32, #tpu.memory_space<vmem>>, vector<1x1x16xi32>,
      %swap3A_1300 = vector.shape_cast %swap3A_1299 : vector<1x1x16xi32> to vector<16xi32>
      %swap3A_1301 = vector.shape_cast %and3A_1293 : vector<16xi32> to vector<1x1x16xi32>
      tpu.vector_store %arg7[%swap3A_1296, %swap3A_1297, %swap3A_1298], %swap3A_1301 {strides = array<i32>} : memref<5x2x128xi32, #tpu.memory_space<vmem>>, vector<1x1x16xi32>,
      %shift_right_logical3A_1302 = arith.constant 16 : i32
      %shift_right_logical3A_1303 = vector.broadcast %shift_right_logical3A_1302 : i32 to vector<16xi32>
      %shift_right_logical3A_1304 = arith.shrui %get3A_1290, %shift_right_logical3A_1303 : vector<16xi32>
      %swap3A_1305 = arith.constant 4 : i32
      %swap3A_1306 = arith.constant 1 : i32
      %swap3A_1307 = arith.index_cast %swap3A_1305 : i32 to index
      %swap3A_1308 = arith.index_cast %swap3A_1306 : i32 to index
      %swap3A_1309 = arith.constant 48 : index
      %swap3A_1310 = tpu.vector_load %arg7[%swap3A_1307, %swap3A_1308, %swap3A_1309] {strides = array<i32>} : memref<5x2x128xi32, #tpu.memory_space<vmem>>, vector<1x1x16xi32>,
      %swap3A_1311 = vector.shape_cast %swap3A_1310 : vector<1x1x16xi32> to vector<16xi32>
      %swap3A_1312 = vector.shape_cast %shift_right_logical3A_1304 : vector<16xi32> to vector<1x1x16xi32>
      tpu.vector_store %arg7[%swap3A_1307, %swap3A_1308, %swap3A_1309], %swap3A_1312 {strides = array<i32>} : memref<5x2x128xi32, #tpu.memory_space<vmem>>, vector<1x1x16xi32>,
      %get3A_1313 = arith.constant 4 : i32
      %get3A_1314 = arith.index_cast %get3A_1313 : i32 to index
      %get3A_1315 = arith.constant 64 : index
      %get3A_1316 = tpu.vector_load %arg6[%get3A_1314, %get3A_1315] {strides = array<i32>} : memref<5x128xi32, #tpu.memory_space<vmem>>, vector<1x16xi32>,
      %get3A_1317 = vector.shape_cast %get3A_1316 : vector<1x16xi32> to vector<16xi32>
      %and3A_1318 = arith.constant 65535 : i32
      %and3A_1319 = vector.broadcast %and3A_1318 : i32 to vector<16xi32>
      %and3A_1320 = arith.andi %get3A_1317, %and3A_1319 : vector<16xi32>
      %swap3A_1321 = arith.constant 4 : i32
      %swap3A_1322 = arith.constant 0 : i32
      %swap3A_1323 = arith.index_cast %swap3A_1321 : i32 to index
      %swap3A_1324 = arith.index_cast %swap3A_1322 : i32 to index
      %swap3A_1325 = arith.constant 64 : index
      %swap3A_1326 = tpu.vector_load %arg7[%swap3A_1323, %swap3A_1324, %swap3A_1325] {strides = array<i32>} : memref<5x2x128xi32, #tpu.memory_space<vmem>>, vector<1x1x16xi32>,
      %swap3A_1327 = vector.shape_cast %swap3A_1326 : vector<1x1x16xi32> to vector<16xi32>
      %swap3A_1328 = vector.shape_cast %and3A_1320 : vector<16xi32> to vector<1x1x16xi32>
      tpu.vector_store %arg7[%swap3A_1323, %swap3A_1324, %swap3A_1325], %swap3A_1328 {strides = array<i32>} : memref<5x2x128xi32, #tpu.memory_space<vmem>>, vector<1x1x16xi32>,
      %shift_right_logical3A_1329 = arith.constant 16 : i32
      %shift_right_logical3A_1330 = vector.broadcast %shift_right_logical3A_1329 : i32 to vector<16xi32>
      %shift_right_logical3A_1331 = arith.shrui %get3A_1317, %shift_right_logical3A_1330 : vector<16xi32>
      %swap3A_1332 = arith.constant 4 : i32
      %swap3A_1333 = arith.constant 1 : i32
      %swap3A_1334 = arith.index_cast %swap3A_1332 : i32 to index
      %swap3A_1335 = arith.index_cast %swap3A_1333 : i32 to index
      %swap3A_1336 = arith.constant 64 : index
      %swap3A_1337 = tpu.vector_load %arg7[%swap3A_1334, %swap3A_1335, %swap3A_1336] {strides = array<i32>} : memref<5x2x128xi32, #tpu.memory_space<vmem>>, vector<1x1x16xi32>,
      %swap3A_1338 = vector.shape_cast %swap3A_1337 : vector<1x1x16xi32> to vector<16xi32>
      %swap3A_1339 = vector.shape_cast %shift_right_logical3A_1331 : vector<16xi32> to vector<1x1x16xi32>
      tpu.vector_store %arg7[%swap3A_1334, %swap3A_1335, %swap3A_1336], %swap3A_1339 {strides = array<i32>} : memref<5x2x128xi32, #tpu.memory_space<vmem>>, vector<1x1x16xi32>,
      %get3A_1340 = arith.constant 4 : i32
      %get3A_1341 = arith.index_cast %get3A_1340 : i32 to index
      %get3A_1342 = arith.constant 80 : index
      %get3A_1343 = tpu.vector_load %arg6[%get3A_1341, %get3A_1342] {strides = array<i32>} : memref<5x128xi32, #tpu.memory_space<vmem>>, vector<1x16xi32>,
      %get3A_1344 = vector.shape_cast %get3A_1343 : vector<1x16xi32> to vector<16xi32>
      %and3A_1345 = arith.constant 65535 : i32
      %and3A_1346 = vector.broadcast %and3A_1345 : i32 to vector<16xi32>
      %and3A_1347 = arith.andi %get3A_1344, %and3A_1346 : vector<16xi32>
      %swap3A_1348 = arith.constant 4 : i32
      %swap3A_1349 = arith.constant 0 : i32
      %swap3A_1350 = arith.index_cast %swap3A_1348 : i32 to index
      %swap3A_1351 = arith.index_cast %swap3A_1349 : i32 to index
      %swap3A_1352 = arith.constant 80 : index
      %swap3A_1353 = tpu.vector_load %arg7[%swap3A_1350, %swap3A_1351, %swap3A_1352] {strides = array<i32>} : memref<5x2x128xi32, #tpu.memory_space<vmem>>, vector<1x1x16xi32>,
      %swap3A_1354 = vector.shape_cast %swap3A_1353 : vector<1x1x16xi32> to vector<16xi32>
      %swap3A_1355 = vector.shape_cast %and3A_1347 : vector<16xi32> to vector<1x1x16xi32>
      tpu.vector_store %arg7[%swap3A_1350, %swap3A_1351, %swap3A_1352], %swap3A_1355 {strides = array<i32>} : memref<5x2x128xi32, #tpu.memory_space<vmem>>, vector<1x1x16xi32>,
      %shift_right_logical3A_1356 = arith.constant 16 : i32
      %shift_right_logical3A_1357 = vector.broadcast %shift_right_logical3A_1356 : i32 to vector<16xi32>
      %shift_right_logical3A_1358 = arith.shrui %get3A_1344, %shift_right_logical3A_1357 : vector<16xi32>
      %swap3A_1359 = arith.constant 4 : i32
      %swap3A_1360 = arith.constant 1 : i32
      %swap3A_1361 = arith.index_cast %swap3A_1359 : i32 to index
      %swap3A_1362 = arith.index_cast %swap3A_1360 : i32 to index
      %swap3A_1363 = arith.constant 80 : index
      %swap3A_1364 = tpu.vector_load %arg7[%swap3A_1361, %swap3A_1362, %swap3A_1363] {strides = array<i32>} : memref<5x2x128xi32, #tpu.memory_space<vmem>>, vector<1x1x16xi32>,
      %swap3A_1365 = vector.shape_cast %swap3A_1364 : vector<1x1x16xi32> to vector<16xi32>
      %swap3A_1366 = vector.shape_cast %shift_right_logical3A_1358 : vector<16xi32> to vector<1x1x16xi32>
      tpu.vector_store %arg7[%swap3A_1361, %swap3A_1362, %swap3A_1363], %swap3A_1366 {strides = array<i32>} : memref<5x2x128xi32, #tpu.memory_space<vmem>>, vector<1x1x16xi32>,
      %get3A_1367 = arith.constant 4 : i32
      %get3A_1368 = arith.index_cast %get3A_1367 : i32 to index
      %get3A_1369 = arith.constant 96 : index
      %get3A_1370 = tpu.vector_load %arg6[%get3A_1368, %get3A_1369] {strides = array<i32>} : memref<5x128xi32, #tpu.memory_space<vmem>>, vector<1x16xi32>,
      %get3A_1371 = vector.shape_cast %get3A_1370 : vector<1x16xi32> to vector<16xi32>
      %and3A_1372 = arith.constant 65535 : i32
      %and3A_1373 = vector.broadcast %and3A_1372 : i32 to vector<16xi32>
      %and3A_1374 = arith.andi %get3A_1371, %and3A_1373 : vector<16xi32>
      %swap3A_1375 = arith.constant 4 : i32
      %swap3A_1376 = arith.constant 0 : i32
      %swap3A_1377 = arith.index_cast %swap3A_1375 : i32 to index
      %swap3A_1378 = arith.index_cast %swap3A_1376 : i32 to index
      %swap3A_1379 = arith.constant 96 : index
      %swap3A_1380 = tpu.vector_load %arg7[%swap3A_1377, %swap3A_1378, %swap3A_1379] {strides = array<i32>} : memref<5x2x128xi32, #tpu.memory_space<vmem>>, vector<1x1x16xi32>,
      %swap3A_1381 = vector.shape_cast %swap3A_1380 : vector<1x1x16xi32> to vector<16xi32>
      %swap3A_1382 = vector.shape_cast %and3A_1374 : vector<16xi32> to vector<1x1x16xi32>
      tpu.vector_store %arg7[%swap3A_1377, %swap3A_1378, %swap3A_1379], %swap3A_1382 {strides = array<i32>} : memref<5x2x128xi32, #tpu.memory_space<vmem>>, vector<1x1x16xi32>,
      %shift_right_logical3A_1383 = arith.constant 16 : i32
      %shift_right_logical3A_1384 = vector.broadcast %shift_right_logical3A_1383 : i32 to vector<16xi32>
      %shift_right_logical3A_1385 = arith.shrui %get3A_1371, %shift_right_logical3A_1384 : vector<16xi32>
      %swap3A_1386 = arith.constant 4 : i32
      %swap3A_1387 = arith.constant 1 : i32
      %swap3A_1388 = arith.index_cast %swap3A_1386 : i32 to index
      %swap3A_1389 = arith.index_cast %swap3A_1387 : i32 to index
      %swap3A_1390 = arith.constant 96 : index
      %swap3A_1391 = tpu.vector_load %arg7[%swap3A_1388, %swap3A_1389, %swap3A_1390] {strides = array<i32>} : memref<5x2x128xi32, #tpu.memory_space<vmem>>, vector<1x1x16xi32>,
      %swap3A_1392 = vector.shape_cast %swap3A_1391 : vector<1x1x16xi32> to vector<16xi32>
      %swap3A_1393 = vector.shape_cast %shift_right_logical3A_1385 : vector<16xi32> to vector<1x1x16xi32>
      tpu.vector_store %arg7[%swap3A_1388, %swap3A_1389, %swap3A_1390], %swap3A_1393 {strides = array<i32>} : memref<5x2x128xi32, #tpu.memory_space<vmem>>, vector<1x1x16xi32>,
      %get3A_1394 = arith.constant 4 : i32
      %get3A_1395 = arith.index_cast %get3A_1394 : i32 to index
      %get3A_1396 = arith.constant 112 : index
      %get3A_1397 = tpu.vector_load %arg6[%get3A_1395, %get3A_1396] {strides = array<i32>} : memref<5x128xi32, #tpu.memory_space<vmem>>, vector<1x16xi32>,
      %get3A_1398 = vector.shape_cast %get3A_1397 : vector<1x16xi32> to vector<16xi32>
      %and3A_1399 = arith.constant 65535 : i32
      %and3A_1400 = vector.broadcast %and3A_1399 : i32 to vector<16xi32>
      %and3A_1401 = arith.andi %get3A_1398, %and3A_1400 : vector<16xi32>
      %swap3A_1402 = arith.constant 4 : i32
      %swap3A_1403 = arith.constant 0 : i32
      %swap3A_1404 = arith.index_cast %swap3A_1402 : i32 to index
      %swap3A_1405 = arith.index_cast %swap3A_1403 : i32 to index
      %swap3A_1406 = arith.constant 112 : index
      %swap3A_1407 = tpu.vector_load %arg7[%swap3A_1404, %swap3A_1405, %swap3A_1406] {strides = array<i32>} : memref<5x2x128xi32, #tpu.memory_space<vmem>>, vector<1x1x16xi32>,
      %swap3A_1408 = vector.shape_cast %swap3A_1407 : vector<1x1x16xi32> to vector<16xi32>
      %swap3A_1409 = vector.shape_cast %and3A_1401 : vector<16xi32> to vector<1x1x16xi32>
      tpu.vector_store %arg7[%swap3A_1404, %swap3A_1405, %swap3A_1406], %swap3A_1409 {strides = array<i32>} : memref<5x2x128xi32, #tpu.memory_space<vmem>>, vector<1x1x16xi32>,
      %shift_right_logical3A_1410 = arith.constant 16 : i32
      %shift_right_logical3A_1411 = vector.broadcast %shift_right_logical3A_1410 : i32 to vector<16xi32>
      %shift_right_logical3A_1412 = arith.shrui %get3A_1398, %shift_right_logical3A_1411 : vector<16xi32>
      %swap3A_1413 = arith.constant 4 : i32
      %swap3A_1414 = arith.constant 1 : i32
      %swap3A_1415 = arith.index_cast %swap3A_1413 : i32 to index
      %swap3A_1416 = arith.index_cast %swap3A_1414 : i32 to index
      %swap3A_1417 = arith.constant 112 : index
      %swap3A_1418 = tpu.vector_load %arg7[%swap3A_1415, %swap3A_1416, %swap3A_1417] {strides = array<i32>} : memref<5x2x128xi32, #tpu.memory_space<vmem>>, vector<1x1x16xi32>,
      %swap3A_1419 = vector.shape_cast %swap3A_1418 : vector<1x1x16xi32> to vector<16xi32>
      %swap3A_1420 = vector.shape_cast %shift_right_logical3A_1412 : vector<16xi32> to vector<1x1x16xi32>
      tpu.vector_store %arg7[%swap3A_1415, %swap3A_1416, %swap3A_1417], %swap3A_1420 {strides = array<i32>} : memref<5x2x128xi32, #tpu.memory_space<vmem>>, vector<1x1x16xi32>,
      %dma_start3A_1421 = arith.constant 4 : i32
      %dma_start3A_1422 = arith.constant 0 : i32
      %dma_start3A_1423 = arith.constant 0 : i32
      %dma_start3A_1424 = tpu.memref_slice %arg7[%dma_start3A_1421, %dma_start3A_1422, %dma_start3A_1423] : memref<5x2x128xi32, #tpu.memory_space<vmem>> -> memref<1x1x128xi32, #tpu.memory_space<vmem>>
      %dma_start3A_1425 = tpu.memref_squeeze %dma_start3A_1424 : memref<1x1x128xi32, #tpu.memory_space<vmem>> -> memref<128xi32, #tpu.memory_space<vmem>>
      %dma_start3A_1426 = arith.constant 0 : i32
      %dma_start3A_1427 = arith.constant 0 : i32
      %dma_start3A_1428 = tpu.memref_slice %arg13[%dma_start3A_1426, %dma_start3A_1427] : memref<10000x64xf32, #tpu.memory_space<vmem_shared>> -> memref<10000x64xf32, #tpu.memory_space<vmem_shared>>
      tpu.enqueue_indirect_dma source(%dma_start3A_1428 : memref<10000x64xf32, #tpu.memory_space<vmem_shared>>) target(%arg12 : memref<128x64xf32, #tpu.memory_space<vmem>>) offsets(%dma_start3A_1425 : memref<128xi32, #tpu.memory_space<vmem>>) semaphore(%arg24 : memref<!tpu.dma_semaphore, #tpu.memory_space<semaphore_mem>>)
      %dma_wait3A_1429 = arith.constant 2 : i32
      %dma_wait3A_1430 = arith.constant 0 : i32
      %dma_wait3A_1431 = arith.constant 0 : i32
      %dma_wait3A_1432 = tpu.memref_slice %arg7[%dma_wait3A_1429, %dma_wait3A_1430, %dma_wait3A_1431] : memref<5x2x128xi32, #tpu.memory_space<vmem>> -> memref<1x1x128xi32, #tpu.memory_space<vmem>>
      %dma_wait3A_1433 = tpu.memref_squeeze %dma_wait3A_1432 : memref<1x1x128xi32, #tpu.memory_space<vmem>> -> memref<128xi32, #tpu.memory_space<vmem>>
      %dma_wait3A_1434 = arith.constant 0 : i32
      %dma_wait3A_1435 = arith.constant 0 : i32
      %dma_wait3A_1436 = tpu.memref_slice %arg13[%dma_wait3A_1434, %dma_wait3A_1435] : memref<10000x64xf32, #tpu.memory_space<vmem_shared>> -> memref<10000x64xf32, #tpu.memory_space<vmem_shared>>
      tpu.wait_indirect_dma semaphore(%arg22 : memref<!tpu.dma_semaphore, #tpu.memory_space<semaphore_mem>>) src(%dma_wait3A_1436 : memref<10000x64xf32, #tpu.memory_space<vmem_shared>>) dst(%arg10 : memref<128x64xf32, #tpu.memory_space<vmem>>)
      %dma_start3A_1437 = arith.constant 2 : i32
      %dma_start3A_1438 = arith.constant 1 : i32
      %dma_start3A_1439 = arith.constant 0 : i32
      %dma_start3A_1440 = tpu.memref_slice %arg7[%dma_start3A_1437, %dma_start3A_1438, %dma_start3A_1439] : memref<5x2x128xi32, #tpu.memory_space<vmem>> -> memref<1x1x128xi32, #tpu.memory_space<vmem>>
      %dma_start3A_1441 = tpu.memref_squeeze %dma_start3A_1440 : memref<1x1x128xi32, #tpu.memory_space<vmem>> -> memref<128xi32, #tpu.memory_space<vmem>>
      %dma_start3A_1442 = arith.constant 0 : i32
      %dma_start3A_1443 = arith.constant 0 : i32
      %dma_start3A_1444 = tpu.memref_slice %arg14[%dma_start3A_1442, %dma_start3A_1443] : memref<10240x64xf32, #tpu.memory_space<vmem_shared>> -> memref<10240x64xf32, #tpu.memory_space<vmem_shared>>
      tpu.enqueue_indirect_dma source(%arg10 : memref<128x64xf32, #tpu.memory_space<vmem>>) target(%dma_start3A_1444 : memref<10240x64xf32, #tpu.memory_space<vmem_shared>>) offsets(%dma_start3A_1441 : memref<128xi32, #tpu.memory_space<vmem>>) semaphore(%arg27 : memref<!tpu.dma_semaphore, #tpu.memory_space<semaphore_mem>>) {add = true}
      %add3A_1445 = arith.constant 3 : i32
      %add3A_1446 = arith.addi %mul3A_613, %add3A_1445 : i32
      %add3A_1447 = arith.constant 2 : i32
      %add3A_1448 = arith.addi %add3A_1446, %add3A_1447 : i32
      %add3A_1449 = arith.constant 2 : i32
      %add3A_1450 = arith.addi %add3A_1448, %add3A_1449 : i32
      %dma_start3A_1451 = arith.constant 2 : i32
      %dma_start3A_1452 = arith.constant 0 : i32
      %dma_start3A_1453 = tpu.memref_slice %arg6[%dma_start3A_1451, %dma_start3A_1452] : memref<5x128xi32, #tpu.memory_space<vmem>> -> memref<1x128xi32, #tpu.memory_space<vmem>>
      %dma_start3A_1454 = tpu.memref_squeeze %dma_start3A_1453 : memref<1x128xi32, #tpu.memory_space<vmem>> -> memref<128xi32, #tpu.memory_space<vmem>>
      %dma_start3A_1455 = arith.constant 0 : i32
      %dma_start3A_1456 = tpu.memref_slice %arg3[%arg1, %add3A_1450, %dma_start3A_1455] : memref<16x164x128xi32, #tpu.memory_space<hbm>> -> memref<1x1x128xi32, #tpu.memory_space<hbm>>
      %dma_start3A_1457 = tpu.memref_squeeze %dma_start3A_1456 : memref<1x1x128xi32, #tpu.memory_space<hbm>> -> memref<128xi32, #tpu.memory_space<hbm>>
      %dma_start3A_1458 = arith.constant 0 : i32
      %dma_start3A_1459 = tpu.memref_slice %arg6[%dma_start3A_1451, %dma_start3A_1458] : memref<5x128xi32, #tpu.memory_space<vmem>> -> memref<1x128xi32, #tpu.memory_space<vmem>>
      %dma_start3A_1460 = tpu.memref_squeeze %dma_start3A_1459 : memref<1x128xi32, #tpu.memory_space<vmem>> -> memref<128xi32, #tpu.memory_space<vmem>>
      %dma_start3A_1461 = arith.constant 0 : i32
      %dma_start3A_1462 = tpu.memref_slice %arg3[%arg1, %add3A_1450, %dma_start3A_1461] : memref<16x164x128xi32, #tpu.memory_space<hbm>> -> memref<1x1x128xi32, #tpu.memory_space<hbm>>
      %dma_start3A_1463 = tpu.memref_squeeze %dma_start3A_1462 : memref<1x1x128xi32, #tpu.memory_space<hbm>> -> memref<128xi32, #tpu.memory_space<hbm>>
      tpu.enqueue_dma source(%dma_start3A_1463 : memref<128xi32, #tpu.memory_space<hbm>>) target(%dma_start3A_1460 : memref<128xi32, #tpu.memory_space<vmem>>) target_semaphore(%arg17 : memref<!tpu.dma_semaphore, #tpu.memory_space<semaphore_mem>>)
      %ge3A_1464 = arith.constant 3 : i32
      %ge3A_1465 = arith.cmpi sge, %add3A_1446, %ge3A_1464 : i32
      %convert_element_type3A_1466 = arith.extui %ge3A_1465 : i1 to i32
      %cond3A_1467 = arith.constant 0 : i32
      %cond3A_1468 = arith.cmpi ne, %convert_element_type3A_1466, %cond3A_1467 : i32
      scf.if %cond3A_1468 {
        %dma_wait3A_2001 = arith.constant 0 : i32
        %dma_wait3A_2002 = arith.constant 1 : i32
        %dma_wait3A_2003 = arith.constant 0 : i32
        %dma_wait3A_2004 = tpu.memref_slice %arg7[%dma_wait3A_2001, %dma_wait3A_2002, %dma_wait3A_2003] : memref<5x2x128xi32, #tpu.memory_space<vmem>> -> memref<1x1x128xi32, #tpu.memory_space<vmem>>
        %dma_wait3A_2005 = tpu.memref_squeeze %dma_wait3A_2004 : memref<1x1x128xi32, #tpu.memory_space<vmem>> -> memref<128xi32, #tpu.memory_space<vmem>>
        %dma_wait3A_2006 = arith.constant 0 : i32
        %dma_wait3A_2007 = arith.constant 0 : i32
        %dma_wait3A_2008 = tpu.memref_slice %arg14[%dma_wait3A_2006, %dma_wait3A_2007] : memref<10240x64xf32, #tpu.memory_space<vmem_shared>> -> memref<10240x64xf32, #tpu.memory_space<vmem_shared>>
        tpu.wait_indirect_dma semaphore(%arg25 : memref<!tpu.dma_semaphore, #tpu.memory_space<semaphore_mem>>) src(%arg8 : memref<128x64xf32, #tpu.memory_space<vmem>>) dst(%dma_wait3A_2008 : memref<10240x64xf32, #tpu.memory_space<vmem_shared>>)
      } else {
      }
      %dma_wait3A_1469 = arith.constant 0 : i32
      %dma_wait3A_1470 = arith.constant 0 : i32
      %dma_wait3A_1471 = arith.constant 0 : i32
      %dma_wait3A_1472 = tpu.memref_slice %arg6[%dma_wait3A_1470, %dma_wait3A_1471] : memref<5x128xi32, #tpu.memory_space<vmem>> -> memref<1x128xi32, #tpu.memory_space<vmem>>
      %dma_wait3A_1473 = tpu.memref_squeeze %dma_wait3A_1472 : memref<1x128xi32, #tpu.memory_space<vmem>> -> memref<128xi32, #tpu.memory_space<vmem>>
      %dma_wait3A_1474 = arith.constant 0 : i32
      %dma_wait3A_1475 = tpu.memref_slice %arg3[%arg1, %dma_wait3A_1469, %dma_wait3A_1474] : memref<16x164x128xi32, #tpu.memory_space<hbm>> -> memref<1x1x128xi32, #tpu.memory_space<hbm>>
      %dma_wait3A_1476 = tpu.memref_squeeze %dma_wait3A_1475 : memref<1x1x128xi32, #tpu.memory_space<hbm>> -> memref<128xi32, #tpu.memory_space<hbm>>
      %dma_wait3A_1477 = arith.constant 0 : i32
      %dma_wait3A_1478 = tpu.memref_slice %arg6[%dma_wait3A_1470, %dma_wait3A_1477] : memref<5x128xi32, #tpu.memory_space<vmem>> -> memref<1x128xi32, #tpu.memory_space<vmem>>
      %dma_wait3A_1479 = tpu.memref_squeeze %dma_wait3A_1478 : memref<1x128xi32, #tpu.memory_space<vmem>> -> memref<128xi32, #tpu.memory_space<vmem>>
      %dma_wait3A_1480 = arith.constant 0 : i32
      %dma_wait3A_1481 = tpu.memref_slice %arg3[%arg1, %dma_wait3A_1469, %dma_wait3A_1480] : memref<16x164x128xi32, #tpu.memory_space<hbm>> -> memref<1x1x128xi32, #tpu.memory_space<hbm>>
      %dma_wait3A_1482 = tpu.memref_squeeze %dma_wait3A_1481 : memref<1x1x128xi32, #tpu.memory_space<hbm>> -> memref<128xi32, #tpu.memory_space<hbm>>
      tpu.wait_dma2 semaphore(%arg15 : memref<!tpu.dma_semaphore, #tpu.memory_space<semaphore_mem>>) src(%dma_wait3A_1482 : memref<128xi32, #tpu.memory_space<hbm>>) dst(%dma_wait3A_1479 : memref<128xi32, #tpu.memory_space<vmem>>)
      %get3A_1483 = arith.constant 0 : i32
      %get3A_1484 = arith.index_cast %get3A_1483 : i32 to index
      %get3A_1485 = arith.constant 0 : index
      %get3A_1486 = tpu.vector_load %arg6[%get3A_1484, %get3A_1485] {strides = array<i32>} : memref<5x128xi32, #tpu.memory_space<vmem>>, vector<1x16xi32>,
      %get3A_1487 = vector.shape_cast %get3A_1486 : vector<1x16xi32> to vector<16xi32>
      %and3A_1488 = arith.constant 65535 : i32
      %and3A_1489 = vector.broadcast %and3A_1488 : i32 to vector<16xi32>
      %and3A_1490 = arith.andi %get3A_1487, %and3A_1489 : vector<16xi32>
      %swap3A_1491 = arith.constant 0 : i32
      %swap3A_1492 = arith.constant 0 : i32
      %swap3A_1493 = arith.index_cast %swap3A_1491 : i32 to index
      %swap3A_1494 = arith.index_cast %swap3A_1492 : i32 to index
      %swap3A_1495 = arith.constant 0 : index
      %swap3A_1496 = tpu.vector_load %arg7[%swap3A_1493, %swap3A_1494, %swap3A_1495] {strides = array<i32>} : memref<5x2x128xi32, #tpu.memory_space<vmem>>, vector<1x1x16xi32>,
      %swap3A_1497 = vector.shape_cast %swap3A_1496 : vector<1x1x16xi32> to vector<16xi32>
      %swap3A_1498 = vector.shape_cast %and3A_1490 : vector<16xi32> to vector<1x1x16xi32>
      tpu.vector_store %arg7[%swap3A_1493, %swap3A_1494, %swap3A_1495], %swap3A_1498 {strides = array<i32>} : memref<5x2x128xi32, #tpu.memory_space<vmem>>, vector<1x1x16xi32>,
      %shift_right_logical3A_1499 = arith.constant 16 : i32
      %shift_right_logical3A_1500 = vector.broadcast %shift_right_logical3A_1499 : i32 to vector<16xi32>
      %shift_right_logical3A_1501 = arith.shrui %get3A_1487, %shift_right_logical3A_1500 : vector<16xi32>
      %swap3A_1502 = arith.constant 0 : i32
      %swap3A_1503 = arith.constant 1 : i32
      %swap3A_1504 = arith.index_cast %swap3A_1502 : i32 to index
      %swap3A_1505 = arith.index_cast %swap3A_1503 : i32 to index
      %swap3A_1506 = arith.constant 0 : index
      %swap3A_1507 = tpu.vector_load %arg7[%swap3A_1504, %swap3A_1505, %swap3A_1506] {strides = array<i32>} : memref<5x2x128xi32, #tpu.memory_space<vmem>>, vector<1x1x16xi32>,
      %swap3A_1508 = vector.shape_cast %swap3A_1507 : vector<1x1x16xi32> to vector<16xi32>
      %swap3A_1509 = vector.shape_cast %shift_right_logical3A_1501 : vector<16xi32> to vector<1x1x16xi32>
      tpu.vector_store %arg7[%swap3A_1504, %swap3A_1505, %swap3A_1506], %swap3A_1509 {strides = array<i32>} : memref<5x2x128xi32, #tpu.memory_space<vmem>>, vector<1x1x16xi32>,
      %get3A_1510 = arith.constant 0 : i32
      %get3A_1511 = arith.index_cast %get3A_1510 : i32 to index
      %get3A_1512 = arith.constant 16 : index
      %get3A_1513 = tpu.vector_load %arg6[%get3A_1511, %get3A_1512] {strides = array<i32>} : memref<5x128xi32, #tpu.memory_space<vmem>>, vector<1x16xi32>,
      %get3A_1514 = vector.shape_cast %get3A_1513 : vector<1x16xi32> to vector<16xi32>
      %and3A_1515 = arith.constant 65535 : i32
      %and3A_1516 = vector.broadcast %and3A_1515 : i32 to vector<16xi32>
      %and3A_1517 = arith.andi %get3A_1514, %and3A_1516 : vector<16xi32>
      %swap3A_1518 = arith.constant 0 : i32
      %swap3A_1519 = arith.constant 0 : i32
      %swap3A_1520 = arith.index_cast %swap3A_1518 : i32 to index
      %swap3A_1521 = arith.index_cast %swap3A_1519 : i32 to index
      %swap3A_1522 = arith.constant 16 : index
      %swap3A_1523 = tpu.vector_load %arg7[%swap3A_1520, %swap3A_1521, %swap3A_1522] {strides = array<i32>} : memref<5x2x128xi32, #tpu.memory_space<vmem>>, vector<1x1x16xi32>,
      %swap3A_1524 = vector.shape_cast %swap3A_1523 : vector<1x1x16xi32> to vector<16xi32>
      %swap3A_1525 = vector.shape_cast %and3A_1517 : vector<16xi32> to vector<1x1x16xi32>
      tpu.vector_store %arg7[%swap3A_1520, %swap3A_1521, %swap3A_1522], %swap3A_1525 {strides = array<i32>} : memref<5x2x128xi32, #tpu.memory_space<vmem>>, vector<1x1x16xi32>,
      %shift_right_logical3A_1526 = arith.constant 16 : i32
      %shift_right_logical3A_1527 = vector.broadcast %shift_right_logical3A_1526 : i32 to vector<16xi32>
      %shift_right_logical3A_1528 = arith.shrui %get3A_1514, %shift_right_logical3A_1527 : vector<16xi32>
      %swap3A_1529 = arith.constant 0 : i32
      %swap3A_1530 = arith.constant 1 : i32
      %swap3A_1531 = arith.index_cast %swap3A_1529 : i32 to index
      %swap3A_1532 = arith.index_cast %swap3A_1530 : i32 to index
      %swap3A_1533 = arith.constant 16 : index
      %swap3A_1534 = tpu.vector_load %arg7[%swap3A_1531, %swap3A_1532, %swap3A_1533] {strides = array<i32>} : memref<5x2x128xi32, #tpu.memory_space<vmem>>, vector<1x1x16xi32>,
      %swap3A_1535 = vector.shape_cast %swap3A_1534 : vector<1x1x16xi32> to vector<16xi32>
      %swap3A_1536 = vector.shape_cast %shift_right_logical3A_1528 : vector<16xi32> to vector<1x1x16xi32>
      tpu.vector_store %arg7[%swap3A_1531, %swap3A_1532, %swap3A_1533], %swap3A_1536 {strides = array<i32>} : memref<5x2x128xi32, #tpu.memory_space<vmem>>, vector<1x1x16xi32>,
      %get3A_1537 = arith.constant 0 : i32
      %get3A_1538 = arith.index_cast %get3A_1537 : i32 to index
      %get3A_1539 = arith.constant 32 : index
      %get3A_1540 = tpu.vector_load %arg6[%get3A_1538, %get3A_1539] {strides = array<i32>} : memref<5x128xi32, #tpu.memory_space<vmem>>, vector<1x16xi32>,
      %get3A_1541 = vector.shape_cast %get3A_1540 : vector<1x16xi32> to vector<16xi32>
      %and3A_1542 = arith.constant 65535 : i32
      %and3A_1543 = vector.broadcast %and3A_1542 : i32 to vector<16xi32>
      %and3A_1544 = arith.andi %get3A_1541, %and3A_1543 : vector<16xi32>
      %swap3A_1545 = arith.constant 0 : i32
      %swap3A_1546 = arith.constant 0 : i32
      %swap3A_1547 = arith.index_cast %swap3A_1545 : i32 to index
      %swap3A_1548 = arith.index_cast %swap3A_1546 : i32 to index
      %swap3A_1549 = arith.constant 32 : index
      %swap3A_1550 = tpu.vector_load %arg7[%swap3A_1547, %swap3A_1548, %swap3A_1549] {strides = array<i32>} : memref<5x2x128xi32, #tpu.memory_space<vmem>>, vector<1x1x16xi32>,
      %swap3A_1551 = vector.shape_cast %swap3A_1550 : vector<1x1x16xi32> to vector<16xi32>
      %swap3A_1552 = vector.shape_cast %and3A_1544 : vector<16xi32> to vector<1x1x16xi32>
      tpu.vector_store %arg7[%swap3A_1547, %swap3A_1548, %swap3A_1549], %swap3A_1552 {strides = array<i32>} : memref<5x2x128xi32, #tpu.memory_space<vmem>>, vector<1x1x16xi32>,
      %shift_right_logical3A_1553 = arith.constant 16 : i32
      %shift_right_logical3A_1554 = vector.broadcast %shift_right_logical3A_1553 : i32 to vector<16xi32>
      %shift_right_logical3A_1555 = arith.shrui %get3A_1541, %shift_right_logical3A_1554 : vector<16xi32>
      %swap3A_1556 = arith.constant 0 : i32
      %swap3A_1557 = arith.constant 1 : i32
      %swap3A_1558 = arith.index_cast %swap3A_1556 : i32 to index
      %swap3A_1559 = arith.index_cast %swap3A_1557 : i32 to index
      %swap3A_1560 = arith.constant 32 : index
      %swap3A_1561 = tpu.vector_load %arg7[%swap3A_1558, %swap3A_1559, %swap3A_1560] {strides = array<i32>} : memref<5x2x128xi32, #tpu.memory_space<vmem>>, vector<1x1x16xi32>,
      %swap3A_1562 = vector.shape_cast %swap3A_1561 : vector<1x1x16xi32> to vector<16xi32>
      %swap3A_1563 = vector.shape_cast %shift_right_logical3A_1555 : vector<16xi32> to vector<1x1x16xi32>
      tpu.vector_store %arg7[%swap3A_1558, %swap3A_1559, %swap3A_1560], %swap3A_1563 {strides = array<i32>} : memref<5x2x128xi32, #tpu.memory_space<vmem>>, vector<1x1x16xi32>,
      %get3A_1564 = arith.constant 0 : i32
      %get3A_1565 = arith.index_cast %get3A_1564 : i32 to index
      %get3A_1566 = arith.constant 48 : index
      %get3A_1567 = tpu.vector_load %arg6[%get3A_1565, %get3A_1566] {strides = array<i32>} : memref<5x128xi32, #tpu.memory_space<vmem>>, vector<1x16xi32>,
      %get3A_1568 = vector.shape_cast %get3A_1567 : vector<1x16xi32> to vector<16xi32>
      %and3A_1569 = arith.constant 65535 : i32
      %and3A_1570 = vector.broadcast %and3A_1569 : i32 to vector<16xi32>
      %and3A_1571 = arith.andi %get3A_1568, %and3A_1570 : vector<16xi32>
      %swap3A_1572 = arith.constant 0 : i32
      %swap3A_1573 = arith.constant 0 : i32
      %swap3A_1574 = arith.index_cast %swap3A_1572 : i32 to index
      %swap3A_1575 = arith.index_cast %swap3A_1573 : i32 to index
      %swap3A_1576 = arith.constant 48 : index
      %swap3A_1577 = tpu.vector_load %arg7[%swap3A_1574, %swap3A_1575, %swap3A_1576] {strides = array<i32>} : memref<5x2x128xi32, #tpu.memory_space<vmem>>, vector<1x1x16xi32>,
      %swap3A_1578 = vector.shape_cast %swap3A_1577 : vector<1x1x16xi32> to vector<16xi32>
      %swap3A_1579 = vector.shape_cast %and3A_1571 : vector<16xi32> to vector<1x1x16xi32>
      tpu.vector_store %arg7[%swap3A_1574, %swap3A_1575, %swap3A_1576], %swap3A_1579 {strides = array<i32>} : memref<5x2x128xi32, #tpu.memory_space<vmem>>, vector<1x1x16xi32>,
      %shift_right_logical3A_1580 = arith.constant 16 : i32
      %shift_right_logical3A_1581 = vector.broadcast %shift_right_logical3A_1580 : i32 to vector<16xi32>
      %shift_right_logical3A_1582 = arith.shrui %get3A_1568, %shift_right_logical3A_1581 : vector<16xi32>
      %swap3A_1583 = arith.constant 0 : i32
      %swap3A_1584 = arith.constant 1 : i32
      %swap3A_1585 = arith.index_cast %swap3A_1583 : i32 to index
      %swap3A_1586 = arith.index_cast %swap3A_1584 : i32 to index
      %swap3A_1587 = arith.constant 48 : index
      %swap3A_1588 = tpu.vector_load %arg7[%swap3A_1585, %swap3A_1586, %swap3A_1587] {strides = array<i32>} : memref<5x2x128xi32, #tpu.memory_space<vmem>>, vector<1x1x16xi32>,
      %swap3A_1589 = vector.shape_cast %swap3A_1588 : vector<1x1x16xi32> to vector<16xi32>
      %swap3A_1590 = vector.shape_cast %shift_right_logical3A_1582 : vector<16xi32> to vector<1x1x16xi32>
      tpu.vector_store %arg7[%swap3A_1585, %swap3A_1586, %swap3A_1587], %swap3A_1590 {strides = array<i32>} : memref<5x2x128xi32, #tpu.memory_space<vmem>>, vector<1x1x16xi32>,
      %get3A_1591 = arith.constant 0 : i32
      %get3A_1592 = arith.index_cast %get3A_1591 : i32 to index
      %get3A_1593 = arith.constant 64 : index
      %get3A_1594 = tpu.vector_load %arg6[%get3A_1592, %get3A_1593] {strides = array<i32>} : memref<5x128xi32, #tpu.memory_space<vmem>>, vector<1x16xi32>,
      %get3A_1595 = vector.shape_cast %get3A_1594 : vector<1x16xi32> to vector<16xi32>
      %and3A_1596 = arith.constant 65535 : i32
      %and3A_1597 = vector.broadcast %and3A_1596 : i32 to vector<16xi32>
      %and3A_1598 = arith.andi %get3A_1595, %and3A_1597 : vector<16xi32>
      %swap3A_1599 = arith.constant 0 : i32
      %swap3A_1600 = arith.constant 0 : i32
      %swap3A_1601 = arith.index_cast %swap3A_1599 : i32 to index
      %swap3A_1602 = arith.index_cast %swap3A_1600 : i32 to index
      %swap3A_1603 = arith.constant 64 : index
      %swap3A_1604 = tpu.vector_load %arg7[%swap3A_1601, %swap3A_1602, %swap3A_1603] {strides = array<i32>} : memref<5x2x128xi32, #tpu.memory_space<vmem>>, vector<1x1x16xi32>,
      %swap3A_1605 = vector.shape_cast %swap3A_1604 : vector<1x1x16xi32> to vector<16xi32>
      %swap3A_1606 = vector.shape_cast %and3A_1598 : vector<16xi32> to vector<1x1x16xi32>
      tpu.vector_store %arg7[%swap3A_1601, %swap3A_1602, %swap3A_1603], %swap3A_1606 {strides = array<i32>} : memref<5x2x128xi32, #tpu.memory_space<vmem>>, vector<1x1x16xi32>,
      %shift_right_logical3A_1607 = arith.constant 16 : i32
      %shift_right_logical3A_1608 = vector.broadcast %shift_right_logical3A_1607 : i32 to vector<16xi32>
      %shift_right_logical3A_1609 = arith.shrui %get3A_1595, %shift_right_logical3A_1608 : vector<16xi32>
      %swap3A_1610 = arith.constant 0 : i32
      %swap3A_1611 = arith.constant 1 : i32
      %swap3A_1612 = arith.index_cast %swap3A_1610 : i32 to index
      %swap3A_1613 = arith.index_cast %swap3A_1611 : i32 to index
      %swap3A_1614 = arith.constant 64 : index
      %swap3A_1615 = tpu.vector_load %arg7[%swap3A_1612, %swap3A_1613, %swap3A_1614] {strides = array<i32>} : memref<5x2x128xi32, #tpu.memory_space<vmem>>, vector<1x1x16xi32>,
      %swap3A_1616 = vector.shape_cast %swap3A_1615 : vector<1x1x16xi32> to vector<16xi32>
      %swap3A_1617 = vector.shape_cast %shift_right_logical3A_1609 : vector<16xi32> to vector<1x1x16xi32>
      tpu.vector_store %arg7[%swap3A_1612, %swap3A_1613, %swap3A_1614], %swap3A_1617 {strides = array<i32>} : memref<5x2x128xi32, #tpu.memory_space<vmem>>, vector<1x1x16xi32>,
      %get3A_1618 = arith.constant 0 : i32
      %get3A_1619 = arith.index_cast %get3A_1618 : i32 to index
      %get3A_1620 = arith.constant 80 : index
      %get3A_1621 = tpu.vector_load %arg6[%get3A_1619, %get3A_1620] {strides = array<i32>} : memref<5x128xi32, #tpu.memory_space<vmem>>, vector<1x16xi32>,
      %get3A_1622 = vector.shape_cast %get3A_1621 : vector<1x16xi32> to vector<16xi32>
      %and3A_1623 = arith.constant 65535 : i32
      %and3A_1624 = vector.broadcast %and3A_1623 : i32 to vector<16xi32>
      %and3A_1625 = arith.andi %get3A_1622, %and3A_1624 : vector<16xi32>
      %swap3A_1626 = arith.constant 0 : i32
      %swap3A_1627 = arith.constant 0 : i32
      %swap3A_1628 = arith.index_cast %swap3A_1626 : i32 to index
      %swap3A_1629 = arith.index_cast %swap3A_1627 : i32 to index
      %swap3A_1630 = arith.constant 80 : index
      %swap3A_1631 = tpu.vector_load %arg7[%swap3A_1628, %swap3A_1629, %swap3A_1630] {strides = array<i32>} : memref<5x2x128xi32, #tpu.memory_space<vmem>>, vector<1x1x16xi32>,
      %swap3A_1632 = vector.shape_cast %swap3A_1631 : vector<1x1x16xi32> to vector<16xi32>
      %swap3A_1633 = vector.shape_cast %and3A_1625 : vector<16xi32> to vector<1x1x16xi32>
      tpu.vector_store %arg7[%swap3A_1628, %swap3A_1629, %swap3A_1630], %swap3A_1633 {strides = array<i32>} : memref<5x2x128xi32, #tpu.memory_space<vmem>>, vector<1x1x16xi32>,
      %shift_right_logical3A_1634 = arith.constant 16 : i32
      %shift_right_logical3A_1635 = vector.broadcast %shift_right_logical3A_1634 : i32 to vector<16xi32>
      %shift_right_logical3A_1636 = arith.shrui %get3A_1622, %shift_right_logical3A_1635 : vector<16xi32>
      %swap3A_1637 = arith.constant 0 : i32
      %swap3A_1638 = arith.constant 1 : i32
      %swap3A_1639 = arith.index_cast %swap3A_1637 : i32 to index
      %swap3A_1640 = arith.index_cast %swap3A_1638 : i32 to index
      %swap3A_1641 = arith.constant 80 : index
      %swap3A_1642 = tpu.vector_load %arg7[%swap3A_1639, %swap3A_1640, %swap3A_1641] {strides = array<i32>} : memref<5x2x128xi32, #tpu.memory_space<vmem>>, vector<1x1x16xi32>,
      %swap3A_1643 = vector.shape_cast %swap3A_1642 : vector<1x1x16xi32> to vector<16xi32>
      %swap3A_1644 = vector.shape_cast %shift_right_logical3A_1636 : vector<16xi32> to vector<1x1x16xi32>
      tpu.vector_store %arg7[%swap3A_1639, %swap3A_1640, %swap3A_1641], %swap3A_1644 {strides = array<i32>} : memref<5x2x128xi32, #tpu.memory_space<vmem>>, vector<1x1x16xi32>,
      %get3A_1645 = arith.constant 0 : i32
      %get3A_1646 = arith.index_cast %get3A_1645 : i32 to index
      %get3A_1647 = arith.constant 96 : index
      %get3A_1648 = tpu.vector_load %arg6[%get3A_1646, %get3A_1647] {strides = array<i32>} : memref<5x128xi32, #tpu.memory_space<vmem>>, vector<1x16xi32>,
      %get3A_1649 = vector.shape_cast %get3A_1648 : vector<1x16xi32> to vector<16xi32>
      %and3A_1650 = arith.constant 65535 : i32
      %and3A_1651 = vector.broadcast %and3A_1650 : i32 to vector<16xi32>
      %and3A_1652 = arith.andi %get3A_1649, %and3A_1651 : vector<16xi32>
      %swap3A_1653 = arith.constant 0 : i32
      %swap3A_1654 = arith.constant 0 : i32
      %swap3A_1655 = arith.index_cast %swap3A_1653 : i32 to index
      %swap3A_1656 = arith.index_cast %swap3A_1654 : i32 to index
      %swap3A_1657 = arith.constant 96 : index
      %swap3A_1658 = tpu.vector_load %arg7[%swap3A_1655, %swap3A_1656, %swap3A_1657] {strides = array<i32>} : memref<5x2x128xi32, #tpu.memory_space<vmem>>, vector<1x1x16xi32>,
      %swap3A_1659 = vector.shape_cast %swap3A_1658 : vector<1x1x16xi32> to vector<16xi32>
      %swap3A_1660 = vector.shape_cast %and3A_1652 : vector<16xi32> to vector<1x1x16xi32>
      tpu.vector_store %arg7[%swap3A_1655, %swap3A_1656, %swap3A_1657], %swap3A_1660 {strides = array<i32>} : memref<5x2x128xi32, #tpu.memory_space<vmem>>, vector<1x1x16xi32>,
      %shift_right_logical3A_1661 = arith.constant 16 : i32
      %shift_right_logical3A_1662 = vector.broadcast %shift_right_logical3A_1661 : i32 to vector<16xi32>
      %shift_right_logical3A_1663 = arith.shrui %get3A_1649, %shift_right_logical3A_1662 : vector<16xi32>
      %swap3A_1664 = arith.constant 0 : i32
      %swap3A_1665 = arith.constant 1 : i32
      %swap3A_1666 = arith.index_cast %swap3A_1664 : i32 to index
      %swap3A_1667 = arith.index_cast %swap3A_1665 : i32 to index
      %swap3A_1668 = arith.constant 96 : index
      %swap3A_1669 = tpu.vector_load %arg7[%swap3A_1666, %swap3A_1667, %swap3A_1668] {strides = array<i32>} : memref<5x2x128xi32, #tpu.memory_space<vmem>>, vector<1x1x16xi32>,
      %swap3A_1670 = vector.shape_cast %swap3A_1669 : vector<1x1x16xi32> to vector<16xi32>
      %swap3A_1671 = vector.shape_cast %shift_right_logical3A_1663 : vector<16xi32> to vector<1x1x16xi32>
      tpu.vector_store %arg7[%swap3A_1666, %swap3A_1667, %swap3A_1668], %swap3A_1671 {strides = array<i32>} : memref<5x2x128xi32, #tpu.memory_space<vmem>>, vector<1x1x16xi32>,
      %get3A_1672 = arith.constant 0 : i32
      %get3A_1673 = arith.index_cast %get3A_1672 : i32 to index
      %get3A_1674 = arith.constant 112 : index
      %get3A_1675 = tpu.vector_load %arg6[%get3A_1673, %get3A_1674] {strides = array<i32>} : memref<5x128xi32, #tpu.memory_space<vmem>>, vector<1x16xi32>,
      %get3A_1676 = vector.shape_cast %get3A_1675 : vector<1x16xi32> to vector<16xi32>
      %and3A_1677 = arith.constant 65535 : i32
      %and3A_1678 = vector.broadcast %and3A_1677 : i32 to vector<16xi32>
      %and3A_1679 = arith.andi %get3A_1676, %and3A_1678 : vector<16xi32>
      %swap3A_1680 = arith.constant 0 : i32
      %swap3A_1681 = arith.constant 0 : i32
      %swap3A_1682 = arith.index_cast %swap3A_1680 : i32 to index
      %swap3A_1683 = arith.index_cast %swap3A_1681 : i32 to index
      %swap3A_1684 = arith.constant 112 : index
      %swap3A_1685 = tpu.vector_load %arg7[%swap3A_1682, %swap3A_1683, %swap3A_1684] {strides = array<i32>} : memref<5x2x128xi32, #tpu.memory_space<vmem>>, vector<1x1x16xi32>,
      %swap3A_1686 = vector.shape_cast %swap3A_1685 : vector<1x1x16xi32> to vector<16xi32>
      %swap3A_1687 = vector.shape_cast %and3A_1679 : vector<16xi32> to vector<1x1x16xi32>
      tpu.vector_store %arg7[%swap3A_1682, %swap3A_1683, %swap3A_1684], %swap3A_1687 {strides = array<i32>} : memref<5x2x128xi32, #tpu.memory_space<vmem>>, vector<1x1x16xi32>,
      %shift_right_logical3A_1688 = arith.constant 16 : i32
      %shift_right_logical3A_1689 = vector.broadcast %shift_right_logical3A_1688 : i32 to vector<16xi32>
      %shift_right_logical3A_1690 = arith.shrui %get3A_1676, %shift_right_logical3A_1689 : vector<16xi32>
      %swap3A_1691 = arith.constant 0 : i32
      %swap3A_1692 = arith.constant 1 : i32
      %swap3A_1693 = arith.index_cast %swap3A_1691 : i32 to index
      %swap3A_1694 = arith.index_cast %swap3A_1692 : i32 to index
      %swap3A_1695 = arith.constant 112 : index
      %swap3A_1696 = tpu.vector_load %arg7[%swap3A_1693, %swap3A_1694, %swap3A_1695] {strides = array<i32>} : memref<5x2x128xi32, #tpu.memory_space<vmem>>, vector<1x1x16xi32>,
      %swap3A_1697 = vector.shape_cast %swap3A_1696 : vector<1x1x16xi32> to vector<16xi32>
      %swap3A_1698 = vector.shape_cast %shift_right_logical3A_1690 : vector<16xi32> to vector<1x1x16xi32>
      tpu.vector_store %arg7[%swap3A_1693, %swap3A_1694, %swap3A_1695], %swap3A_1698 {strides = array<i32>} : memref<5x2x128xi32, #tpu.memory_space<vmem>>, vector<1x1x16xi32>,
      %dma_start3A_1699 = arith.constant 0 : i32
      %dma_start3A_1700 = arith.constant 0 : i32
      %dma_start3A_1701 = arith.constant 0 : i32
      %dma_start3A_1702 = tpu.memref_slice %arg7[%dma_start3A_1699, %dma_start3A_1700, %dma_start3A_1701] : memref<5x2x128xi32, #tpu.memory_space<vmem>> -> memref<1x1x128xi32, #tpu.memory_space<vmem>>
      %dma_start3A_1703 = tpu.memref_squeeze %dma_start3A_1702 : memref<1x1x128xi32, #tpu.memory_space<vmem>> -> memref<128xi32, #tpu.memory_space<vmem>>
      %dma_start3A_1704 = arith.constant 0 : i32
      %dma_start3A_1705 = arith.constant 0 : i32
      %dma_start3A_1706 = tpu.memref_slice %arg13[%dma_start3A_1704, %dma_start3A_1705] : memref<10000x64xf32, #tpu.memory_space<vmem_shared>> -> memref<10000x64xf32, #tpu.memory_space<vmem_shared>>
      tpu.enqueue_indirect_dma source(%dma_start3A_1706 : memref<10000x64xf32, #tpu.memory_space<vmem_shared>>) target(%arg8 : memref<128x64xf32, #tpu.memory_space<vmem>>) offsets(%dma_start3A_1703 : memref<128xi32, #tpu.memory_space<vmem>>) semaphore(%arg20 : memref<!tpu.dma_semaphore, #tpu.memory_space<semaphore_mem>>)
      %dma_wait3A_1707 = arith.constant 3 : i32
      %dma_wait3A_1708 = arith.constant 0 : i32
      %dma_wait3A_1709 = arith.constant 0 : i32
      %dma_wait3A_1710 = tpu.memref_slice %arg7[%dma_wait3A_1707, %dma_wait3A_1708, %dma_wait3A_1709] : memref<5x2x128xi32, #tpu.memory_space<vmem>> -> memref<1x1x128xi32, #tpu.memory_space<vmem>>
      %dma_wait3A_1711 = tpu.memref_squeeze %dma_wait3A_1710 : memref<1x1x128xi32, #tpu.memory_space<vmem>> -> memref<128xi32, #tpu.memory_space<vmem>>
      %dma_wait3A_1712 = arith.constant 0 : i32
      %dma_wait3A_1713 = arith.constant 0 : i32
      %dma_wait3A_1714 = tpu.memref_slice %arg13[%dma_wait3A_1712, %dma_wait3A_1713] : memref<10000x64xf32, #tpu.memory_space<vmem_shared>> -> memref<10000x64xf32, #tpu.memory_space<vmem_shared>>
      tpu.wait_indirect_dma semaphore(%arg23 : memref<!tpu.dma_semaphore, #tpu.memory_space<semaphore_mem>>) src(%dma_wait3A_1714 : memref<10000x64xf32, #tpu.memory_space<vmem_shared>>) dst(%arg11 : memref<128x64xf32, #tpu.memory_space<vmem>>)
      %dma_start3A_1715 = arith.constant 3 : i32
      %dma_start3A_1716 = arith.constant 1 : i32
      %dma_start3A_1717 = arith.constant 0 : i32
      %dma_start3A_1718 = tpu.memref_slice %arg7[%dma_start3A_1715, %dma_start3A_1716, %dma_start3A_1717] : memref<5x2x128xi32, #tpu.memory_space<vmem>> -> memref<1x1x128xi32, #tpu.memory_space<vmem>>
      %dma_start3A_1719 = tpu.memref_squeeze %dma_start3A_1718 : memref<1x1x128xi32, #tpu.memory_space<vmem>> -> memref<128xi32, #tpu.memory_space<vmem>>
      %dma_start3A_1720 = arith.constant 0 : i32
      %dma_start3A_1721 = arith.constant 0 : i32
      %dma_start3A_1722 = tpu.memref_slice %arg14[%dma_start3A_1720, %dma_start3A_1721] : memref<10240x64xf32, #tpu.memory_space<vmem_shared>> -> memref<10240x64xf32, #tpu.memory_space<vmem_shared>>
      tpu.enqueue_indirect_dma source(%arg11 : memref<128x64xf32, #tpu.memory_space<vmem>>) target(%dma_start3A_1722 : memref<10240x64xf32, #tpu.memory_space<vmem_shared>>) offsets(%dma_start3A_1719 : memref<128xi32, #tpu.memory_space<vmem>>) semaphore(%arg28 : memref<!tpu.dma_semaphore, #tpu.memory_space<semaphore_mem>>) {add = true}
      %add3A_1723 = arith.constant 4 : i32
      %add3A_1724 = arith.addi %mul3A_613, %add3A_1723 : i32
      %add3A_1725 = arith.constant 2 : i32
      %add3A_1726 = arith.addi %add3A_1724, %add3A_1725 : i32
      %add3A_1727 = arith.constant 2 : i32
      %add3A_1728 = arith.addi %add3A_1726, %add3A_1727 : i32
      %dma_start3A_1729 = arith.constant 3 : i32
      %dma_start3A_1730 = arith.constant 0 : i32
      %dma_start3A_1731 = tpu.memref_slice %arg6[%dma_start3A_1729, %dma_start3A_1730] : memref<5x128xi32, #tpu.memory_space<vmem>> -> memref<1x128xi32, #tpu.memory_space<vmem>>
      %dma_start3A_1732 = tpu.memref_squeeze %dma_start3A_1731 : memref<1x128xi32, #tpu.memory_space<vmem>> -> memref<128xi32, #tpu.memory_space<vmem>>
      %dma_start3A_1733 = arith.constant 0 : i32
      %dma_start3A_1734 = tpu.memref_slice %arg3[%arg1, %add3A_1728, %dma_start3A_1733] : memref<16x164x128xi32, #tpu.memory_space<hbm>> -> memref<1x1x128xi32, #tpu.memory_space<hbm>>
      %dma_start3A_1735 = tpu.memref_squeeze %dma_start3A_1734 : memref<1x1x128xi32, #tpu.memory_space<hbm>> -> memref<128xi32, #tpu.memory_space<hbm>>
      %dma_start3A_1736 = arith.constant 0 : i32
      %dma_start3A_1737 = tpu.memref_slice %arg6[%dma_start3A_1729, %dma_start3A_1736] : memref<5x128xi32, #tpu.memory_space<vmem>> -> memref<1x128xi32, #tpu.memory_space<vmem>>
      %dma_start3A_1738 = tpu.memref_squeeze %dma_start3A_1737 : memref<1x128xi32, #tpu.memory_space<vmem>> -> memref<128xi32, #tpu.memory_space<vmem>>
      %dma_start3A_1739 = arith.constant 0 : i32
      %dma_start3A_1740 = tpu.memref_slice %arg3[%arg1, %add3A_1728, %dma_start3A_1739] : memref<16x164x128xi32, #tpu.memory_space<hbm>> -> memref<1x1x128xi32, #tpu.memory_space<hbm>>
      %dma_start3A_1741 = tpu.memref_squeeze %dma_start3A_1740 : memref<1x1x128xi32, #tpu.memory_space<hbm>> -> memref<128xi32, #tpu.memory_space<hbm>>
      tpu.enqueue_dma source(%dma_start3A_1741 : memref<128xi32, #tpu.memory_space<hbm>>) target(%dma_start3A_1738 : memref<128xi32, #tpu.memory_space<vmem>>) target_semaphore(%arg18 : memref<!tpu.dma_semaphore, #tpu.memory_space<semaphore_mem>>)
      %ge3A_1742 = arith.constant 3 : i32
      %ge3A_1743 = arith.cmpi sge, %add3A_1724, %ge3A_1742 : i32
      %convert_element_type3A_1744 = arith.extui %ge3A_1743 : i1 to i32
      %cond3A_1745 = arith.constant 0 : i32
      %cond3A_1746 = arith.cmpi ne, %convert_element_type3A_1744, %cond3A_1745 : i32
      scf.if %cond3A_1746 {
        %dma_wait3A_2001 = arith.constant 1 : i32
        %dma_wait3A_2002 = arith.constant 1 : i32
        %dma_wait3A_2003 = arith.constant 0 : i32
        %dma_wait3A_2004 = tpu.memref_slice %arg7[%dma_wait3A_2001, %dma_wait3A_2002, %dma_wait3A_2003] : memref<5x2x128xi32, #tpu.memory_space<vmem>> -> memref<1x1x128xi32, #tpu.memory_space<vmem>>
        %dma_wait3A_2005 = tpu.memref_squeeze %dma_wait3A_2004 : memref<1x1x128xi32, #tpu.memory_space<vmem>> -> memref<128xi32, #tpu.memory_space<vmem>>
        %dma_wait3A_2006 = arith.constant 0 : i32
        %dma_wait3A_2007 = arith.constant 0 : i32
        %dma_wait3A_2008 = tpu.memref_slice %arg14[%dma_wait3A_2006, %dma_wait3A_2007] : memref<10240x64xf32, #tpu.memory_space<vmem_shared>> -> memref<10240x64xf32, #tpu.memory_space<vmem_shared>>
        tpu.wait_indirect_dma semaphore(%arg26 : memref<!tpu.dma_semaphore, #tpu.memory_space<semaphore_mem>>) src(%arg9 : memref<128x64xf32, #tpu.memory_space<vmem>>) dst(%dma_wait3A_2008 : memref<10240x64xf32, #tpu.memory_space<vmem_shared>>)
      } else {
      }
      %dma_wait3A_1747 = arith.constant 0 : i32
      %dma_wait3A_1748 = arith.constant 1 : i32
      %dma_wait3A_1749 = arith.constant 0 : i32
      %dma_wait3A_1750 = tpu.memref_slice %arg6[%dma_wait3A_1748, %dma_wait3A_1749] : memref<5x128xi32, #tpu.memory_space<vmem>> -> memref<1x128xi32, #tpu.memory_space<vmem>>
      %dma_wait3A_1751 = tpu.memref_squeeze %dma_wait3A_1750 : memref<1x128xi32, #tpu.memory_space<vmem>> -> memref<128xi32, #tpu.memory_space<vmem>>
      %dma_wait3A_1752 = arith.constant 0 : i32
      %dma_wait3A_1753 = tpu.memref_slice %arg3[%arg1, %dma_wait3A_1747, %dma_wait3A_1752] : memref<16x164x128xi32, #tpu.memory_space<hbm>> -> memref<1x1x128xi32, #tpu.memory_space<hbm>>
      %dma_wait3A_1754 = tpu.memref_squeeze %dma_wait3A_1753 : memref<1x1x128xi32, #tpu.memory_space<hbm>> -> memref<128xi32, #tpu.memory_space<hbm>>
      %dma_wait3A_1755 = arith.constant 0 : i32
      %dma_wait3A_1756 = tpu.memref_slice %arg6[%dma_wait3A_1748, %dma_wait3A_1755] : memref<5x128xi32, #tpu.memory_space<vmem>> -> memref<1x128xi32, #tpu.memory_space<vmem>>
      %dma_wait3A_1757 = tpu.memref_squeeze %dma_wait3A_1756 : memref<1x128xi32, #tpu.memory_space<vmem>> -> memref<128xi32, #tpu.memory_space<vmem>>
      %dma_wait3A_1758 = arith.constant 0 : i32
      %dma_wait3A_1759 = tpu.memref_slice %arg3[%arg1, %dma_wait3A_1747, %dma_wait3A_1758] : memref<16x164x128xi32, #tpu.memory_space<hbm>> -> memref<1x1x128xi32, #tpu.memory_space<hbm>>
      %dma_wait3A_1760 = tpu.memref_squeeze %dma_wait3A_1759 : memref<1x1x128xi32, #tpu.memory_space<hbm>> -> memref<128xi32, #tpu.memory_space<hbm>>
      tpu.wait_dma2 semaphore(%arg16 : memref<!tpu.dma_semaphore, #tpu.memory_space<semaphore_mem>>) src(%dma_wait3A_1760 : memref<128xi32, #tpu.memory_space<hbm>>) dst(%dma_wait3A_1757 : memref<128xi32, #tpu.memory_space<vmem>>)
      %get3A_1761 = arith.constant 1 : i32
      %get3A_1762 = arith.index_cast %get3A_1761 : i32 to index
      %get3A_1763 = arith.constant 0 : index
      %get3A_1764 = tpu.vector_load %arg6[%get3A_1762, %get3A_1763] {strides = array<i32>} : memref<5x128xi32, #tpu.memory_space<vmem>>, vector<1x16xi32>,
      %get3A_1765 = vector.shape_cast %get3A_1764 : vector<1x16xi32> to vector<16xi32>
      %and3A_1766 = arith.constant 65535 : i32
      %and3A_1767 = vector.broadcast %and3A_1766 : i32 to vector<16xi32>
      %and3A_1768 = arith.andi %get3A_1765, %and3A_1767 : vector<16xi32>
      %swap3A_1769 = arith.constant 1 : i32
      %swap3A_1770 = arith.constant 0 : i32
      %swap3A_1771 = arith.index_cast %swap3A_1769 : i32 to index
      %swap3A_1772 = arith.index_cast %swap3A_1770 : i32 to index
      %swap3A_1773 = arith.constant 0 : index
      %swap3A_1774 = tpu.vector_load %arg7[%swap3A_1771, %swap3A_1772, %swap3A_1773] {strides = array<i32>} : memref<5x2x128xi32, #tpu.memory_space<vmem>>, vector<1x1x16xi32>,
      %swap3A_1775 = vector.shape_cast %swap3A_1774 : vector<1x1x16xi32> to vector<16xi32>
      %swap3A_1776 = vector.shape_cast %and3A_1768 : vector<16xi32> to vector<1x1x16xi32>
      tpu.vector_store %arg7[%swap3A_1771, %swap3A_1772, %swap3A_1773], %swap3A_1776 {strides = array<i32>} : memref<5x2x128xi32, #tpu.memory_space<vmem>>, vector<1x1x16xi32>,
      %shift_right_logical3A_1777 = arith.constant 16 : i32
      %shift_right_logical3A_1778 = vector.broadcast %shift_right_logical3A_1777 : i32 to vector<16xi32>
      %shift_right_logical3A_1779 = arith.shrui %get3A_1765, %shift_right_logical3A_1778 : vector<16xi32>
      %swap3A_1780 = arith.constant 1 : i32
      %swap3A_1781 = arith.constant 1 : i32
      %swap3A_1782 = arith.index_cast %swap3A_1780 : i32 to index
      %swap3A_1783 = arith.index_cast %swap3A_1781 : i32 to index
      %swap3A_1784 = arith.constant 0 : index
      %swap3A_1785 = tpu.vector_load %arg7[%swap3A_1782, %swap3A_1783, %swap3A_1784] {strides = array<i32>} : memref<5x2x128xi32, #tpu.memory_space<vmem>>, vector<1x1x16xi32>,
      %swap3A_1786 = vector.shape_cast %swap3A_1785 : vector<1x1x16xi32> to vector<16xi32>
      %swap3A_1787 = vector.shape_cast %shift_right_logical3A_1779 : vector<16xi32> to vector<1x1x16xi32>
      tpu.vector_store %arg7[%swap3A_1782, %swap3A_1783, %swap3A_1784], %swap3A_1787 {strides = array<i32>} : memref<5x2x128xi32, #tpu.memory_space<vmem>>, vector<1x1x16xi32>,
      %get3A_1788 = arith.constant 1 : i32
      %get3A_1789 = arith.index_cast %get3A_1788 : i32 to index
      %get3A_1790 = arith.constant 16 : index
      %get3A_1791 = tpu.vector_load %arg6[%get3A_1789, %get3A_1790] {strides = array<i32>} : memref<5x128xi32, #tpu.memory_space<vmem>>, vector<1x16xi32>,
      %get3A_1792 = vector.shape_cast %get3A_1791 : vector<1x16xi32> to vector<16xi32>
      %and3A_1793 = arith.constant 65535 : i32
      %and3A_1794 = vector.broadcast %and3A_1793 : i32 to vector<16xi32>
      %and3A_1795 = arith.andi %get3A_1792, %and3A_1794 : vector<16xi32>
      %swap3A_1796 = arith.constant 1 : i32
      %swap3A_1797 = arith.constant 0 : i32
      %swap3A_1798 = arith.index_cast %swap3A_1796 : i32 to index
      %swap3A_1799 = arith.index_cast %swap3A_1797 : i32 to index
      %swap3A_1800 = arith.constant 16 : index
      %swap3A_1801 = tpu.vector_load %arg7[%swap3A_1798, %swap3A_1799, %swap3A_1800] {strides = array<i32>} : memref<5x2x128xi32, #tpu.memory_space<vmem>>, vector<1x1x16xi32>,
      %swap3A_1802 = vector.shape_cast %swap3A_1801 : vector<1x1x16xi32> to vector<16xi32>
      %swap3A_1803 = vector.shape_cast %and3A_1795 : vector<16xi32> to vector<1x1x16xi32>
      tpu.vector_store %arg7[%swap3A_1798, %swap3A_1799, %swap3A_1800], %swap3A_1803 {strides = array<i32>} : memref<5x2x128xi32, #tpu.memory_space<vmem>>, vector<1x1x16xi32>,
      %shift_right_logical3A_1804 = arith.constant 16 : i32
      %shift_right_logical3A_1805 = vector.broadcast %shift_right_logical3A_1804 : i32 to vector<16xi32>
      %shift_right_logical3A_1806 = arith.shrui %get3A_1792, %shift_right_logical3A_1805 : vector<16xi32>
      %swap3A_1807 = arith.constant 1 : i32
      %swap3A_1808 = arith.constant 1 : i32
      %swap3A_1809 = arith.index_cast %swap3A_1807 : i32 to index
      %swap3A_1810 = arith.index_cast %swap3A_1808 : i32 to index
      %swap3A_1811 = arith.constant 16 : index
      %swap3A_1812 = tpu.vector_load %arg7[%swap3A_1809, %swap3A_1810, %swap3A_1811] {strides = array<i32>} : memref<5x2x128xi32, #tpu.memory_space<vmem>>, vector<1x1x16xi32>,
      %swap3A_1813 = vector.shape_cast %swap3A_1812 : vector<1x1x16xi32> to vector<16xi32>
      %swap3A_1814 = vector.shape_cast %shift_right_logical3A_1806 : vector<16xi32> to vector<1x1x16xi32>
      tpu.vector_store %arg7[%swap3A_1809, %swap3A_1810, %swap3A_1811], %swap3A_1814 {strides = array<i32>} : memref<5x2x128xi32, #tpu.memory_space<vmem>>, vector<1x1x16xi32>,
      %get3A_1815 = arith.constant 1 : i32
      %get3A_1816 = arith.index_cast %get3A_1815 : i32 to index
      %get3A_1817 = arith.constant 32 : index
      %get3A_1818 = tpu.vector_load %arg6[%get3A_1816, %get3A_1817] {strides = array<i32>} : memref<5x128xi32, #tpu.memory_space<vmem>>, vector<1x16xi32>,
      %get3A_1819 = vector.shape_cast %get3A_1818 : vector<1x16xi32> to vector<16xi32>
      %and3A_1820 = arith.constant 65535 : i32
      %and3A_1821 = vector.broadcast %and3A_1820 : i32 to vector<16xi32>
      %and3A_1822 = arith.andi %get3A_1819, %and3A_1821 : vector<16xi32>
      %swap3A_1823 = arith.constant 1 : i32
      %swap3A_1824 = arith.constant 0 : i32
      %swap3A_1825 = arith.index_cast %swap3A_1823 : i32 to index
      %swap3A_1826 = arith.index_cast %swap3A_1824 : i32 to index
      %swap3A_1827 = arith.constant 32 : index
      %swap3A_1828 = tpu.vector_load %arg7[%swap3A_1825, %swap3A_1826, %swap3A_1827] {strides = array<i32>} : memref<5x2x128xi32, #tpu.memory_space<vmem>>, vector<1x1x16xi32>,
      %swap3A_1829 = vector.shape_cast %swap3A_1828 : vector<1x1x16xi32> to vector<16xi32>
      %swap3A_1830 = vector.shape_cast %and3A_1822 : vector<16xi32> to vector<1x1x16xi32>
      tpu.vector_store %arg7[%swap3A_1825, %swap3A_1826, %swap3A_1827], %swap3A_1830 {strides = array<i32>} : memref<5x2x128xi32, #tpu.memory_space<vmem>>, vector<1x1x16xi32>,
      %shift_right_logical3A_1831 = arith.constant 16 : i32
      %shift_right_logical3A_1832 = vector.broadcast %shift_right_logical3A_1831 : i32 to vector<16xi32>
      %shift_right_logical3A_1833 = arith.shrui %get3A_1819, %shift_right_logical3A_1832 : vector<16xi32>
      %swap3A_1834 = arith.constant 1 : i32
      %swap3A_1835 = arith.constant 1 : i32
      %swap3A_1836 = arith.index_cast %swap3A_1834 : i32 to index
      %swap3A_1837 = arith.index_cast %swap3A_1835 : i32 to index
      %swap3A_1838 = arith.constant 32 : index
      %swap3A_1839 = tpu.vector_load %arg7[%swap3A_1836, %swap3A_1837, %swap3A_1838] {strides = array<i32>} : memref<5x2x128xi32, #tpu.memory_space<vmem>>, vector<1x1x16xi32>,
      %swap3A_1840 = vector.shape_cast %swap3A_1839 : vector<1x1x16xi32> to vector<16xi32>
      %swap3A_1841 = vector.shape_cast %shift_right_logical3A_1833 : vector<16xi32> to vector<1x1x16xi32>
      tpu.vector_store %arg7[%swap3A_1836, %swap3A_1837, %swap3A_1838], %swap3A_1841 {strides = array<i32>} : memref<5x2x128xi32, #tpu.memory_space<vmem>>, vector<1x1x16xi32>,
      %get3A_1842 = arith.constant 1 : i32
      %get3A_1843 = arith.index_cast %get3A_1842 : i32 to index
      %get3A_1844 = arith.constant 48 : index
      %get3A_1845 = tpu.vector_load %arg6[%get3A_1843, %get3A_1844] {strides = array<i32>} : memref<5x128xi32, #tpu.memory_space<vmem>>, vector<1x16xi32>,
      %get3A_1846 = vector.shape_cast %get3A_1845 : vector<1x16xi32> to vector<16xi32>
      %and3A_1847 = arith.constant 65535 : i32
      %and3A_1848 = vector.broadcast %and3A_1847 : i32 to vector<16xi32>
      %and3A_1849 = arith.andi %get3A_1846, %and3A_1848 : vector<16xi32>
      %swap3A_1850 = arith.constant 1 : i32
      %swap3A_1851 = arith.constant 0 : i32
      %swap3A_1852 = arith.index_cast %swap3A_1850 : i32 to index
      %swap3A_1853 = arith.index_cast %swap3A_1851 : i32 to index
      %swap3A_1854 = arith.constant 48 : index
      %swap3A_1855 = tpu.vector_load %arg7[%swap3A_1852, %swap3A_1853, %swap3A_1854] {strides = array<i32>} : memref<5x2x128xi32, #tpu.memory_space<vmem>>, vector<1x1x16xi32>,
      %swap3A_1856 = vector.shape_cast %swap3A_1855 : vector<1x1x16xi32> to vector<16xi32>
      %swap3A_1857 = vector.shape_cast %and3A_1849 : vector<16xi32> to vector<1x1x16xi32>
      tpu.vector_store %arg7[%swap3A_1852, %swap3A_1853, %swap3A_1854], %swap3A_1857 {strides = array<i32>} : memref<5x2x128xi32, #tpu.memory_space<vmem>>, vector<1x1x16xi32>,
      %shift_right_logical3A_1858 = arith.constant 16 : i32
      %shift_right_logical3A_1859 = vector.broadcast %shift_right_logical3A_1858 : i32 to vector<16xi32>
      %shift_right_logical3A_1860 = arith.shrui %get3A_1846, %shift_right_logical3A_1859 : vector<16xi32>
      %swap3A_1861 = arith.constant 1 : i32
      %swap3A_1862 = arith.constant 1 : i32
      %swap3A_1863 = arith.index_cast %swap3A_1861 : i32 to index
      %swap3A_1864 = arith.index_cast %swap3A_1862 : i32 to index
      %swap3A_1865 = arith.constant 48 : index
      %swap3A_1866 = tpu.vector_load %arg7[%swap3A_1863, %swap3A_1864, %swap3A_1865] {strides = array<i32>} : memref<5x2x128xi32, #tpu.memory_space<vmem>>, vector<1x1x16xi32>,
      %swap3A_1867 = vector.shape_cast %swap3A_1866 : vector<1x1x16xi32> to vector<16xi32>
      %swap3A_1868 = vector.shape_cast %shift_right_logical3A_1860 : vector<16xi32> to vector<1x1x16xi32>
      tpu.vector_store %arg7[%swap3A_1863, %swap3A_1864, %swap3A_1865], %swap3A_1868 {strides = array<i32>} : memref<5x2x128xi32, #tpu.memory_space<vmem>>, vector<1x1x16xi32>,
      %get3A_1869 = arith.constant 1 : i32
      %get3A_1870 = arith.index_cast %get3A_1869 : i32 to index
      %get3A_1871 = arith.constant 64 : index
      %get3A_1872 = tpu.vector_load %arg6[%get3A_1870, %get3A_1871] {strides = array<i32>} : memref<5x128xi32, #tpu.memory_space<vmem>>, vector<1x16xi32>,
      %get3A_1873 = vector.shape_cast %get3A_1872 : vector<1x16xi32> to vector<16xi32>
      %and3A_1874 = arith.constant 65535 : i32
      %and3A_1875 = vector.broadcast %and3A_1874 : i32 to vector<16xi32>
      %and3A_1876 = arith.andi %get3A_1873, %and3A_1875 : vector<16xi32>
      %swap3A_1877 = arith.constant 1 : i32
      %swap3A_1878 = arith.constant 0 : i32
      %swap3A_1879 = arith.index_cast %swap3A_1877 : i32 to index
      %swap3A_1880 = arith.index_cast %swap3A_1878 : i32 to index
      %swap3A_1881 = arith.constant 64 : index
      %swap3A_1882 = tpu.vector_load %arg7[%swap3A_1879, %swap3A_1880, %swap3A_1881] {strides = array<i32>} : memref<5x2x128xi32, #tpu.memory_space<vmem>>, vector<1x1x16xi32>,
      %swap3A_1883 = vector.shape_cast %swap3A_1882 : vector<1x1x16xi32> to vector<16xi32>
      %swap3A_1884 = vector.shape_cast %and3A_1876 : vector<16xi32> to vector<1x1x16xi32>
      tpu.vector_store %arg7[%swap3A_1879, %swap3A_1880, %swap3A_1881], %swap3A_1884 {strides = array<i32>} : memref<5x2x128xi32, #tpu.memory_space<vmem>>, vector<1x1x16xi32>,
      %shift_right_logical3A_1885 = arith.constant 16 : i32
      %shift_right_logical3A_1886 = vector.broadcast %shift_right_logical3A_1885 : i32 to vector<16xi32>
      %shift_right_logical3A_1887 = arith.shrui %get3A_1873, %shift_right_logical3A_1886 : vector<16xi32>
      %swap3A_1888 = arith.constant 1 : i32
      %swap3A_1889 = arith.constant 1 : i32
      %swap3A_1890 = arith.index_cast %swap3A_1888 : i32 to index
      %swap3A_1891 = arith.index_cast %swap3A_1889 : i32 to index
      %swap3A_1892 = arith.constant 64 : index
      %swap3A_1893 = tpu.vector_load %arg7[%swap3A_1890, %swap3A_1891, %swap3A_1892] {strides = array<i32>} : memref<5x2x128xi32, #tpu.memory_space<vmem>>, vector<1x1x16xi32>,
      %swap3A_1894 = vector.shape_cast %swap3A_1893 : vector<1x1x16xi32> to vector<16xi32>
      %swap3A_1895 = vector.shape_cast %shift_right_logical3A_1887 : vector<16xi32> to vector<1x1x16xi32>
      tpu.vector_store %arg7[%swap3A_1890, %swap3A_1891, %swap3A_1892], %swap3A_1895 {strides = array<i32>} : memref<5x2x128xi32, #tpu.memory_space<vmem>>, vector<1x1x16xi32>,
      %get3A_1896 = arith.constant 1 : i32
      %get3A_1897 = arith.index_cast %get3A_1896 : i32 to index
      %get3A_1898 = arith.constant 80 : index
      %get3A_1899 = tpu.vector_load %arg6[%get3A_1897, %get3A_1898] {strides = array<i32>} : memref<5x128xi32, #tpu.memory_space<vmem>>, vector<1x16xi32>,
      %get3A_1900 = vector.shape_cast %get3A_1899 : vector<1x16xi32> to vector<16xi32>
      %and3A_1901 = arith.constant 65535 : i32
      %and3A_1902 = vector.broadcast %and3A_1901 : i32 to vector<16xi32>
      %and3A_1903 = arith.andi %get3A_1900, %and3A_1902 : vector<16xi32>
      %swap3A_1904 = arith.constant 1 : i32
      %swap3A_1905 = arith.constant 0 : i32
      %swap3A_1906 = arith.index_cast %swap3A_1904 : i32 to index
      %swap3A_1907 = arith.index_cast %swap3A_1905 : i32 to index
      %swap3A_1908 = arith.constant 80 : index
      %swap3A_1909 = tpu.vector_load %arg7[%swap3A_1906, %swap3A_1907, %swap3A_1908] {strides = array<i32>} : memref<5x2x128xi32, #tpu.memory_space<vmem>>, vector<1x1x16xi32>,
      %swap3A_1910 = vector.shape_cast %swap3A_1909 : vector<1x1x16xi32> to vector<16xi32>
      %swap3A_1911 = vector.shape_cast %and3A_1903 : vector<16xi32> to vector<1x1x16xi32>
      tpu.vector_store %arg7[%swap3A_1906, %swap3A_1907, %swap3A_1908], %swap3A_1911 {strides = array<i32>} : memref<5x2x128xi32, #tpu.memory_space<vmem>>, vector<1x1x16xi32>,
      %shift_right_logical3A_1912 = arith.constant 16 : i32
      %shift_right_logical3A_1913 = vector.broadcast %shift_right_logical3A_1912 : i32 to vector<16xi32>
      %shift_right_logical3A_1914 = arith.shrui %get3A_1900, %shift_right_logical3A_1913 : vector<16xi32>
      %swap3A_1915 = arith.constant 1 : i32
      %swap3A_1916 = arith.constant 1 : i32
      %swap3A_1917 = arith.index_cast %swap3A_1915 : i32 to index
      %swap3A_1918 = arith.index_cast %swap3A_1916 : i32 to index
      %swap3A_1919 = arith.constant 80 : index
      %swap3A_1920 = tpu.vector_load %arg7[%swap3A_1917, %swap3A_1918, %swap3A_1919] {strides = array<i32>} : memref<5x2x128xi32, #tpu.memory_space<vmem>>, vector<1x1x16xi32>,
      %swap3A_1921 = vector.shape_cast %swap3A_1920 : vector<1x1x16xi32> to vector<16xi32>
      %swap3A_1922 = vector.shape_cast %shift_right_logical3A_1914 : vector<16xi32> to vector<1x1x16xi32>
      tpu.vector_store %arg7[%swap3A_1917, %swap3A_1918, %swap3A_1919], %swap3A_1922 {strides = array<i32>} : memref<5x2x128xi32, #tpu.memory_space<vmem>>, vector<1x1x16xi32>,
      %get3A_1923 = arith.constant 1 : i32
      %get3A_1924 = arith.index_cast %get3A_1923 : i32 to index
      %get3A_1925 = arith.constant 96 : index
      %get3A_1926 = tpu.vector_load %arg6[%get3A_1924, %get3A_1925] {strides = array<i32>} : memref<5x128xi32, #tpu.memory_space<vmem>>, vector<1x16xi32>,
      %get3A_1927 = vector.shape_cast %get3A_1926 : vector<1x16xi32> to vector<16xi32>
      %and3A_1928 = arith.constant 65535 : i32
      %and3A_1929 = vector.broadcast %and3A_1928 : i32 to vector<16xi32>
      %and3A_1930 = arith.andi %get3A_1927, %and3A_1929 : vector<16xi32>
      %swap3A_1931 = arith.constant 1 : i32
      %swap3A_1932 = arith.constant 0 : i32
      %swap3A_1933 = arith.index_cast %swap3A_1931 : i32 to index
      %swap3A_1934 = arith.index_cast %swap3A_1932 : i32 to index
      %swap3A_1935 = arith.constant 96 : index
      %swap3A_1936 = tpu.vector_load %arg7[%swap3A_1933, %swap3A_1934, %swap3A_1935] {strides = array<i32>} : memref<5x2x128xi32, #tpu.memory_space<vmem>>, vector<1x1x16xi32>,
      %swap3A_1937 = vector.shape_cast %swap3A_1936 : vector<1x1x16xi32> to vector<16xi32>
      %swap3A_1938 = vector.shape_cast %and3A_1930 : vector<16xi32> to vector<1x1x16xi32>
      tpu.vector_store %arg7[%swap3A_1933, %swap3A_1934, %swap3A_1935], %swap3A_1938 {strides = array<i32>} : memref<5x2x128xi32, #tpu.memory_space<vmem>>, vector<1x1x16xi32>,
      %shift_right_logical3A_1939 = arith.constant 16 : i32
      %shift_right_logical3A_1940 = vector.broadcast %shift_right_logical3A_1939 : i32 to vector<16xi32>
      %shift_right_logical3A_1941 = arith.shrui %get3A_1927, %shift_right_logical3A_1940 : vector<16xi32>
      %swap3A_1942 = arith.constant 1 : i32
      %swap3A_1943 = arith.constant 1 : i32
      %swap3A_1944 = arith.index_cast %swap3A_1942 : i32 to index
      %swap3A_1945 = arith.index_cast %swap3A_1943 : i32 to index
      %swap3A_1946 = arith.constant 96 : index
      %swap3A_1947 = tpu.vector_load %arg7[%swap3A_1944, %swap3A_1945, %swap3A_1946] {strides = array<i32>} : memref<5x2x128xi32, #tpu.memory_space<vmem>>, vector<1x1x16xi32>,
      %swap3A_1948 = vector.shape_cast %swap3A_1947 : vector<1x1x16xi32> to vector<16xi32>
      %swap3A_1949 = vector.shape_cast %shift_right_logical3A_1941 : vector<16xi32> to vector<1x1x16xi32>
      tpu.vector_store %arg7[%swap3A_1944, %swap3A_1945, %swap3A_1946], %swap3A_1949 {strides = array<i32>} : memref<5x2x128xi32, #tpu.memory_space<vmem>>, vector<1x1x16xi32>,
      %get3A_1950 = arith.constant 1 : i32
      %get3A_1951 = arith.index_cast %get3A_1950 : i32 to index
      %get3A_1952 = arith.constant 112 : index
      %get3A_1953 = tpu.vector_load %arg6[%get3A_1951, %get3A_1952] {strides = array<i32>} : memref<5x128xi32, #tpu.memory_space<vmem>>, vector<1x16xi32>,
      %get3A_1954 = vector.shape_cast %get3A_1953 : vector<1x16xi32> to vector<16xi32>
      %and3A_1955 = arith.constant 65535 : i32
      %and3A_1956 = vector.broadcast %and3A_1955 : i32 to vector<16xi32>
      %and3A_1957 = arith.andi %get3A_1954, %and3A_1956 : vector<16xi32>
      %swap3A_1958 = arith.constant 1 : i32
      %swap3A_1959 = arith.constant 0 : i32
      %swap3A_1960 = arith.index_cast %swap3A_1958 : i32 to index
      %swap3A_1961 = arith.index_cast %swap3A_1959 : i32 to index
      %swap3A_1962 = arith.constant 112 : index
      %swap3A_1963 = tpu.vector_load %arg7[%swap3A_1960, %swap3A_1961, %swap3A_1962] {strides = array<i32>} : memref<5x2x128xi32, #tpu.memory_space<vmem>>, vector<1x1x16xi32>,
      %swap3A_1964 = vector.shape_cast %swap3A_1963 : vector<1x1x16xi32> to vector<16xi32>
      %swap3A_1965 = vector.shape_cast %and3A_1957 : vector<16xi32> to vector<1x1x16xi32>
      tpu.vector_store %arg7[%swap3A_1960, %swap3A_1961, %swap3A_1962], %swap3A_1965 {strides = array<i32>} : memref<5x2x128xi32, #tpu.memory_space<vmem>>, vector<1x1x16xi32>,
      %shift_right_logical3A_1966 = arith.constant 16 : i32
      %shift_right_logical3A_1967 = vector.broadcast %shift_right_logical3A_1966 : i32 to vector<16xi32>
      %shift_right_logical3A_1968 = arith.shrui %get3A_1954, %shift_right_logical3A_1967 : vector<16xi32>
      %swap3A_1969 = arith.constant 1 : i32
      %swap3A_1970 = arith.constant 1 : i32
      %swap3A_1971 = arith.index_cast %swap3A_1969 : i32 to index
      %swap3A_1972 = arith.index_cast %swap3A_1970 : i32 to index
      %swap3A_1973 = arith.constant 112 : index
      %swap3A_1974 = tpu.vector_load %arg7[%swap3A_1971, %swap3A_1972, %swap3A_1973] {strides = array<i32>} : memref<5x2x128xi32, #tpu.memory_space<vmem>>, vector<1x1x16xi32>,
      %swap3A_1975 = vector.shape_cast %swap3A_1974 : vector<1x1x16xi32> to vector<16xi32>
      %swap3A_1976 = vector.shape_cast %shift_right_logical3A_1968 : vector<16xi32> to vector<1x1x16xi32>
      tpu.vector_store %arg7[%swap3A_1971, %swap3A_1972, %swap3A_1973], %swap3A_1976 {strides = array<i32>} : memref<5x2x128xi32, #tpu.memory_space<vmem>>, vector<1x1x16xi32>,
      %dma_start3A_1977 = arith.constant 1 : i32
      %dma_start3A_1978 = arith.constant 0 : i32
      %dma_start3A_1979 = arith.constant 0 : i32
      %dma_start3A_1980 = tpu.memref_slice %arg7[%dma_start3A_1977, %dma_start3A_1978, %dma_start3A_1979] : memref<5x2x128xi32, #tpu.memory_space<vmem>> -> memref<1x1x128xi32, #tpu.memory_space<vmem>>
      %dma_start3A_1981 = tpu.memref_squeeze %dma_start3A_1980 : memref<1x1x128xi32, #tpu.memory_space<vmem>> -> memref<128xi32, #tpu.memory_space<vmem>>
      %dma_start3A_1982 = arith.constant 0 : i32
      %dma_start3A_1983 = arith.constant 0 : i32
      %dma_start3A_1984 = tpu.memref_slice %arg13[%dma_start3A_1982, %dma_start3A_1983] : memref<10000x64xf32, #tpu.memory_space<vmem_shared>> -> memref<10000x64xf32, #tpu.memory_space<vmem_shared>>
      tpu.enqueue_indirect_dma source(%dma_start3A_1984 : memref<10000x64xf32, #tpu.memory_space<vmem_shared>>) target(%arg9 : memref<128x64xf32, #tpu.memory_space<vmem>>) offsets(%dma_start3A_1981 : memref<128xi32, #tpu.memory_space<vmem>>) semaphore(%arg21 : memref<!tpu.dma_semaphore, #tpu.memory_space<semaphore_mem>>)
      %dma_wait3A_1985 = arith.constant 4 : i32
      %dma_wait3A_1986 = arith.constant 0 : i32
      %dma_wait3A_1987 = arith.constant 0 : i32
      %dma_wait3A_1988 = tpu.memref_slice %arg7[%dma_wait3A_1985, %dma_wait3A_1986, %dma_wait3A_1987] : memref<5x2x128xi32, #tpu.memory_space<vmem>> -> memref<1x1x128xi32, #tpu.memory_space<vmem>>
      %dma_wait3A_1989 = tpu.memref_squeeze %dma_wait3A_1988 : memref<1x1x128xi32, #tpu.memory_space<vmem>> -> memref<128xi32, #tpu.memory_space<vmem>>
      %dma_wait3A_1990 = arith.constant 0 : i32
      %dma_wait3A_1991 = arith.constant 0 : i32
      %dma_wait3A_1992 = tpu.memref_slice %arg13[%dma_wait3A_1990, %dma_wait3A_1991] : memref<10000x64xf32, #tpu.memory_space<vmem_shared>> -> memref<10000x64xf32, #tpu.memory_space<vmem_shared>>
      tpu.wait_indirect_dma semaphore(%arg24 : memref<!tpu.dma_semaphore, #tpu.memory_space<semaphore_mem>>) src(%dma_wait3A_1992 : memref<10000x64xf32, #tpu.memory_space<vmem_shared>>) dst(%arg12 : memref<128x64xf32, #tpu.memory_space<vmem>>)
      %dma_start3A_1993 = arith.constant 4 : i32
      %dma_start3A_1994 = arith.constant 1 : i32
      %dma_start3A_1995 = arith.constant 0 : i32
      %dma_start3A_1996 = tpu.memref_slice %arg7[%dma_start3A_1993, %dma_start3A_1994, %dma_start3A_1995] : memref<5x2x128xi32, #tpu.memory_space<vmem>> -> memref<1x1x128xi32, #tpu.memory_space<vmem>>
      %dma_start3A_1997 = tpu.memref_squeeze %dma_start3A_1996 : memref<1x1x128xi32, #tpu.memory_space<vmem>> -> memref<128xi32, #tpu.memory_space<vmem>>
      %dma_start3A_1998 = arith.constant 0 : i32
      %dma_start3A_1999 = arith.constant 0 : i32
      %dma_start3A_2000 = tpu.memref_slice %arg14[%dma_start3A_1998, %dma_start3A_1999] : memref<10240x64xf32, #tpu.memory_space<vmem_shared>> -> memref<10240x64xf32, #tpu.memory_space<vmem_shared>>
      tpu.enqueue_indirect_dma source(%arg12 : memref<128x64xf32, #tpu.memory_space<vmem>>) target(%dma_start3A_2000 : memref<10240x64xf32, #tpu.memory_space<vmem_shared>>) offsets(%dma_start3A_1997 : memref<128xi32, #tpu.memory_space<vmem>>) semaphore(%arg29 : memref<!tpu.dma_semaphore, #tpu.memory_space<semaphore_mem>>) {add = true}
    }
    %scan3A_537 = arith.constant 32 : i32
    %dma_wait3A_538 = arith.constant 0 : i32
    %dma_wait3A_539 = arith.constant 0 : i32
    %dma_wait3A_540 = arith.constant 0 : i32
    %dma_wait3A_541 = tpu.memref_slice %arg7[%dma_wait3A_538, %dma_wait3A_539, %dma_wait3A_540] : memref<5x2x128xi32, #tpu.memory_space<vmem>> -> memref<1x1x128xi32, #tpu.memory_space<vmem>>
    %dma_wait3A_542 = tpu.memref_squeeze %dma_wait3A_541 : memref<1x1x128xi32, #tpu.memory_space<vmem>> -> memref<128xi32, #tpu.memory_space<vmem>>
    %dma_wait3A_543 = arith.constant 0 : i32
    %dma_wait3A_544 = arith.constant 0 : i32
    %dma_wait3A_545 = tpu.memref_slice %arg13[%dma_wait3A_543, %dma_wait3A_544] : memref<10000x64xf32, #tpu.memory_space<vmem_shared>> -> memref<10000x64xf32, #tpu.memory_space<vmem_shared>>
    tpu.wait_indirect_dma semaphore(%arg20 : memref<!tpu.dma_semaphore, #tpu.memory_space<semaphore_mem>>) src(%dma_wait3A_545 : memref<10000x64xf32, #tpu.memory_space<vmem_shared>>) dst(%arg8 : memref<128x64xf32, #tpu.memory_space<vmem>>)
    %dma_wait3A_546 = arith.constant 1 : i32
    %dma_wait3A_547 = arith.constant 0 : i32
    %dma_wait3A_548 = arith.constant 0 : i32
    %dma_wait3A_549 = tpu.memref_slice %arg7[%dma_wait3A_546, %dma_wait3A_547, %dma_wait3A_548] : memref<5x2x128xi32, #tpu.memory_space<vmem>> -> memref<1x1x128xi32, #tpu.memory_space<vmem>>
    %dma_wait3A_550 = tpu.memref_squeeze %dma_wait3A_549 : memref<1x1x128xi32, #tpu.memory_space<vmem>> -> memref<128xi32, #tpu.memory_space<vmem>>
    %dma_wait3A_551 = arith.constant 0 : i32
    %dma_wait3A_552 = arith.constant 0 : i32
    %dma_wait3A_553 = tpu.memref_slice %arg13[%dma_wait3A_551, %dma_wait3A_552] : memref<10000x64xf32, #tpu.memory_space<vmem_shared>> -> memref<10000x64xf32, #tpu.memory_space<vmem_shared>>
    tpu.wait_indirect_dma semaphore(%arg21 : memref<!tpu.dma_semaphore, #tpu.memory_space<semaphore_mem>>) src(%dma_wait3A_553 : memref<10000x64xf32, #tpu.memory_space<vmem_shared>>) dst(%arg9 : memref<128x64xf32, #tpu.memory_space<vmem>>)
    %dma_wait3A_554 = arith.constant 0 : i32
    %dma_wait3A_555 = arith.constant 2 : i32
    %dma_wait3A_556 = arith.constant 0 : i32
    %dma_wait3A_557 = tpu.memref_slice %arg6[%dma_wait3A_555, %dma_wait3A_556] : memref<5x128xi32, #tpu.memory_space<vmem>> -> memref<1x128xi32, #tpu.memory_space<vmem>>
    %dma_wait3A_558 = tpu.memref_squeeze %dma_wait3A_557 : memref<1x128xi32, #tpu.memory_space<vmem>> -> memref<128xi32, #tpu.memory_space<vmem>>
    %dma_wait3A_559 = arith.constant 0 : i32
    %dma_wait3A_560 = tpu.memref_slice %arg3[%arg1, %dma_wait3A_554, %dma_wait3A_559] : memref<16x164x128xi32, #tpu.memory_space<hbm>> -> memref<1x1x128xi32, #tpu.memory_space<hbm>>
    %dma_wait3A_561 = tpu.memref_squeeze %dma_wait3A_560 : memref<1x1x128xi32, #tpu.memory_space<hbm>> -> memref<128xi32, #tpu.memory_space<hbm>>
    %dma_wait3A_562 = arith.constant 0 : i32
    %dma_wait3A_563 = tpu.memref_slice %arg6[%dma_wait3A_555, %dma_wait3A_562] : memref<5x128xi32, #tpu.memory_space<vmem>> -> memref<1x128xi32, #tpu.memory_space<vmem>>
    %dma_wait3A_564 = tpu.memref_squeeze %dma_wait3A_563 : memref<1x128xi32, #tpu.memory_space<vmem>> -> memref<128xi32, #tpu.memory_space<vmem>>
    %dma_wait3A_565 = arith.constant 0 : i32
    %dma_wait3A_566 = tpu.memref_slice %arg3[%arg1, %dma_wait3A_554, %dma_wait3A_565] : memref<16x164x128xi32, #tpu.memory_space<hbm>> -> memref<1x1x128xi32, #tpu.memory_space<hbm>>
    %dma_wait3A_567 = tpu.memref_squeeze %dma_wait3A_566 : memref<1x1x128xi32, #tpu.memory_space<hbm>> -> memref<128xi32, #tpu.memory_space<hbm>>
    tpu.wait_dma2 semaphore(%arg17 : memref<!tpu.dma_semaphore, #tpu.memory_space<semaphore_mem>>) src(%dma_wait3A_567 : memref<128xi32, #tpu.memory_space<hbm>>) dst(%dma_wait3A_564 : memref<128xi32, #tpu.memory_space<vmem>>)
    %dma_wait3A_568 = arith.constant 0 : i32
    %dma_wait3A_569 = arith.constant 3 : i32
    %dma_wait3A_570 = arith.constant 0 : i32
    %dma_wait3A_571 = tpu.memref_slice %arg6[%dma_wait3A_569, %dma_wait3A_570] : memref<5x128xi32, #tpu.memory_space<vmem>> -> memref<1x128xi32, #tpu.memory_space<vmem>>
    %dma_wait3A_572 = tpu.memref_squeeze %dma_wait3A_571 : memref<1x128xi32, #tpu.memory_space<vmem>> -> memref<128xi32, #tpu.memory_space<vmem>>
    %dma_wait3A_573 = arith.constant 0 : i32
    %dma_wait3A_574 = tpu.memref_slice %arg3[%arg1, %dma_wait3A_568, %dma_wait3A_573] : memref<16x164x128xi32, #tpu.memory_space<hbm>> -> memref<1x1x128xi32, #tpu.memory_space<hbm>>
    %dma_wait3A_575 = tpu.memref_squeeze %dma_wait3A_574 : memref<1x1x128xi32, #tpu.memory_space<hbm>> -> memref<128xi32, #tpu.memory_space<hbm>>
    %dma_wait3A_576 = arith.constant 0 : i32
    %dma_wait3A_577 = tpu.memref_slice %arg6[%dma_wait3A_569, %dma_wait3A_576] : memref<5x128xi32, #tpu.memory_space<vmem>> -> memref<1x128xi32, #tpu.memory_space<vmem>>
    %dma_wait3A_578 = tpu.memref_squeeze %dma_wait3A_577 : memref<1x128xi32, #tpu.memory_space<vmem>> -> memref<128xi32, #tpu.memory_space<vmem>>
    %dma_wait3A_579 = arith.constant 0 : i32
    %dma_wait3A_580 = tpu.memref_slice %arg3[%arg1, %dma_wait3A_568, %dma_wait3A_579] : memref<16x164x128xi32, #tpu.memory_space<hbm>> -> memref<1x1x128xi32, #tpu.memory_space<hbm>>
    %dma_wait3A_581 = tpu.memref_squeeze %dma_wait3A_580 : memref<1x1x128xi32, #tpu.memory_space<hbm>> -> memref<128xi32, #tpu.memory_space<hbm>>
    tpu.wait_dma2 semaphore(%arg18 : memref<!tpu.dma_semaphore, #tpu.memory_space<semaphore_mem>>) src(%dma_wait3A_581 : memref<128xi32, #tpu.memory_space<hbm>>) dst(%dma_wait3A_578 : memref<128xi32, #tpu.memory_space<vmem>>)
    %dma_wait3A_582 = arith.constant 2 : i32
    %dma_wait3A_583 = arith.constant 1 : i32
    %dma_wait3A_584 = arith.constant 0 : i32
    %dma_wait3A_585 = tpu.memref_slice %arg7[%dma_wait3A_582, %dma_wait3A_583, %dma_wait3A_584] : memref<5x2x128xi32, #tpu.memory_space<vmem>> -> memref<1x1x128xi32, #tpu.memory_space<vmem>>
    %dma_wait3A_586 = tpu.memref_squeeze %dma_wait3A_585 : memref<1x1x128xi32, #tpu.memory_space<vmem>> -> memref<128xi32, #tpu.memory_space<vmem>>
    %dma_wait3A_587 = arith.constant 0 : i32
    %dma_wait3A_588 = arith.constant 0 : i32
    %dma_wait3A_589 = tpu.memref_slice %arg14[%dma_wait3A_587, %dma_wait3A_588] : memref<10240x64xf32, #tpu.memory_space<vmem_shared>> -> memref<10240x64xf32, #tpu.memory_space<vmem_shared>>
    tpu.wait_indirect_dma semaphore(%arg27 : memref<!tpu.dma_semaphore, #tpu.memory_space<semaphore_mem>>) src(%arg10 : memref<128x64xf32, #tpu.memory_space<vmem>>) dst(%dma_wait3A_589 : memref<10240x64xf32, #tpu.memory_space<vmem_shared>>)
    %dma_wait3A_590 = arith.constant 3 : i32
    %dma_wait3A_591 = arith.constant 1 : i32
    %dma_wait3A_592 = arith.constant 0 : i32
    %dma_wait3A_593 = tpu.memref_slice %arg7[%dma_wait3A_590, %dma_wait3A_591, %dma_wait3A_592] : memref<5x2x128xi32, #tpu.memory_space<vmem>> -> memref<1x1x128xi32, #tpu.memory_space<vmem>>
    %dma_wait3A_594 = tpu.memref_squeeze %dma_wait3A_593 : memref<1x1x128xi32, #tpu.memory_space<vmem>> -> memref<128xi32, #tpu.memory_space<vmem>>
    %dma_wait3A_595 = arith.constant 0 : i32
    %dma_wait3A_596 = arith.constant 0 : i32
    %dma_wait3A_597 = tpu.memref_slice %arg14[%dma_wait3A_595, %dma_wait3A_596] : memref<10240x64xf32, #tpu.memory_space<vmem_shared>> -> memref<10240x64xf32, #tpu.memory_space<vmem_shared>>
    tpu.wait_indirect_dma semaphore(%arg28 : memref<!tpu.dma_semaphore, #tpu.memory_space<semaphore_mem>>) src(%arg11 : memref<128x64xf32, #tpu.memory_space<vmem>>) dst(%dma_wait3A_597 : memref<10240x64xf32, #tpu.memory_space<vmem_shared>>)
    %dma_wait3A_598 = arith.constant 4 : i32
    %dma_wait3A_599 = arith.constant 1 : i32
    %dma_wait3A_600 = arith.constant 0 : i32
    %dma_wait3A_601 = tpu.memref_slice %arg7[%dma_wait3A_598, %dma_wait3A_599, %dma_wait3A_600] : memref<5x2x128xi32, #tpu.memory_space<vmem>> -> memref<1x1x128xi32, #tpu.memory_space<vmem>>
    %dma_wait3A_602 = tpu.memref_squeeze %dma_wait3A_601 : memref<1x1x128xi32, #tpu.memory_space<vmem>> -> memref<128xi32, #tpu.memory_space<vmem>>
    %dma_wait3A_603 = arith.constant 0 : i32
    %dma_wait3A_604 = arith.constant 0 : i32
    %dma_wait3A_605 = tpu.memref_slice %arg14[%dma_wait3A_603, %dma_wait3A_604] : memref<10240x64xf32, #tpu.memory_space<vmem_shared>> -> memref<10240x64xf32, #tpu.memory_space<vmem_shared>>
    tpu.wait_indirect_dma semaphore(%arg29 : memref<!tpu.dma_semaphore, #tpu.memory_space<semaphore_mem>>) src(%arg12 : memref<128x64xf32, #tpu.memory_space<vmem>>) dst(%dma_wait3A_605 : memref<10240x64xf32, #tpu.memory_space<vmem_shared>>)
    %barrier3A_606 = arith.constant 0 : index
    tpu.barrier barrier_id(%barrier3A_606)
    %mul3A_607 = arith.constant 640 : i32
    %mul3A_608 = arith.muli %arg1, %mul3A_607 : i32
    %mul3A_609 = arith.constant 640 : i32
    %mul3A_610 = arith.muli %arg1, %mul3A_609 : i32
    "tpu.region"() ({
      %run_scoped3A = tpu.sem_alloc : memref<!tpu.dma_semaphore, #tpu.memory_space<semaphore_mem>>
      %dma_start3A_611 = arith.constant 0 : i32
      %dma_start3A_612 = tpu.memref_slice %arg5[%arg0, %mul3A_610, %dma_start3A_611] : memref<2x10240x64xf32, #tpu.memory_space<hbm>> -> memref<1x640x64xf32, #tpu.memory_space<hbm>>
      %dma_start3A_613 = tpu.memref_squeeze %dma_start3A_612 : memref<1x640x64xf32, #tpu.memory_space<hbm>> -> memref<640x64xf32, #tpu.memory_space<hbm>>
      %dma_start3A_614 = arith.constant 0 : i32
      %dma_start3A_615 = tpu.memref_slice %arg14[%mul3A_608, %dma_start3A_614] : memref<10240x64xf32, #tpu.memory_space<vmem_shared>> -> memref<640x64xf32, #tpu.memory_space<vmem_shared>>
      tpu.enqueue_dma source(%dma_start3A_615 : memref<640x64xf32, #tpu.memory_space<vmem_shared>>) target(%dma_start3A_613 : memref<640x64xf32, #tpu.memory_space<hbm>>) target_semaphore(%run_scoped3A : memref<!tpu.dma_semaphore, #tpu.memory_space<semaphore_mem>>)
      %dma_wait3A_616 = arith.constant 0 : i32
      %dma_wait3A_617 = tpu.memref_slice %arg5[%arg0, %mul3A_610, %dma_wait3A_616] : memref<2x10240x64xf32, #tpu.memory_space<hbm>> -> memref<1x640x64xf32, #tpu.memory_space<hbm>>
      %dma_wait3A_618 = tpu.memref_squeeze %dma_wait3A_617 : memref<1x640x64xf32, #tpu.memory_space<hbm>> -> memref<640x64xf32, #tpu.memory_space<hbm>>
      %dma_wait3A_619 = arith.constant 0 : i32
      %dma_wait3A_620 = tpu.memref_slice %arg14[%mul3A_608, %dma_wait3A_619] : memref<10240x64xf32, #tpu.memory_space<vmem_shared>> -> memref<640x64xf32, #tpu.memory_space<vmem_shared>>
      tpu.wait_dma2 semaphore(%run_scoped3A : memref<!tpu.dma_semaphore, #tpu.memory_space<semaphore_mem>>) src(%dma_wait3A_620 : memref<640x64xf32, #tpu.memory_space<vmem_shared>>) dst(%dma_wait3A_618 : memref<640x64xf32, #tpu.memory_space<hbm>>)
      tpu.yield
    }) : () -> ()
    return
  }
}

#map = affine_map<(d0, d1) -> (0, 0, 0)>
#map1 = affine_map<(d0, d1) -> (0)>
#map2 = affine_map<(d0, d1) -> (0, 0)>
module attributes {stable_mosaic.version = 14 : i64} {
  func.func @_sc_degree(%arg0: i32, %arg1: i32, %arg2: memref<32x80x128xi32, #tpu.memory_space<hbm>>, %arg3: memref<640xf32, #tpu.memory_space<hbm>>, %arg4: memref<2x10240xf32, #tpu.memory_space<hbm>>, %arg5: memref<80x128xi32, #tpu.memory_space<vmem>>, %arg6: memref<128xf32, #tpu.memory_space<vmem>>, %arg7: memref<10240xf32, #tpu.memory_space<vmem_shared>>, %arg8: memref<!tpu.dma_semaphore, #tpu.memory_space<semaphore_mem>>) attributes {dimension_semantics = [#tpu.dimension_semantics<core_parallel>, #tpu.dimension_semantics<subcore_parallel>], iteration_bounds = array<i64: 2, 16>, scalar_prefetch = 0 : i64, scratch_operands = 4 : i64, tpu.core_type = #tpu.core_type<sc_vector_subcore>, window_params = [{transform_indices = #map}, {transform_indices = #map1}, {transform_indices = #map2}]} {
    %mul3A = arith.constant 16 : i32
    %mul3A_0 = arith.muli %arg0, %mul3A : i32
    %add3A = arith.addi %mul3A_0, %arg1 : i32
    %mul3A_1 = arith.constant 640 : i32
    %mul3A_2 = arith.muli %arg1, %mul3A_1 : i32
    "tpu.region"() ({
      %run_scoped3A = tpu.sem_alloc : memref<!tpu.dma_semaphore, #tpu.memory_space<semaphore_mem>>
      %dma_start3A = tpu.memref_slice %arg7[%mul3A_2] : memref<10240xf32, #tpu.memory_space<vmem_shared>> -> memref<640xf32, #tpu.memory_space<vmem_shared>>
      tpu.enqueue_dma source(%arg3 : memref<640xf32, #tpu.memory_space<hbm>>) target(%dma_start3A : memref<640xf32, #tpu.memory_space<vmem_shared>>) target_semaphore(%run_scoped3A : memref<!tpu.dma_semaphore, #tpu.memory_space<semaphore_mem>>)
      %dma_wait3A = tpu.memref_slice %arg7[%mul3A_2] : memref<10240xf32, #tpu.memory_space<vmem_shared>> -> memref<640xf32, #tpu.memory_space<vmem_shared>>
      tpu.wait_dma2 semaphore(%run_scoped3A : memref<!tpu.dma_semaphore, #tpu.memory_space<semaphore_mem>>) src(%arg3 : memref<640xf32, #tpu.memory_space<hbm>>) dst(%dma_wait3A : memref<640xf32, #tpu.memory_space<vmem_shared>>)
      tpu.yield
    }) : () -> ()
    "tpu.region"() ({
      %run_scoped3A = tpu.sem_alloc : memref<!tpu.dma_semaphore, #tpu.memory_space<semaphore_mem>>
      %dma_start3A = arith.constant 0 : i32
      %dma_start3A_59 = arith.constant 0 : i32
      %dma_start3A_60 = tpu.memref_slice %arg2[%add3A, %dma_start3A, %dma_start3A_59] : memref<32x80x128xi32, #tpu.memory_space<hbm>> -> memref<1x80x128xi32, #tpu.memory_space<hbm>>
      %dma_start3A_61 = tpu.memref_squeeze %dma_start3A_60 : memref<1x80x128xi32, #tpu.memory_space<hbm>> -> memref<80x128xi32, #tpu.memory_space<hbm>>
      %dma_start3A_62 = arith.constant 0 : i32
      %dma_start3A_63 = arith.constant 0 : i32
      %dma_start3A_64 = tpu.memref_slice %arg2[%add3A, %dma_start3A_62, %dma_start3A_63] : memref<32x80x128xi32, #tpu.memory_space<hbm>> -> memref<1x80x128xi32, #tpu.memory_space<hbm>>
      %dma_start3A_65 = tpu.memref_squeeze %dma_start3A_64 : memref<1x80x128xi32, #tpu.memory_space<hbm>> -> memref<80x128xi32, #tpu.memory_space<hbm>>
      tpu.enqueue_dma source(%dma_start3A_65 : memref<80x128xi32, #tpu.memory_space<hbm>>) target(%arg5 : memref<80x128xi32, #tpu.memory_space<vmem>>) target_semaphore(%run_scoped3A : memref<!tpu.dma_semaphore, #tpu.memory_space<semaphore_mem>>)
      %dma_wait3A = arith.constant 0 : i32
      %dma_wait3A_66 = arith.constant 0 : i32
      %dma_wait3A_67 = tpu.memref_slice %arg2[%add3A, %dma_wait3A, %dma_wait3A_66] : memref<32x80x128xi32, #tpu.memory_space<hbm>> -> memref<1x80x128xi32, #tpu.memory_space<hbm>>
      %dma_wait3A_68 = tpu.memref_squeeze %dma_wait3A_67 : memref<1x80x128xi32, #tpu.memory_space<hbm>> -> memref<80x128xi32, #tpu.memory_space<hbm>>
      %dma_wait3A_69 = arith.constant 0 : i32
      %dma_wait3A_70 = arith.constant 0 : i32
      %dma_wait3A_71 = tpu.memref_slice %arg2[%add3A, %dma_wait3A_69, %dma_wait3A_70] : memref<32x80x128xi32, #tpu.memory_space<hbm>> -> memref<1x80x128xi32, #tpu.memory_space<hbm>>
      %dma_wait3A_72 = tpu.memref_squeeze %dma_wait3A_71 : memref<1x80x128xi32, #tpu.memory_space<hbm>> -> memref<80x128xi32, #tpu.memory_space<hbm>>
      tpu.wait_dma2 semaphore(%run_scoped3A : memref<!tpu.dma_semaphore, #tpu.memory_space<semaphore_mem>>) src(%dma_wait3A_72 : memref<80x128xi32, #tpu.memory_space<hbm>>) dst(%arg5 : memref<80x128xi32, #tpu.memory_space<vmem>>)
      tpu.yield
    }) : () -> ()
    %broadcast_in_dim3A = arith.constant 1.000000e+00 : f32
    %broadcast_in_dim3A_3 = vector.broadcast %broadcast_in_dim3A : f32 to vector<16xf32>
    %swap3A = arith.constant 0 : index
    %swap3A_4 = tpu.vector_load %arg6[%swap3A] {strides = array<i32>} : memref<128xf32, #tpu.memory_space<vmem>>, vector<16xf32>,
    %swap3A_5 = vector.shape_cast %swap3A_4 : vector<16xf32> to vector<16xf32>
    %swap3A_6 = vector.shape_cast %broadcast_in_dim3A_3 : vector<16xf32> to vector<16xf32>
    tpu.vector_store %arg6[%swap3A], %swap3A_6 {strides = array<i32>} : memref<128xf32, #tpu.memory_space<vmem>>, vector<16xf32>,
    %broadcast_in_dim3A_7 = arith.constant 1.000000e+00 : f32
    %broadcast_in_dim3A_8 = vector.broadcast %broadcast_in_dim3A_7 : f32 to vector<16xf32>
    %swap3A_9 = arith.constant 16 : index
    %swap3A_10 = tpu.vector_load %arg6[%swap3A_9] {strides = array<i32>} : memref<128xf32, #tpu.memory_space<vmem>>, vector<16xf32>,
    %swap3A_11 = vector.shape_cast %swap3A_10 : vector<16xf32> to vector<16xf32>
    %swap3A_12 = vector.shape_cast %broadcast_in_dim3A_8 : vector<16xf32> to vector<16xf32>
    tpu.vector_store %arg6[%swap3A_9], %swap3A_12 {strides = array<i32>} : memref<128xf32, #tpu.memory_space<vmem>>, vector<16xf32>,
    %broadcast_in_dim3A_13 = arith.constant 1.000000e+00 : f32
    %broadcast_in_dim3A_14 = vector.broadcast %broadcast_in_dim3A_13 : f32 to vector<16xf32>
    %swap3A_15 = arith.constant 32 : index
    %swap3A_16 = tpu.vector_load %arg6[%swap3A_15] {strides = array<i32>} : memref<128xf32, #tpu.memory_space<vmem>>, vector<16xf32>,
    %swap3A_17 = vector.shape_cast %swap3A_16 : vector<16xf32> to vector<16xf32>
    %swap3A_18 = vector.shape_cast %broadcast_in_dim3A_14 : vector<16xf32> to vector<16xf32>
    tpu.vector_store %arg6[%swap3A_15], %swap3A_18 {strides = array<i32>} : memref<128xf32, #tpu.memory_space<vmem>>, vector<16xf32>,
    %broadcast_in_dim3A_19 = arith.constant 1.000000e+00 : f32
    %broadcast_in_dim3A_20 = vector.broadcast %broadcast_in_dim3A_19 : f32 to vector<16xf32>
    %swap3A_21 = arith.constant 48 : index
    %swap3A_22 = tpu.vector_load %arg6[%swap3A_21] {strides = array<i32>} : memref<128xf32, #tpu.memory_space<vmem>>, vector<16xf32>,
    %swap3A_23 = vector.shape_cast %swap3A_22 : vector<16xf32> to vector<16xf32>
    %swap3A_24 = vector.shape_cast %broadcast_in_dim3A_20 : vector<16xf32> to vector<16xf32>
    tpu.vector_store %arg6[%swap3A_21], %swap3A_24 {strides = array<i32>} : memref<128xf32, #tpu.memory_space<vmem>>, vector<16xf32>,
    %broadcast_in_dim3A_25 = arith.constant 1.000000e+00 : f32
    %broadcast_in_dim3A_26 = vector.broadcast %broadcast_in_dim3A_25 : f32 to vector<16xf32>
    %swap3A_27 = arith.constant 64 : index
    %swap3A_28 = tpu.vector_load %arg6[%swap3A_27] {strides = array<i32>} : memref<128xf32, #tpu.memory_space<vmem>>, vector<16xf32>,
    %swap3A_29 = vector.shape_cast %swap3A_28 : vector<16xf32> to vector<16xf32>
    %swap3A_30 = vector.shape_cast %broadcast_in_dim3A_26 : vector<16xf32> to vector<16xf32>
    tpu.vector_store %arg6[%swap3A_27], %swap3A_30 {strides = array<i32>} : memref<128xf32, #tpu.memory_space<vmem>>, vector<16xf32>,
    %broadcast_in_dim3A_31 = arith.constant 1.000000e+00 : f32
    %broadcast_in_dim3A_32 = vector.broadcast %broadcast_in_dim3A_31 : f32 to vector<16xf32>
    %swap3A_33 = arith.constant 80 : index
    %swap3A_34 = tpu.vector_load %arg6[%swap3A_33] {strides = array<i32>} : memref<128xf32, #tpu.memory_space<vmem>>, vector<16xf32>,
    %swap3A_35 = vector.shape_cast %swap3A_34 : vector<16xf32> to vector<16xf32>
    %swap3A_36 = vector.shape_cast %broadcast_in_dim3A_32 : vector<16xf32> to vector<16xf32>
    tpu.vector_store %arg6[%swap3A_33], %swap3A_36 {strides = array<i32>} : memref<128xf32, #tpu.memory_space<vmem>>, vector<16xf32>,
    %broadcast_in_dim3A_37 = arith.constant 1.000000e+00 : f32
    %broadcast_in_dim3A_38 = vector.broadcast %broadcast_in_dim3A_37 : f32 to vector<16xf32>
    %swap3A_39 = arith.constant 96 : index
    %swap3A_40 = tpu.vector_load %arg6[%swap3A_39] {strides = array<i32>} : memref<128xf32, #tpu.memory_space<vmem>>, vector<16xf32>,
    %swap3A_41 = vector.shape_cast %swap3A_40 : vector<16xf32> to vector<16xf32>
    %swap3A_42 = vector.shape_cast %broadcast_in_dim3A_38 : vector<16xf32> to vector<16xf32>
    tpu.vector_store %arg6[%swap3A_39], %swap3A_42 {strides = array<i32>} : memref<128xf32, #tpu.memory_space<vmem>>, vector<16xf32>,
    %broadcast_in_dim3A_43 = arith.constant 1.000000e+00 : f32
    %broadcast_in_dim3A_44 = vector.broadcast %broadcast_in_dim3A_43 : f32 to vector<16xf32>
    %swap3A_45 = arith.constant 112 : index
    %swap3A_46 = tpu.vector_load %arg6[%swap3A_45] {strides = array<i32>} : memref<128xf32, #tpu.memory_space<vmem>>, vector<16xf32>,
    %swap3A_47 = vector.shape_cast %swap3A_46 : vector<16xf32> to vector<16xf32>
    %swap3A_48 = vector.shape_cast %broadcast_in_dim3A_44 : vector<16xf32> to vector<16xf32>
    tpu.vector_store %arg6[%swap3A_45], %swap3A_48 {strides = array<i32>} : memref<128xf32, #tpu.memory_space<vmem>>, vector<16xf32>,
    %barrier3A = arith.constant 0 : index
    tpu.barrier barrier_id(%barrier3A)
    %scan3A = arith.constant 0 : i32
    %scan3A_49 = arith.constant 0 : i32
    %scan3A_50 = arith.constant 10 : i32
    %scan3A_51 = arith.addi %scan3A_49, %scan3A_50 : i32
    %scan3A_52 = arith.constant 1 : i32
    scf.for %scan3A_59 = %scan3A_49 to %scan3A_51 step %scan3A_52  : i32 {
      %mul3A_60 = arith.constant 8 : i32
      %mul3A_61 = arith.muli %scan3A_59, %mul3A_60 : i32
      %add3A_62 = arith.constant 0 : i32
      %add3A_63 = arith.addi %mul3A_61, %add3A_62 : i32
      %dma_start3A = arith.constant 0 : i32
      %dma_start3A_64 = tpu.memref_slice %arg5[%add3A_63, %dma_start3A] : memref<80x128xi32, #tpu.memory_space<vmem>> -> memref<1x128xi32, #tpu.memory_space<vmem>>
      %dma_start3A_65 = tpu.memref_squeeze %dma_start3A_64 : memref<1x128xi32, #tpu.memory_space<vmem>> -> memref<128xi32, #tpu.memory_space<vmem>>
      %dma_start3A_66 = arith.constant 0 : i32
      %dma_start3A_67 = tpu.memref_slice %arg7[%dma_start3A_66] : memref<10240xf32, #tpu.memory_space<vmem_shared>> -> memref<10240xf32, #tpu.memory_space<vmem_shared>>
      tpu.enqueue_indirect_dma source(%arg6 : memref<128xf32, #tpu.memory_space<vmem>>) target(%dma_start3A_67 : memref<10240xf32, #tpu.memory_space<vmem_shared>>) offsets(%dma_start3A_65 : memref<128xi32, #tpu.memory_space<vmem>>) semaphore(%arg8 : memref<!tpu.dma_semaphore, #tpu.memory_space<semaphore_mem>>) {add = true}
      %add3A_68 = arith.constant 1 : i32
      %add3A_69 = arith.addi %mul3A_61, %add3A_68 : i32
      %dma_start3A_70 = arith.constant 0 : i32
      %dma_start3A_71 = tpu.memref_slice %arg5[%add3A_69, %dma_start3A_70] : memref<80x128xi32, #tpu.memory_space<vmem>> -> memref<1x128xi32, #tpu.memory_space<vmem>>
      %dma_start3A_72 = tpu.memref_squeeze %dma_start3A_71 : memref<1x128xi32, #tpu.memory_space<vmem>> -> memref<128xi32, #tpu.memory_space<vmem>>
      %dma_start3A_73 = arith.constant 0 : i32
      %dma_start3A_74 = tpu.memref_slice %arg7[%dma_start3A_73] : memref<10240xf32, #tpu.memory_space<vmem_shared>> -> memref<10240xf32, #tpu.memory_space<vmem_shared>>
      tpu.enqueue_indirect_dma source(%arg6 : memref<128xf32, #tpu.memory_space<vmem>>) target(%dma_start3A_74 : memref<10240xf32, #tpu.memory_space<vmem_shared>>) offsets(%dma_start3A_72 : memref<128xi32, #tpu.memory_space<vmem>>) semaphore(%arg8 : memref<!tpu.dma_semaphore, #tpu.memory_space<semaphore_mem>>) {add = true}
      %add3A_75 = arith.constant 2 : i32
      %add3A_76 = arith.addi %mul3A_61, %add3A_75 : i32
      %dma_start3A_77 = arith.constant 0 : i32
      %dma_start3A_78 = tpu.memref_slice %arg5[%add3A_76, %dma_start3A_77] : memref<80x128xi32, #tpu.memory_space<vmem>> -> memref<1x128xi32, #tpu.memory_space<vmem>>
      %dma_start3A_79 = tpu.memref_squeeze %dma_start3A_78 : memref<1x128xi32, #tpu.memory_space<vmem>> -> memref<128xi32, #tpu.memory_space<vmem>>
      %dma_start3A_80 = arith.constant 0 : i32
      %dma_start3A_81 = tpu.memref_slice %arg7[%dma_start3A_80] : memref<10240xf32, #tpu.memory_space<vmem_shared>> -> memref<10240xf32, #tpu.memory_space<vmem_shared>>
      tpu.enqueue_indirect_dma source(%arg6 : memref<128xf32, #tpu.memory_space<vmem>>) target(%dma_start3A_81 : memref<10240xf32, #tpu.memory_space<vmem_shared>>) offsets(%dma_start3A_79 : memref<128xi32, #tpu.memory_space<vmem>>) semaphore(%arg8 : memref<!tpu.dma_semaphore, #tpu.memory_space<semaphore_mem>>) {add = true}
      %add3A_82 = arith.constant 3 : i32
      %add3A_83 = arith.addi %mul3A_61, %add3A_82 : i32
      %dma_start3A_84 = arith.constant 0 : i32
      %dma_start3A_85 = tpu.memref_slice %arg5[%add3A_83, %dma_start3A_84] : memref<80x128xi32, #tpu.memory_space<vmem>> -> memref<1x128xi32, #tpu.memory_space<vmem>>
      %dma_start3A_86 = tpu.memref_squeeze %dma_start3A_85 : memref<1x128xi32, #tpu.memory_space<vmem>> -> memref<128xi32, #tpu.memory_space<vmem>>
      %dma_start3A_87 = arith.constant 0 : i32
      %dma_start3A_88 = tpu.memref_slice %arg7[%dma_start3A_87] : memref<10240xf32, #tpu.memory_space<vmem_shared>> -> memref<10240xf32, #tpu.memory_space<vmem_shared>>
      tpu.enqueue_indirect_dma source(%arg6 : memref<128xf32, #tpu.memory_space<vmem>>) target(%dma_start3A_88 : memref<10240xf32, #tpu.memory_space<vmem_shared>>) offsets(%dma_start3A_86 : memref<128xi32, #tpu.memory_space<vmem>>) semaphore(%arg8 : memref<!tpu.dma_semaphore, #tpu.memory_space<semaphore_mem>>) {add = true}
      %add3A_89 = arith.constant 4 : i32
      %add3A_90 = arith.addi %mul3A_61, %add3A_89 : i32
      %dma_start3A_91 = arith.constant 0 : i32
      %dma_start3A_92 = tpu.memref_slice %arg5[%add3A_90, %dma_start3A_91] : memref<80x128xi32, #tpu.memory_space<vmem>> -> memref<1x128xi32, #tpu.memory_space<vmem>>
      %dma_start3A_93 = tpu.memref_squeeze %dma_start3A_92 : memref<1x128xi32, #tpu.memory_space<vmem>> -> memref<128xi32, #tpu.memory_space<vmem>>
      %dma_start3A_94 = arith.constant 0 : i32
      %dma_start3A_95 = tpu.memref_slice %arg7[%dma_start3A_94] : memref<10240xf32, #tpu.memory_space<vmem_shared>> -> memref<10240xf32, #tpu.memory_space<vmem_shared>>
      tpu.enqueue_indirect_dma source(%arg6 : memref<128xf32, #tpu.memory_space<vmem>>) target(%dma_start3A_95 : memref<10240xf32, #tpu.memory_space<vmem_shared>>) offsets(%dma_start3A_93 : memref<128xi32, #tpu.memory_space<vmem>>) semaphore(%arg8 : memref<!tpu.dma_semaphore, #tpu.memory_space<semaphore_mem>>) {add = true}
      %add3A_96 = arith.constant 5 : i32
      %add3A_97 = arith.addi %mul3A_61, %add3A_96 : i32
      %dma_start3A_98 = arith.constant 0 : i32
      %dma_start3A_99 = tpu.memref_slice %arg5[%add3A_97, %dma_start3A_98] : memref<80x128xi32, #tpu.memory_space<vmem>> -> memref<1x128xi32, #tpu.memory_space<vmem>>
      %dma_start3A_100 = tpu.memref_squeeze %dma_start3A_99 : memref<1x128xi32, #tpu.memory_space<vmem>> -> memref<128xi32, #tpu.memory_space<vmem>>
      %dma_start3A_101 = arith.constant 0 : i32
      %dma_start3A_102 = tpu.memref_slice %arg7[%dma_start3A_101] : memref<10240xf32, #tpu.memory_space<vmem_shared>> -> memref<10240xf32, #tpu.memory_space<vmem_shared>>
      tpu.enqueue_indirect_dma source(%arg6 : memref<128xf32, #tpu.memory_space<vmem>>) target(%dma_start3A_102 : memref<10240xf32, #tpu.memory_space<vmem_shared>>) offsets(%dma_start3A_100 : memref<128xi32, #tpu.memory_space<vmem>>) semaphore(%arg8 : memref<!tpu.dma_semaphore, #tpu.memory_space<semaphore_mem>>) {add = true}
      %add3A_103 = arith.constant 6 : i32
      %add3A_104 = arith.addi %mul3A_61, %add3A_103 : i32
      %dma_start3A_105 = arith.constant 0 : i32
      %dma_start3A_106 = tpu.memref_slice %arg5[%add3A_104, %dma_start3A_105] : memref<80x128xi32, #tpu.memory_space<vmem>> -> memref<1x128xi32, #tpu.memory_space<vmem>>
      %dma_start3A_107 = tpu.memref_squeeze %dma_start3A_106 : memref<1x128xi32, #tpu.memory_space<vmem>> -> memref<128xi32, #tpu.memory_space<vmem>>
      %dma_start3A_108 = arith.constant 0 : i32
      %dma_start3A_109 = tpu.memref_slice %arg7[%dma_start3A_108] : memref<10240xf32, #tpu.memory_space<vmem_shared>> -> memref<10240xf32, #tpu.memory_space<vmem_shared>>
      tpu.enqueue_indirect_dma source(%arg6 : memref<128xf32, #tpu.memory_space<vmem>>) target(%dma_start3A_109 : memref<10240xf32, #tpu.memory_space<vmem_shared>>) offsets(%dma_start3A_107 : memref<128xi32, #tpu.memory_space<vmem>>) semaphore(%arg8 : memref<!tpu.dma_semaphore, #tpu.memory_space<semaphore_mem>>) {add = true}
      %add3A_110 = arith.constant 7 : i32
      %add3A_111 = arith.addi %mul3A_61, %add3A_110 : i32
      %dma_start3A_112 = arith.constant 0 : i32
      %dma_start3A_113 = tpu.memref_slice %arg5[%add3A_111, %dma_start3A_112] : memref<80x128xi32, #tpu.memory_space<vmem>> -> memref<1x128xi32, #tpu.memory_space<vmem>>
      %dma_start3A_114 = tpu.memref_squeeze %dma_start3A_113 : memref<1x128xi32, #tpu.memory_space<vmem>> -> memref<128xi32, #tpu.memory_space<vmem>>
      %dma_start3A_115 = arith.constant 0 : i32
      %dma_start3A_116 = tpu.memref_slice %arg7[%dma_start3A_115] : memref<10240xf32, #tpu.memory_space<vmem_shared>> -> memref<10240xf32, #tpu.memory_space<vmem_shared>>
      tpu.enqueue_indirect_dma source(%arg6 : memref<128xf32, #tpu.memory_space<vmem>>) target(%dma_start3A_116 : memref<10240xf32, #tpu.memory_space<vmem_shared>>) offsets(%dma_start3A_114 : memref<128xi32, #tpu.memory_space<vmem>>) semaphore(%arg8 : memref<!tpu.dma_semaphore, #tpu.memory_space<semaphore_mem>>) {add = true}
      %dma_wait3A = arith.constant 0 : i32
      %dma_wait3A_117 = arith.constant 0 : i32
      %dma_wait3A_118 = tpu.memref_slice %arg5[%dma_wait3A, %dma_wait3A_117] : memref<80x128xi32, #tpu.memory_space<vmem>> -> memref<1x128xi32, #tpu.memory_space<vmem>>
      %dma_wait3A_119 = tpu.memref_squeeze %dma_wait3A_118 : memref<1x128xi32, #tpu.memory_space<vmem>> -> memref<128xi32, #tpu.memory_space<vmem>>
      %dma_wait3A_120 = arith.constant 0 : i32
      %dma_wait3A_121 = tpu.memref_slice %arg7[%dma_wait3A_120] : memref<10240xf32, #tpu.memory_space<vmem_shared>> -> memref<10240xf32, #tpu.memory_space<vmem_shared>>
      tpu.wait_indirect_dma semaphore(%arg8 : memref<!tpu.dma_semaphore, #tpu.memory_space<semaphore_mem>>) src(%arg6 : memref<128xf32, #tpu.memory_space<vmem>>) dst(%dma_wait3A_121 : memref<10240xf32, #tpu.memory_space<vmem_shared>>)
      %dma_wait3A_122 = arith.constant 0 : i32
      %dma_wait3A_123 = arith.constant 0 : i32
      %dma_wait3A_124 = tpu.memref_slice %arg5[%dma_wait3A_122, %dma_wait3A_123] : memref<80x128xi32, #tpu.memory_space<vmem>> -> memref<1x128xi32, #tpu.memory_space<vmem>>
      %dma_wait3A_125 = tpu.memref_squeeze %dma_wait3A_124 : memref<1x128xi32, #tpu.memory_space<vmem>> -> memref<128xi32, #tpu.memory_space<vmem>>
      %dma_wait3A_126 = arith.constant 0 : i32
      %dma_wait3A_127 = tpu.memref_slice %arg7[%dma_wait3A_126] : memref<10240xf32, #tpu.memory_space<vmem_shared>> -> memref<10240xf32, #tpu.memory_space<vmem_shared>>
      tpu.wait_indirect_dma semaphore(%arg8 : memref<!tpu.dma_semaphore, #tpu.memory_space<semaphore_mem>>) src(%arg6 : memref<128xf32, #tpu.memory_space<vmem>>) dst(%dma_wait3A_127 : memref<10240xf32, #tpu.memory_space<vmem_shared>>)
      %dma_wait3A_128 = arith.constant 0 : i32
      %dma_wait3A_129 = arith.constant 0 : i32
      %dma_wait3A_130 = tpu.memref_slice %arg5[%dma_wait3A_128, %dma_wait3A_129] : memref<80x128xi32, #tpu.memory_space<vmem>> -> memref<1x128xi32, #tpu.memory_space<vmem>>
      %dma_wait3A_131 = tpu.memref_squeeze %dma_wait3A_130 : memref<1x128xi32, #tpu.memory_space<vmem>> -> memref<128xi32, #tpu.memory_space<vmem>>
      %dma_wait3A_132 = arith.constant 0 : i32
      %dma_wait3A_133 = tpu.memref_slice %arg7[%dma_wait3A_132] : memref<10240xf32, #tpu.memory_space<vmem_shared>> -> memref<10240xf32, #tpu.memory_space<vmem_shared>>
      tpu.wait_indirect_dma semaphore(%arg8 : memref<!tpu.dma_semaphore, #tpu.memory_space<semaphore_mem>>) src(%arg6 : memref<128xf32, #tpu.memory_space<vmem>>) dst(%dma_wait3A_133 : memref<10240xf32, #tpu.memory_space<vmem_shared>>)
      %dma_wait3A_134 = arith.constant 0 : i32
      %dma_wait3A_135 = arith.constant 0 : i32
      %dma_wait3A_136 = tpu.memref_slice %arg5[%dma_wait3A_134, %dma_wait3A_135] : memref<80x128xi32, #tpu.memory_space<vmem>> -> memref<1x128xi32, #tpu.memory_space<vmem>>
      %dma_wait3A_137 = tpu.memref_squeeze %dma_wait3A_136 : memref<1x128xi32, #tpu.memory_space<vmem>> -> memref<128xi32, #tpu.memory_space<vmem>>
      %dma_wait3A_138 = arith.constant 0 : i32
      %dma_wait3A_139 = tpu.memref_slice %arg7[%dma_wait3A_138] : memref<10240xf32, #tpu.memory_space<vmem_shared>> -> memref<10240xf32, #tpu.memory_space<vmem_shared>>
      tpu.wait_indirect_dma semaphore(%arg8 : memref<!tpu.dma_semaphore, #tpu.memory_space<semaphore_mem>>) src(%arg6 : memref<128xf32, #tpu.memory_space<vmem>>) dst(%dma_wait3A_139 : memref<10240xf32, #tpu.memory_space<vmem_shared>>)
      %dma_wait3A_140 = arith.constant 0 : i32
      %dma_wait3A_141 = arith.constant 0 : i32
      %dma_wait3A_142 = tpu.memref_slice %arg5[%dma_wait3A_140, %dma_wait3A_141] : memref<80x128xi32, #tpu.memory_space<vmem>> -> memref<1x128xi32, #tpu.memory_space<vmem>>
      %dma_wait3A_143 = tpu.memref_squeeze %dma_wait3A_142 : memref<1x128xi32, #tpu.memory_space<vmem>> -> memref<128xi32, #tpu.memory_space<vmem>>
      %dma_wait3A_144 = arith.constant 0 : i32
      %dma_wait3A_145 = tpu.memref_slice %arg7[%dma_wait3A_144] : memref<10240xf32, #tpu.memory_space<vmem_shared>> -> memref<10240xf32, #tpu.memory_space<vmem_shared>>
      tpu.wait_indirect_dma semaphore(%arg8 : memref<!tpu.dma_semaphore, #tpu.memory_space<semaphore_mem>>) src(%arg6 : memref<128xf32, #tpu.memory_space<vmem>>) dst(%dma_wait3A_145 : memref<10240xf32, #tpu.memory_space<vmem_shared>>)
      %dma_wait3A_146 = arith.constant 0 : i32
      %dma_wait3A_147 = arith.constant 0 : i32
      %dma_wait3A_148 = tpu.memref_slice %arg5[%dma_wait3A_146, %dma_wait3A_147] : memref<80x128xi32, #tpu.memory_space<vmem>> -> memref<1x128xi32, #tpu.memory_space<vmem>>
      %dma_wait3A_149 = tpu.memref_squeeze %dma_wait3A_148 : memref<1x128xi32, #tpu.memory_space<vmem>> -> memref<128xi32, #tpu.memory_space<vmem>>
      %dma_wait3A_150 = arith.constant 0 : i32
      %dma_wait3A_151 = tpu.memref_slice %arg7[%dma_wait3A_150] : memref<10240xf32, #tpu.memory_space<vmem_shared>> -> memref<10240xf32, #tpu.memory_space<vmem_shared>>
      tpu.wait_indirect_dma semaphore(%arg8 : memref<!tpu.dma_semaphore, #tpu.memory_space<semaphore_mem>>) src(%arg6 : memref<128xf32, #tpu.memory_space<vmem>>) dst(%dma_wait3A_151 : memref<10240xf32, #tpu.memory_space<vmem_shared>>)
      %dma_wait3A_152 = arith.constant 0 : i32
      %dma_wait3A_153 = arith.constant 0 : i32
      %dma_wait3A_154 = tpu.memref_slice %arg5[%dma_wait3A_152, %dma_wait3A_153] : memref<80x128xi32, #tpu.memory_space<vmem>> -> memref<1x128xi32, #tpu.memory_space<vmem>>
      %dma_wait3A_155 = tpu.memref_squeeze %dma_wait3A_154 : memref<1x128xi32, #tpu.memory_space<vmem>> -> memref<128xi32, #tpu.memory_space<vmem>>
      %dma_wait3A_156 = arith.constant 0 : i32
      %dma_wait3A_157 = tpu.memref_slice %arg7[%dma_wait3A_156] : memref<10240xf32, #tpu.memory_space<vmem_shared>> -> memref<10240xf32, #tpu.memory_space<vmem_shared>>
      tpu.wait_indirect_dma semaphore(%arg8 : memref<!tpu.dma_semaphore, #tpu.memory_space<semaphore_mem>>) src(%arg6 : memref<128xf32, #tpu.memory_space<vmem>>) dst(%dma_wait3A_157 : memref<10240xf32, #tpu.memory_space<vmem_shared>>)
      %dma_wait3A_158 = arith.constant 0 : i32
      %dma_wait3A_159 = arith.constant 0 : i32
      %dma_wait3A_160 = tpu.memref_slice %arg5[%dma_wait3A_158, %dma_wait3A_159] : memref<80x128xi32, #tpu.memory_space<vmem>> -> memref<1x128xi32, #tpu.memory_space<vmem>>
      %dma_wait3A_161 = tpu.memref_squeeze %dma_wait3A_160 : memref<1x128xi32, #tpu.memory_space<vmem>> -> memref<128xi32, #tpu.memory_space<vmem>>
      %dma_wait3A_162 = arith.constant 0 : i32
      %dma_wait3A_163 = tpu.memref_slice %arg7[%dma_wait3A_162] : memref<10240xf32, #tpu.memory_space<vmem_shared>> -> memref<10240xf32, #tpu.memory_space<vmem_shared>>
      tpu.wait_indirect_dma semaphore(%arg8 : memref<!tpu.dma_semaphore, #tpu.memory_space<semaphore_mem>>) src(%arg6 : memref<128xf32, #tpu.memory_space<vmem>>) dst(%dma_wait3A_163 : memref<10240xf32, #tpu.memory_space<vmem_shared>>)
    }
    %scan3A_53 = arith.constant 10 : i32
    %barrier3A_54 = arith.constant 0 : index
    tpu.barrier barrier_id(%barrier3A_54)
    %mul3A_55 = arith.constant 640 : i32
    %mul3A_56 = arith.muli %arg1, %mul3A_55 : i32
    %mul3A_57 = arith.constant 640 : i32
    %mul3A_58 = arith.muli %arg1, %mul3A_57 : i32
    "tpu.region"() ({
      %run_scoped3A = tpu.sem_alloc : memref<!tpu.dma_semaphore, #tpu.memory_space<semaphore_mem>>
      %dma_start3A = tpu.memref_slice %arg4[%arg0, %mul3A_58] : memref<2x10240xf32, #tpu.memory_space<hbm>> -> memref<1x640xf32, #tpu.memory_space<hbm>>
      %dma_start3A_59 = tpu.memref_squeeze %dma_start3A : memref<1x640xf32, #tpu.memory_space<hbm>> -> memref<640xf32, #tpu.memory_space<hbm>>
      %dma_start3A_60 = tpu.memref_slice %arg7[%mul3A_56] : memref<10240xf32, #tpu.memory_space<vmem_shared>> -> memref<640xf32, #tpu.memory_space<vmem_shared>>
      tpu.enqueue_dma source(%dma_start3A_60 : memref<640xf32, #tpu.memory_space<vmem_shared>>) target(%dma_start3A_59 : memref<640xf32, #tpu.memory_space<hbm>>) target_semaphore(%run_scoped3A : memref<!tpu.dma_semaphore, #tpu.memory_space<semaphore_mem>>)
      %dma_wait3A = tpu.memref_slice %arg4[%arg0, %mul3A_58] : memref<2x10240xf32, #tpu.memory_space<hbm>> -> memref<1x640xf32, #tpu.memory_space<hbm>>
      %dma_wait3A_61 = tpu.memref_squeeze %dma_wait3A : memref<1x640xf32, #tpu.memory_space<hbm>> -> memref<640xf32, #tpu.memory_space<hbm>>
      %dma_wait3A_62 = tpu.memref_slice %arg7[%mul3A_56] : memref<10240xf32, #tpu.memory_space<vmem_shared>> -> memref<640xf32, #tpu.memory_space<vmem_shared>>
      tpu.wait_dma2 semaphore(%run_scoped3A : memref<!tpu.dma_semaphore, #tpu.memory_space<semaphore_mem>>) src(%dma_wait3A_62 : memref<640xf32, #tpu.memory_space<vmem_shared>>) dst(%dma_wait3A_61 : memref<640xf32, #tpu.memory_space<hbm>>)
      tpu.yield
    }) : () -> ()
    return
  }
}

module attributes {stable_mosaic.version = 14 : i64} {
  func.func @_tc_matmul_body(%arg0: i32, %arg1: memref<1000x128xf32, #tpu.memory_space<vmem>>, %arg2: memref<128x128xf32, #tpu.memory_space<vmem>>, %arg3: memref<1000x128xf32, #tpu.memory_space<vmem>>) attributes {dimension_semantics = [#tpu.dimension_semantics<arbitrary>], iteration_bounds = array<i64: 10>, scalar_prefetch = 0 : i64, scratch_operands = 0 : i64, tpu.core_type = #tpu.core_type<tc>, window_params = [{transform_indices = @transform_0, window_bounds = array<i64: 1000, 128>}, {pipeline_mode = #tpu.pipeline_mode<synchronous>, transform_indices = @transform_1, window_bounds = array<i64: 128, 128>}, {transform_indices = @transform_2, window_bounds = array<i64: 1000, 128>}]} {
    %get3A = arith.constant 0 : index
    %get3A_0 = arith.constant 0 : index
    %get3A_1 = vector.load %arg1[%get3A, %get3A_0] : memref<1000x128xf32, #tpu.memory_space<vmem>>, vector<1000x128xf32>
    %get3A_2 = arith.constant 0 : index
    %get3A_3 = arith.constant 0 : index
    %get3A_4 = vector.load %arg2[%get3A_2, %get3A_3] : memref<128x128xf32, #tpu.memory_space<vmem>>, vector<128x128xf32>
    %dot_general3A = arith.constant dense<0.000000e+00> : vector<1000x128xf32>
    %dot_general3A_5 = tpu.matmul %get3A_1, %get3A_4, %dot_general3A {dimension_numbers = #tpu.dot_dimension_numbers<[1], [0], [0], [1], [0, 0, 1, 1], [], []>, transpose_lhs_hint = false} : vector<1000x128xf32>, vector<128x128xf32>, vector<1000x128xf32> -> vector<1000x128xf32>
    %swap3A = arith.constant 0 : index
    %swap3A_6 = arith.constant 0 : index
    %swap3A_7 = vector.load %arg3[%swap3A, %swap3A_6] : memref<1000x128xf32, #tpu.memory_space<vmem>>, vector<1000x128xf32>
    tpu.vector_store %arg3[%swap3A, %swap3A_6], %dot_general3A_5 {strides = array<i32>} : memref<1000x128xf32, #tpu.memory_space<vmem>>, vector<1000x128xf32>,
    return
  }
  func.func @transform_0(%arg0: i32) -> (i32, i32) {
    %c0_i32 = arith.constant 0 : i32
    %c0_i32_0 = arith.constant 0 : i32
    return %arg0, %c0_i32 : i32, i32
  }
  func.func @transform_1(%arg0: i32) -> (i32, i32) {
    %c0_i32 = arith.constant 0 : i32
    %c0_i32_0 = arith.constant 0 : i32
    %c0_i32_1 = arith.constant 0 : i32
    return %c0_i32, %c0_i32_0 : i32, i32
  }
  func.func @transform_2(%arg0: i32) -> (i32, i32) {
    %c0_i32 = arith.constant 0 : i32
    %c0_i32_0 = arith.constant 0 : i32
    return %arg0, %c0_i32 : i32, i32
  }
}

module attributes {stable_mosaic.version = 14 : i64} {
  func.func @_tc_scale_body(%arg0: i32, %arg1: memref<1000x128xf32, #tpu.memory_space<vmem>>, %arg2: memref<1000x1xf32, #tpu.memory_space<vmem>>, %arg3: memref<1000x1xf32, #tpu.memory_space<vmem>>, %arg4: memref<2x1000x64xf32, #tpu.memory_space<vmem>>) attributes {dimension_semantics = [#tpu.dimension_semantics<arbitrary>], iteration_bounds = array<i64: 10>, scalar_prefetch = 0 : i64, scratch_operands = 0 : i64, tpu.core_type = #tpu.core_type<tc>, window_params = [{transform_indices = @transform_0, window_bounds = array<i64: 1000, 128>}, {transform_indices = @transform_1, window_bounds = array<i64: 1000, 1>}, {transform_indices = @transform_2, window_bounds = array<i64: 1000, 1>}, {transform_indices = @transform_3, window_bounds = array<i64: 2, 1000, 64>}]} {
    %get3A = arith.constant 0 : index
    %get3A_0 = arith.constant 0 : index
    %get3A_1 = vector.load %arg2[%get3A, %get3A_0] : memref<1000x1xf32, #tpu.memory_space<vmem>>, vector<1000x1xf32>
    %get3A_2 = arith.constant 0 : index
    %get3A_3 = arith.constant 0 : index
    %get3A_4 = vector.load %arg3[%get3A_2, %get3A_3] : memref<1000x1xf32, #tpu.memory_space<vmem>>, vector<1000x1xf32>
    %add3A = arith.addf %get3A_1, %get3A_4 : vector<1000x1xf32>
    %add3A_5 = arith.constant 1.000000e+00 : f32
    %add3A_6 = vector.broadcast %add3A_5 : f32 to vector<1000x1xf32>
    %add3A_7 = arith.addf %add3A, %add3A_6 : vector<1000x1xf32>
    %rsqrt3A = math.rsqrt %add3A_7 : vector<1000x1xf32>
    %get3A_8 = arith.constant 0 : index
    %get3A_9 = arith.constant 0 : index
    %get3A_10 = vector.load %arg1[%get3A_8, %get3A_9] : memref<1000x128xf32, #tpu.memory_space<vmem>>, vector<1000x128xf32>
    %mul3A = vector.broadcast %rsqrt3A : vector<1000x1xf32> to vector<1000x128xf32>
    %mul3A_11 = arith.mulf %mul3A, %get3A_10 : vector<1000x128xf32>
    %slice3A = vector.extract_strided_slice %mul3A_11 {offsets = [0, 0], sizes = [1000, 64], strides = [1, 1]} : vector<1000x128xf32> to vector<1000x64xf32>
    %swap3A = arith.constant 0 : index
    %swap3A_12 = arith.constant 0 : index
    %swap3A_13 = arith.constant 0 : index
    %swap3A_14 = vector.load %arg4[%swap3A, %swap3A_12, %swap3A_13] : memref<2x1000x64xf32, #tpu.memory_space<vmem>>, vector<1x1000x64xf32>
    %swap3A_15 = vector.shape_cast %swap3A_14 : vector<1x1000x64xf32> to vector<1000x64xf32>
    %swap3A_16 = vector.shape_cast %slice3A : vector<1000x64xf32> to vector<1x1000x64xf32>
    tpu.vector_store %arg4[%swap3A, %swap3A_12, %swap3A_13], %swap3A_16 {strides = array<i32>} : memref<2x1000x64xf32, #tpu.memory_space<vmem>>, vector<1x1000x64xf32>,
    %slice3A_17 = vector.extract_strided_slice %mul3A_11 {offsets = [0, 64], sizes = [1000, 64], strides = [1, 1]} : vector<1000x128xf32> to vector<1000x64xf32>
    %swap3A_18 = arith.constant 1 : index
    %swap3A_19 = arith.constant 0 : index
    %swap3A_20 = arith.constant 0 : index
    %swap3A_21 = vector.load %arg4[%swap3A_18, %swap3A_19, %swap3A_20] : memref<2x1000x64xf32, #tpu.memory_space<vmem>>, vector<1x1000x64xf32>
    %swap3A_22 = vector.shape_cast %swap3A_21 : vector<1x1000x64xf32> to vector<1000x64xf32>
    %swap3A_23 = vector.shape_cast %slice3A_17 : vector<1000x64xf32> to vector<1x1000x64xf32>
    tpu.vector_store %arg4[%swap3A_18, %swap3A_19, %swap3A_20], %swap3A_23 {strides = array<i32>} : memref<2x1000x64xf32, #tpu.memory_space<vmem>>, vector<1x1000x64xf32>,
    return
  }
  func.func @transform_0(%arg0: i32) -> (i32, i32) {
    %c0_i32 = arith.constant 0 : i32
    %c0_i32_0 = arith.constant 0 : i32
    return %arg0, %c0_i32 : i32, i32
  }
  func.func @transform_1(%arg0: i32) -> (i32, i32) {
    %c0_i32 = arith.constant 0 : i32
    %c0_i32_0 = arith.constant 0 : i32
    return %arg0, %c0_i32 : i32, i32
  }
  func.func @transform_2(%arg0: i32) -> (i32, i32) {
    %c0_i32 = arith.constant 0 : i32
    %c0_i32_0 = arith.constant 0 : i32
    return %arg0, %c0_i32 : i32, i32
  }
  func.func @transform_3(%arg0: i32) -> (i32, i32, i32) {
    %c0_i32 = arith.constant 0 : i32
    %c0_i32_0 = arith.constant 0 : i32
    %c0_i32_1 = arith.constant 0 : i32
    return %c0_i32, %arg0, %c0_i32_0 : i32, i32, i32
  }
}

module attributes {stable_mosaic.version = 14 : i64} {
  func.func @_tc_final_body(%arg0: i32, %arg1: memref<1x1000x64xf32, #tpu.memory_space<vmem>>, %arg2: memref<1x1000x64xf32, #tpu.memory_space<vmem>>, %arg3: memref<1000x128xf32, #tpu.memory_space<vmem>>, %arg4: memref<1000x1xf32, #tpu.memory_space<vmem>>, %arg5: memref<1000x1xf32, #tpu.memory_space<vmem>>, %arg6: memref<1x128xf32, #tpu.memory_space<vmem>>, %arg7: memref<1000x128xf32, #tpu.memory_space<vmem>>) attributes {dimension_semantics = [#tpu.dimension_semantics<arbitrary>], iteration_bounds = array<i64: 10>, scalar_prefetch = 0 : i64, scratch_operands = 0 : i64, tpu.core_type = #tpu.core_type<tc>, window_params = [{transform_indices = @transform_0, window_bounds = array<i64: 1, 1000, 64>}, {transform_indices = @transform_1, window_bounds = array<i64: 1, 1000, 64>}, {transform_indices = @transform_2, window_bounds = array<i64: 1000, 128>}, {transform_indices = @transform_3, window_bounds = array<i64: 1000, 1>}, {transform_indices = @transform_4, window_bounds = array<i64: 1000, 1>}, {pipeline_mode = #tpu.pipeline_mode<synchronous>, transform_indices = @transform_5, window_bounds = array<i64: 1, 128>}, {transform_indices = @transform_6, window_bounds = array<i64: 1000, 128>}]} {
    %get3A = arith.constant 0 : index
    %get3A_0 = arith.constant 0 : index
    %get3A_1 = vector.load %arg4[%get3A, %get3A_0] : memref<1000x1xf32, #tpu.memory_space<vmem>>, vector<1000x1xf32>
    %get3A_2 = arith.constant 0 : index
    %get3A_3 = arith.constant 0 : index
    %get3A_4 = vector.load %arg5[%get3A_2, %get3A_3] : memref<1000x1xf32, #tpu.memory_space<vmem>>, vector<1000x1xf32>
    %add3A = arith.addf %get3A_1, %get3A_4 : vector<1000x1xf32>
    %add3A_5 = arith.constant 1.000000e+00 : f32
    %add3A_6 = vector.broadcast %add3A_5 : f32 to vector<1000x1xf32>
    %add3A_7 = arith.addf %add3A, %add3A_6 : vector<1000x1xf32>
    %rsqrt3A = math.rsqrt %add3A_7 : vector<1000x1xf32>
    %get3A_8 = arith.constant 0 : index
    %get3A_9 = arith.constant 0 : index
    %get3A_10 = arith.constant 0 : index
    %get3A_11 = vector.load %arg1[%get3A_8, %get3A_9, %get3A_10] : memref<1x1000x64xf32, #tpu.memory_space<vmem>>, vector<1x1000x64xf32>
    %get3A_12 = vector.shape_cast %get3A_11 : vector<1x1000x64xf32> to vector<1000x64xf32>
    %get3A_13 = arith.constant 0 : index
    %get3A_14 = arith.constant 0 : index
    %get3A_15 = arith.constant 0 : index
    %get3A_16 = vector.load %arg2[%get3A_13, %get3A_14, %get3A_15] : memref<1x1000x64xf32, #tpu.memory_space<vmem>>, vector<1x1000x64xf32>
    %get3A_17 = vector.shape_cast %get3A_16 : vector<1x1000x64xf32> to vector<1000x64xf32>
    %concatenate3A = tpu.concatenate %get3A_12, %get3A_17 in 1 : vector<1000x64xf32>, vector<1000x64xf32> -> vector<1000x128xf32>
    %mul3A = vector.broadcast %rsqrt3A : vector<1000x1xf32> to vector<1000x128xf32>
    %mul3A_18 = arith.mulf %mul3A, %concatenate3A : vector<1000x128xf32>
    %mul3A_19 = arith.mulf %rsqrt3A, %rsqrt3A : vector<1000x1xf32>
    %get3A_20 = arith.constant 0 : index
    %get3A_21 = arith.constant 0 : index
    %get3A_22 = vector.load %arg3[%get3A_20, %get3A_21] : memref<1000x128xf32, #tpu.memory_space<vmem>>, vector<1000x128xf32>
    %mul3A_23 = vector.broadcast %mul3A_19 : vector<1000x1xf32> to vector<1000x128xf32>
    %mul3A_24 = arith.mulf %mul3A_23, %get3A_22 : vector<1000x128xf32>
    %add3A_25 = arith.addf %mul3A_18, %mul3A_24 : vector<1000x128xf32>
    %get3A_26 = arith.constant 0 : index
    %get3A_27 = arith.constant 0 : index
    %get3A_28 = vector.load %arg6[%get3A_26, %get3A_27] : memref<1x128xf32, #tpu.memory_space<vmem>>, vector<1x128xf32>
    %add3A_29 = vector.broadcast %get3A_28 : vector<1x128xf32> to vector<1000x128xf32>
    %add3A_30 = arith.addf %add3A_25, %add3A_29 : vector<1000x128xf32>
    %swap3A = arith.constant 0 : index
    %swap3A_31 = arith.constant 0 : index
    %swap3A_32 = vector.load %arg7[%swap3A, %swap3A_31] : memref<1000x128xf32, #tpu.memory_space<vmem>>, vector<1000x128xf32>
    tpu.vector_store %arg7[%swap3A, %swap3A_31], %add3A_30 {strides = array<i32>} : memref<1000x128xf32, #tpu.memory_space<vmem>>, vector<1000x128xf32>,
    return
  }
  func.func @transform_0(%arg0: i32) -> (i32, i32, i32) {
    %c0_i32 = arith.constant 0 : i32
    %c0_i32_0 = arith.constant 0 : i32
    %c0_i32_1 = arith.constant 0 : i32
    return %c0_i32, %arg0, %c0_i32_0 : i32, i32, i32
  }
  func.func @transform_1(%arg0: i32) -> (i32, i32, i32) {
    %c1_i32 = arith.constant 1 : i32
    %c0_i32 = arith.constant 0 : i32
    %c0_i32_0 = arith.constant 0 : i32
    return %c1_i32, %arg0, %c0_i32 : i32, i32, i32
  }
  func.func @transform_2(%arg0: i32) -> (i32, i32) {
    %c0_i32 = arith.constant 0 : i32
    %c0_i32_0 = arith.constant 0 : i32
    return %arg0, %c0_i32 : i32, i32
  }
  func.func @transform_3(%arg0: i32) -> (i32, i32) {
    %c0_i32 = arith.constant 0 : i32
    %c0_i32_0 = arith.constant 0 : i32
    return %arg0, %c0_i32 : i32, i32
  }
  func.func @transform_4(%arg0: i32) -> (i32, i32) {
    %c0_i32 = arith.constant 0 : i32
    %c0_i32_0 = arith.constant 0 : i32
    return %arg0, %c0_i32 : i32, i32
  }
  func.func @transform_5(%arg0: i32) -> (i32, i32) {
    %c0_i32 = arith.constant 0 : i32
    %c0_i32_0 = arith.constant 0 : i32
    %c0_i32_1 = arith.constant 0 : i32
    return %c0_i32, %c0_i32_0 : i32, i32
  }
  func.func @transform_6(%arg0: i32) -> (i32, i32) {
    %c0_i32 = arith.constant 0 : i32
    %c0_i32_0 = arith.constant 0 : i32
    return %arg0, %c0_i32 : i32, i32
  }
}

</mosaic_0001>

<sc_bundles>
// kernel: kernel.10.cloned.1.call-start
scs
__scs_entry_jumppad:
0x0: {  	(pc) =	sbr.rel $0x88, $3  }
0x1: {  	(tag) =	ssettag $0x0;
	lr =	simm.s32 $0x1  }
0x2: {  	[smem:$0x3F9D] =	sst lr;
	_ =	strace $0xD0000000  }
0x3: {  	_ = 	snop  }
0x4: {  	_ = 	snop  }
0x5: {  	_ = 	snop  }
0x6: {  	_ = 	snop  }
0x7: {  	_ = 	snop  }
__scs_overlays_trampoline_lowered:
0x8: {  	[smem:$0x3FAC] =	sst s0  }
0x9: {  	[smem:$0x3FAD] =	sst s1  }
0xa: {  	[smem:$0x3FAE] =	sst s2  }
0xb: {  	[smem:$0x3FAF] =	sst s3  }
0xc: {  	[smem:$0x3FB0] =	sst s4  }
0xd: {  	[smem:$0x3FB1] =	sst s5  }
0xe: {  	[smem:$0x3FB2] =	sst s6  }
0xf: {  	[smem:$0x3FB3] =	sst s7  }
0x10: {  	[smem:$0x3FB4] =	sst s8  }
0x11: {  	[smem:$0x3FB5] =	sst s9;
	s0 =	simm.s32 @!p0 $0x0  }
0x12: {  	s1 =	sld [smem:$0x3F9B];
	s0 =	simm.s32 @p0 $0x1  }
0x13: {  	[smem:$0x3FB6] =	sst s0;
	s0 =	simm.s32 @!p1 $0x0  }
0x14: {  	s2 =	sld [smem:$0x3F9A];
	s0 =	simm.s32 @p1 $0x1  }
0x15: {  	[smem:$0x3FB7] =	sst s0;
	s0 =	simm.s32 @!p2 $0x0  }
0x16: {  	s3 =	sld [smem:$0x3FDB];
	s0 =	simm.s32 @p2 $0x1  }
0x17: {  	s4 =	simm.s32 $0x1BF5;
	[smem:$0x3FB9] =	sst s0  }
0x18: {  	s0 =	sld [smem:$0x3F9C];
	_ =	swait.ge [sflag:s4], $0x0  }
0x19: {  	s7 =	sld [smem:$0x3F9D]  }
0x1a: {  	s8 =	sadd.s32 $0xFFFFE003, lr  }
0x1b: {  	s9 =	sadd.s32 $0xFFFFFEF7, lr;
	s5 =	simm.s32 $0xFFFFFFFF;
	p2 =	slt.u32 s8, $0xFFFFF086  }
0x1c: {  	p1 =	slt.u32 s9, $0xF7A;
	s5 =	simm.s32 @!p2 $0x0  }
0x1d: {  	s5 =	simm.s32 @p1 $0x1;
	p0 =	seq.s32 s7, s2  }
0x1e: {  	s7 =	smul.u32 @!p0 $0xF7A, s2;
	p2 =	seq.s32 @!p0 s5, $0x0  }
0x1f: {  	s9 =	smul.u32 $0xF7A, s1;
	s8 =	simm.s32 @!p0 $0x1BF5;
	p2 =	por !p2, p0  }
0x20: {  	[sflag:s8] =	ssyncset.s32 @!p0 $0xFFFFF086;
	s6 =	sadd.s32 @!p0 s3, s7;
	s7 =	simm.s32 @!p0 $0x108  }
0x21: {  	s3 =	sadd.s32 s3, s9;
	s6 =	sadd.s32 @!p0 $0x88, s6;
	s7 =	simm.s32 @p2 $0x1082  }
0x22: {  	[simem:s7], [sflag:s8] =	dma.local @!p0 [hbm:s6], $0xF7A  }
0x23: {  	s9 =	sor.u32 $0xD0000000, s2;
	s6 =	simm.s32 $0x108;
	_ =	swait.ge @!p0 [sflag:s8], $0x0  }
0x24: {  	s3 =	sadd.s32 $0x88, s3;
	s6 =	simm.s32 @!p1 $0x1082;
	[sflag:s4] =	ssyncset.s32 $0xFFFFF086  }
0x25: {  	[simem:s6], [sflag:s4] =	dma.local [hbm:s3], $0xF7A  }
0x26: {  	[smem:$0x3F9D] =	sst s1;
	(tag) =	ssettag s2;
	_ =	strace s9  }
0x27: {  	s1 =	sld [smem:$0x3FAD]  }
0x28: {  	s2 =	sld [smem:$0x3FAE]  }
0x29: {  	s4 =	sld [smem:$0x3FB0]  }
0x2a: {  	p0 =	seq.s32 s5, $0x0;
	s5 =	sld [smem:$0x3FB1]  }
0x2b: {  	s6 =	sld [smem:$0x3FB2]  }
0x2c: {  	s7 =	sld [smem:$0x3FB3]  }
0x2d: {  	s3 =	simm.s32 $0x108;
	s8 =	sld [smem:$0x3FB4]  }
0x2e: {  	s3 =	simm.s32 @!p0 $0x1082;
	s9 =	sld [smem:$0x3FB5]  }
0x2f: {  	lr =	sadd.s32 s0, s3;
	s0 =	sld [smem:$0x3FAC]  }
0x30: {  	s3 =	sld [smem:$0x3FAF]  }
0x31: {  	[smem:$0x3FB8] =	sst s10  }
0x32: {  	s10 =	sld [smem:$0x3FB6];
	_ =	sdelay $0x3  }
0x33: {  	p0 =	seq.s32 s10, $0x1;
	s10 =	sld [smem:$0x3FB8];
	_ =	sdelay $0x3  }
0x34: {  	[smem:$0x3FB8] =	sst s10  }
0x35: {  	s10 =	sld [smem:$0x3FB7];
	_ =	sdelay $0x3  }
0x36: {  	p1 =	seq.s32 s10, $0x1;
	s10 =	sld [smem:$0x3FB8];
	_ =	sdelay $0x3  }
0x37: {  	[smem:$0x3FB8] =	sst s10  }
0x38: {  	s10 =	sld [smem:$0x3FB9]  }
0x39: {  	_ = 	snop;
	(pc) =	sbr.ind lr, $3  }
0x3a: {  	_ = 	snop  }
0x3b: {  	_ = 	snop  }
0x3c: {  	p2 =	seq.s32 s10, $0x1;
	s10 =	sld [smem:$0x3FB8]  }
0x3d: {  	_ =	shalt  }
0x3e: {  	_ =	shalt  }
0x3f: {  	_ =	shalt  }
0x40: {  	_ =	shalt  }
0x41: {  	_ =	shalt  }
0x42: {  	_ =	shalt  }
0x43: {  	_ =	shalt  }
0x44: {  	_ =	shalt  }
0x45: {  	_ =	shalt  }
0x46: {  	_ =	shalt  }
0x47: {  	_ =	shalt  }
0x48: {  	_ =	shalt  }
0x49: {  	_ =	shalt  }
0x4a: {  	_ =	shalt  }
0x4b: {  	_ =	shalt  }
0x4c: {  	_ =	shalt  }
0x4d: {  	_ =	shalt  }
0x4e: {  	_ =	shalt  }
0x4f: {  	_ =	shalt  }
0x50: {  	_ =	shalt  }
0x51: {  	_ =	shalt  }
0x52: {  	_ =	shalt  }
0x53: {  	_ =	shalt  }
0x54: {  	_ =	shalt  }
0x55: {  	_ =	shalt  }
0x56: {  	_ =	shalt  }
0x57: {  	_ =	shalt  }
0x58: {  	_ =	shalt  }
0x59: {  	_ =	shalt  }
0x5a: {  	_ =	shalt  }
0x5b: {  	_ =	shalt  }
0x5c: {  	_ =	shalt  }
0x5d: {  	_ =	shalt  }
0x5e: {  	_ =	shalt  }
0x5f: {  	_ =	shalt  }
0x60: {  	_ =	shalt  }
0x61: {  	_ =	shalt  }
0x62: {  	_ =	shalt  }
0x63: {  	_ =	shalt  }
0x64: {  	_ =	shalt  }
0x65: {  	_ =	shalt  }
0x66: {  	_ =	shalt  }
0x67: {  	_ =	shalt  }
0x68: {  	_ =	shalt  }
0x69: {  	_ =	shalt  }
0x6a: {  	_ =	shalt  }
0x6b: {  	_ =	shalt  }
0x6c: {  	_ =	shalt  }
0x6d: {  	_ =	shalt  }
0x6e: {  	_ =	shalt  }
0x6f: {  	_ =	shalt  }
0x70: {  	_ =	shalt  }
0x71: {  	_ =	shalt  }
0x72: {  	_ =	shalt  }
0x73: {  	_ =	shalt  }
0x74: {  	_ =	shalt  }
0x75: {  	_ =	shalt  }
0x76: {  	_ =	shalt  }
0x77: {  	_ =	shalt  }
0x78: {  	_ =	shalt  }
0x79: {  	_ =	shalt  }
0x7a: {  	_ =	shalt  }
0x7b: {  	_ =	shalt  }
0x7c: {  	_ =	shalt  }
0x7d: {  	_ =	shalt  }
0x7e: {  	_ =	shalt  }
0x7f: {  	_ =	shalt  }
0x80: {  	_ =	shalt  }
0x81: {  	_ =	shalt  }
0x82: {  	_ =	shalt  }
0x83: {  	_ =	shalt  }
0x84: {  	_ =	shalt  }
0x85: {  	_ =	shalt  }
0x86: {  	_ =	shalt  }
0x87: {  	_ =	shalt  }
.Lfunc_end0:
.L_simem_size_0:
called_computation.1_lowered:
.L_overlay_start_0:
0x88: {  	s2 =	sld [smem:$0x3FD9]  }
0x89: {  	s3 =	sld [smem:$0x3FFE];
	_ =	sdelay $0x1  }
0x8a: {  	s1 =	srdreg.scid  }
0x8b: {  	s0 =	sand.u32 $0x1, s1  }
0x8c: {  	s17 =	sshll.u32 s0, $0xA;
	s2 =	sadd.s32 s3, s2  }
0x8d: {  	s2 =	sadd.s32 s2, s17  }
0x8e: {  	[smem:$0x3FC4] =	sst s2  }
0x8f: {  	_ = 	snop  }
0x90: {  	s2 =	sld [smem:$0x3FD0];
	(tm) =	ssettm $0x1  }
0x91: {  	s18 =	sld [smem:$0x3FFB];
	_ =	sdelay $0x3  }
0x92: {  	_ =	strace s18  }
0x93: {  	s3 =	sld [smem:$0x3FFC];
	_ =	sdelay $0x3  }
0x94: {  	_ =	strace s3  }
0x95: {  	s3 =	sld [smem:$0x3FFD];
	_ =	sdelay $0x3  }
0x96: {  	_ =	strace s3  }
0x97: {  	_ =	strace $0x8FFFFFFF  }
0x98: {  	s19 =	sld [smem:$0x3FDB];
	_ =	sdelay $0x1  }
0x99: {  	s4 =	simm.s32 $_scs_section_size  }
0x9a: {  	s5 =	simm.s32 $_size__tile_overlayer_lowered;
	s6 =	simm.s32 $_tile_overlayer_lowered  }
0x9b: {  	s22 =	simm.s32 $0x1BFF;
	s21 =	sshll.u32 s6, $0x1;
	s3 =	sadd.s32 s4, s19  }
0x9c: {  	s7 =	simm.s32 $0x0;
	s20 =	sshll.u32 s5, $0x1;
	s5 =	sadd.s32 s21, s3  }
0x9d: {  	[timem:s7], [sflag:s22] =	dma.local [hbm:s5], s20  }
0x9e: {  	_ =	swait.ge [sflag:s22], s20  }
0x9f: {  	s4 =	ssub.s32 $0x0, s20;
	[sflag:s22] =	ssyncset.done $0x0  }
0xa0: {  	[sflag:s22] =	ssyncadd.s32 s4;
	_ =	sdelay $0x1  }
0xa1: {  	s23 =	simm.s32 $0x1B8B  }
0xa2: {  	_ =	swait.ge [sflag:s23], $0x1  }
0xa3: {  	[sflag:s23] =	ssyncset.done $0x0  }
0xa4: {  	s25 =	simm.s32 $0x1B8E;
	s24 =	sld [smem:$0x3FFE];
	[sflag:s23] =	ssyncadd.s32 $0xFFFFFFFF  }
0xa5: {  	s26 =	simm.s32 $execute0_lowered;
	[smem:$0x3FD2] =	sst s25  }
0xa6: {  	s5 =	sshll.u32 s26, $0x1;
	_ =	strace $0x80000049;
	[dreg:$0x1] =	wrdreg $0xFFFFFFFF  }
0xa7: {  	s28 =	simm.s32 $_size_execute0_lowered;
	s3 =	sadd.s32 s3, s5;
	[dreg:$0x0] =	wrdreg $0x0  }
0xa8: {  	s5 =	sshll.u32 s28, $0x1;
	[dreg:$0x2] =	wrdreg s3  }
0xa9: {  	[dreg:$0x3] =	wrdreg s5  }
0xaa: {  	[dreg:$0x4] =	wrdreg $0xC0  }
0xab: {  	_ =	task [dreg:s7], $0x5FFFF  }
0xac: {  	[dreg:$0x1] =	wrdreg $0xFFFFFFFF  }
0xad: {  	[dreg:$0x0] =	wrdreg $0x60  }
0xae: {  	[dreg:$0x2] =	wrdreg s2  }
0xaf: {  	[dreg:$0x3] =	wrdreg s24  }
0xb0: {  	[dreg:$0x4] =	wrdreg $0xA7800  }
0xb1: {  	[dreg:$0x5] =	wrdreg $0x143C00  }
0xb2: {  	[dreg:$0x6] =	wrdreg $0x9  }
0xb3: {  	_ =	task.clear_ibuf [dreg:s7], $0x7FFFF;
	_ =	strace $0x90000049  }
0xb4: {  	s29 =	simm.s32 $0x9;
	_ =	strace $0x8000004B  }
0xb5: {  	_ =	swait.ge [sflag:s29], $0x1  }
0xb6: {  	[sflag:s29] =	ssyncadd.s32 $0xFFFFFFFF  }
0xb7: {  	_ =	strace $0x9000004B  }
0xb8: {  	_ =	sfence  }
0xb9: {  	s30 =	sld [smem:$0x0];
	_ =	sdelay $0x2  }
0xba: {  	s31 =	sshll.u32 s1, $0xD;
	s1 =	sshrl.u32 s1, $0x2  }
0xbb: {  	s3 =	sand.u32 $0x4000, s31;
	s1 =	sadd.s32 s1, s30  }
0xbc: {  	s0 =	sor.u32 s3, s0;
	s1 =	sshll.u32 s1, $0x11  }
0xbd: {  	s0 =	sor.u32 s1, s0  }
0xbe: {  	s0 =	sadd.s32 $0x8F2B, s0  }
0xbf: {  	[sflag:s0] =	ssyncadd.remote.s32 $0x1  }
0xc0: {  	_ =	sfence.sel $0xFFFF  }
0xc1: {  	[dreg:$0x0] =	wrdreg $0xFFFFFFFF;
	(pc) =	sbr.abs _section_cstart, $3  }
0xc2: {  	[dreg:$0x1] =	wrdreg $0xFFFFFFFF  }
0xc3: {  	_ =	task.clear_ibuf [dreg:s7], $0x2FFFF;
	_ =	strace $0x9FFFFFFF  }
0xc4: {  	(tm) =	ssettm $0x7FFFFFFF  }
0xc5: {  	_ =	shalt  }
tec
execute0_lowered:
.L_overlay_start_1:
0x0: {  	(tag) =	ssettag $0x1  }
0x1: {  	s0 =	rddreg [dreg:$0x0]  }
0x2: {  	s1 =	rddreg [dreg:$0x1]  }
0x3: {  	s2 =	rddreg [dreg:$0x2]  }
0x4: {  	s3 =	rddreg [dreg:$0x3]  }
0x5: {  	s5 =	srdreg.scid;
	s13 =	stileid.u32  }
0x6: {  	s4 =	simm.s32 $0x0;
	s18 =	simm.s32 $0x200;
	s19 =	simm.s32 $0x480  }
0x7: {  	s28 =	simm.s32 $0x4780;
	s29 =	simm.s32 $0x6;
	s6 =	smul.u32 $0xA000, s13  }
0x8: {  	s30 =	simm.s32 $0x4;
	s31 =	simm.s32 $0x6780;
	s20 =	smul.u32 $0x27100, s13  }
0x9: {  	s5 =	sand.u32 $0x1, s5;
	[smem:$0x7FF] =	sst s4;
	s11 =	smul.u32 $0x1388, s13  }
0xa: {  	s8 =	sadd.s32 $0x1C00, s1;
	s9 =	sadd.s32 $0xC000, s1;
	s23 =	smul.u32 $0x5200, s13  }
0xb: {  	s24 =	sshll.u32 s13, $0x6;
	_ =	strace $0x8000004A;
	[dreg:$0xf] =	wrdreg s9  }
0xc: {  	s7 =	smul.u32 $0xA0000, s5;
	s10 =	ssub.s32 $0x2, s5;
	[dreg:$0x6] =	wrdreg s18  }
0xd: {  	s5 =	smul.u32 $0x13880, s5;
	s14 =	sor.u32 $0x1C10, s24;
	[dreg:$0x7] =	wrdreg s19  }
0xe: {  	s18 =	simm.s32 $0x100;
	s19 =	simm.s32 $0x180;
	s24 =	simm.s32 $0x500  }
0xf: {  	s21 =	sshrl.u32 s10, $0x1;
	s22 =	sshrl.u32 s20, $0x2;
	s25 =	sshrl.u32 s23, $0x3  }
0x10: {  	s26 =	sadd.s32 s6, s3;
	s20 =	simm.s32 $0x300;
	[dreg:$0xc] =	wrdreg s24  }
0x11: {  	s23 =	simm.s32 $0x680;
	s24 =	simm.s32 $0x380;
	[dreg:$0x11] =	wrdreg s14  }
0x12: {  	s7 =	sadd.s32 s6, s7;
	s10 =	ssub.s32 s10, s21;
	s12 =	sadd.s32 s22, s2  }
0x13: {  	s5 =	sadd.s32 s11, s5;
	s9 =	sadd.s32 s8, s25;
	[dreg:$0x8] =	wrdreg s20  }
0x14: {  	s11 =	smul.u32 $0xA40, s13;
	s21 =	simm.s32 $0x580;
	[dreg:$0xb] =	wrdreg s23  }
0x15: {  	s22 =	simm.s32 $0x400;
	s20 =	simm.s32 $0x1;
	[dreg:$0x12] =	wrdreg s9  }
0x16: {  	s25 =	simm.s32 $0x600;
	s23 =	simm.s32 $0x2;
	[dreg:$0x9] =	wrdreg s21  }
0x17: {  	s7 =	sshrl.u32 s7, $0x3;
	s0 =	sadd.s32 s0, s5;
	[dreg:$0xa] =	wrdreg s22  }
0x18: {  	s13 =	sadd.s32 $0x10, s9;
	s15 =	sadd.s32 $0x20, s9;
	[dreg:$0xd] =	wrdreg s25  }
0x19: {  	s6 =	sadd.s32 $0x30, s9;
	s16 =	smax.u32 s10, $0x1;
	[dreg:$0x10] =	wrdreg s0  }
0x1a: {  	s17 =	sshrl.u32 s12, $0x3;
	s21 =	simm.s32 $0x280;
	[dreg:$0x13] =	wrdreg s13  }
0x1b: {  	s22 =	simm.s32 $0x780;
	s25 =	simm.s32 $0x2780;
	[dreg:$0x14] =	wrdreg s15  }
0x1c: {  	s5 =	simm.s32 $0x8780;
	s9 =	simm.s32 $0xB;
	[dreg:$0x15] =	wrdreg s6  }
0x1d: {  	s10 =	simm.s32 $0x9;
	s12 =	simm.s32 $0xA;
	[dreg:$0x17] =	wrdreg s16  }
0x1e: {  	s1 =	sadd.s32 s7, s1;
	s0 =	sadd.s32 s11, s8;
	[dreg:$0x18] =	wrdreg s17  }
0x1f: {  	s15 =	simm.s32 $0x10;
	s16 =	sshrl.u32 s26, $0x3;
	s17 =	simm.s32 $0x80  }
0x20: {  	s26 =	simm.s32 $0x700;
	s6 =	simm.s32 $0x8;
	[dreg:$0x5] =	wrdreg s0  }
0x21: {  	s11 =	simm.s32 $0xC;
	s13 =	simm.s32 $0x0;
	[dreg:$0xe] =	wrdreg s26  }
0x22: {  	s1 =	sadd.s32 $0xD400, s1;
	s26 =	simm.s32 $0x3;
	[dreg:$0x19] =	wrdreg s16  }
0x23: {  	s0 =	simm.s32 $0x7;
	[dreg:$0x16] =	wrdreg s1;
	s1 =	simm.s32 $0x5  }
.LBB2_1:
0x24: {  	s7 =	rddreg [dreg:$0x10]  }
0x25: {  	s8 =	rddreg [dreg:$0x18]  }
0x26: {  	[spmem:s8], [sflag:s14] =	dma.local [hbm:s7], $0x1388  }
0x27: {  	_ =	swait.ge [sflag:s15], $0x1388  }
0x28: {  	[sflag:s15] =	ssyncset.done $0x0  }
0x29: {  	s8 =	rddreg [dreg:$0xf];
	[sflag:s15] =	ssyncadd.s32 $0xFFFFEC78  }
0x2a: {  	[spmem:s16], [sflag:s14] =	dma.local [hbm:s8], $0x1400  }
0x2b: {  	_ =	swait.ge [sflag:s15], $0x1400  }
0x2c: {  	[sflag:s15] =	ssyncset.done $0x0  }
0x2d: {  	[sflag:s15] =	ssyncadd.s32 $0xFFFFEC00  }
0x2e: {  	[bflag:$0x0] =	sbarrier.arrive $0xFFFF  }
0x2f: {  	s16 =	rddreg [dreg:$0x12]  }
0x30: {  	[tilespmem:s4], [sflag:$0x1] =	stream.linear.gather [hbm4b:s16+s4], $0x80, $0x38;
	[tilespmem:$0x1E3C0] =	vst v63  }
0x31: {  	s8 =	rddreg [dreg:$0x13]  }
0x32: {  	[tilespmem:s17], [sflag:$0x2] =	stream.linear.gather [hbm4b:s8+s4], $0x80, $0x38;
	[tilespmem:$0x1E3C0] =	vst v63  }
0x33: {  	s14 =	rddreg [dreg:$0x14]  }
0x34: {  	[tilespmem:s18], [sflag:$0x3] =	stream.linear.gather [hbm4b:s14+s4], $0x80, $0x38;
	[tilespmem:$0x1E3C0] =	vst v63  }
0x35: {  	s16 =	rddreg [dreg:$0x15]  }
0x36: {  	[tilespmem:s19], [sflag:$0x4] =	stream.linear.gather [hbm4b:s16+s4], $0x80, $0x38;
	[tilespmem:$0x1E3C0] =	vst v63  }
0x37: {  	_ =	swait.ge [sflag:s20], $0x80  }
0x38: {  	[sflag:s20] =	ssyncset.done $0x0  }
0x39: {  	[sflag:s20] =	ssyncadd.s32 $0xFFFFFF80  }
0x3a: {  	v0 =	vld [tilespmem:$0x0];
	_ =	sdelay $0x1  }
0x3b: {  	v1 =	vld [tilespmem:$0x10];
	_ =	sdelay $0x1  }
0x3c: {  	v2 =	vld [tilespmem:$0x20]  }
0x3d: {  	v3 =	vand.u32 $0xFFFF, v0  }
0x3e: {  	v22 =	vld [tilespmem:$0x30];
	v0 =	vshrl.u32 v0, $0x10;
	[tilespmem:$0x280] =	vst v3  }
0x3f: {  	v23 =	vand.u32 $0xFFFF, v1;
	[tilespmem:$0x300] =	vst v0  }
0x40: {  	v25 =	vld [tilespmem:$0x40];
	v24 =	vshrl.u32 v1, $0x10;
	[tilespmem:$0x290] =	vst v23  }
0x41: {  	v26 =	vand.u32 $0xFFFF, v2;
	[tilespmem:$0x310] =	vst v24  }
0x42: {  	v28 =	vld [tilespmem:$0x50];
	v27 =	vshrl.u32 v2, $0x10;
	[tilespmem:$0x2A0] =	vst v26  }
0x43: {  	v29 =	vand.u32 $0xFFFF, v22;
	[tilespmem:$0x320] =	vst v27  }
0x44: {  	v31 =	vld [tilespmem:$0x60];
	v30 =	vshrl.u32 v22, $0x10;
	[tilespmem:$0x2B0] =	vst v29  }
0x45: {  	v32 =	vand.u32 $0xFFFF, v25;
	[tilespmem:$0x330] =	vst v30  }
0x46: {  	v34 =	vld [tilespmem:$0x70];
	v33 =	vshrl.u32 v25, $0x10;
	[tilespmem:$0x2C0] =	vst v32  }
0x47: {  	v35 =	vand.u32 $0xFFFF, v28;
	[tilespmem:$0x340] =	vst v33  }
0x48: {  	v36 =	vshrl.u32 v28, $0x10;
	[tilespmem:$0x2D0] =	vst v35  }
0x49: {  	v37 =	vand.u32 $0xFFFF, v31;
	[tilespmem:$0x350] =	vst v36  }
0x4a: {  	v38 =	vshrl.u32 v31, $0x10;
	[tilespmem:$0x2E0] =	vst v37  }
0x4b: {  	v39 =	vand.u32 $0xFFFF, v34;
	[tilespmem:$0x360] =	vst v38  }
0x4c: {  	v40 =	vshrl.u32 v34, $0x10;
	[tilespmem:$0x2F0] =	vst v39  }
0x4d: {  	[tilespmem:$0x370] =	vst v40  }
0x4e: {  	[tilespmem:s22], [sflag:$0x6] =	stream.indirect.gather [spmem:s2], $0x40, s21, s17, $0xb8;
	[tilespmem:$0x1E3C0] =	vst v63  }
0x4f: {  	_ =	swait.ge [sflag:s23], $0x80  }
0x50: {  	[sflag:s23] =	ssyncset.done $0x0  }
0x51: {  	[sflag:s23] =	ssyncadd.s32 $0xFFFFFF80  }
0x52: {  	v41 =	vld [tilespmem:$0x80];
	_ =	sdelay $0x1  }
0x53: {  	v42 =	vld [tilespmem:$0x90];
	_ =	sdelay $0x1  }
0x54: {  	v43 =	vld [tilespmem:$0xA0]  }
0x55: {  	v44 =	vand.u32 $0xFFFF, v41  }
0x56: {  	v45 =	vld [tilespmem:$0xB0];
	v0 =	vshrl.u32 v41, $0x10;
	[tilespmem:$0x380] =	vst v44  }
0x57: {  	v46 =	vand.u32 $0xFFFF, v42;
	[tilespmem:$0x400] =	vst v0  }
0x58: {  	v48 =	vld [tilespmem:$0xC0];
	v47 =	vshrl.u32 v42, $0x10;
	[tilespmem:$0x390] =	vst v46  }
0x59: {  	v49 =	vand.u32 $0xFFFF, v43;
	[tilespmem:$0x410] =	vst v47  }
0x5a: {  	v51 =	vld [tilespmem:$0xD0];
	v50 =	vshrl.u32 v43, $0x10;
	[tilespmem:$0x3A0] =	vst v49  }
0x5b: {  	v52 =	vand.u32 $0xFFFF, v45;
	[tilespmem:$0x420] =	vst v50  }
0x5c: {  	v54 =	vld [tilespmem:$0xE0];
	v53 =	vshrl.u32 v45, $0x10;
	[tilespmem:$0x3B0] =	vst v52  }
0x5d: {  	v55 =	vand.u32 $0xFFFF, v48;
	[tilespmem:$0x430] =	vst v53  }
0x5e: {  	v57 =	vld [tilespmem:$0xF0];
	v56 =	vshrl.u32 v48, $0x10;
	[tilespmem:$0x3C0] =	vst v55  }
0x5f: {  	v58 =	vand.u32 $0xFFFF, v51;
	[tilespmem:$0x440] =	vst v56  }
0x60: {  	v59 =	vshrl.u32 v51, $0x10;
	[tilespmem:$0x3D0] =	vst v58  }
0x61: {  	v60 =	vand.u32 $0xFFFF, v54;
	[tilespmem:$0x450] =	vst v59  }
0x62: {  	v61 =	vshrl.u32 v54, $0x10;
	[tilespmem:$0x3E0] =	vst v60  }
0x63: {  	v62 =	vand.u32 $0xFFFF, v57;
	[tilespmem:$0x460] =	vst v61  }
0x64: {  	v63 =	vshrl.u32 v57, $0x10;
	[tilespmem:$0x3F0] =	vst v62  }
0x65: {  	s14 =	simm.s32 $0x0;
	[tilespmem:$0x470] =	vst v63  }
0x66: {  	[tilespmem:s25], [sflag:$0x7] =	stream.indirect.gather [spmem:s2], $0x40, s24, s17, $0xb8;
	[tilespmem:$0x1E3C0] =	vst v63  }
.LBB2_2:
0x67: {  	s8 =	rddreg [dreg:$0x5]  }
0x68: {  	s8 =	sadd.s32 s14, s8  }
0x69: {  	s16 =	rddreg [dreg:$0x6];
	p0 =	seq.s32 s14, $0x0;
	s7 =	sadd.s32 $0x40, s8  }
0x6a: {  	[tilespmem:s16], [sflag:$0x5] =	stream.linear.gather [hbm4b:s7+s4], $0x80, $0x38;
	[tilespmem:$0x1E3C0] =	vst v63  }
0x6b: {  	s7 =	simm.s32 @!p0 $0xD  }
0x6c: {  	_ =	swait.ge @!p0 [sflag:s7], $0x2000  }
0x6d: {  	[sflag:s7] =	ssyncset.done @!p0 $0x0  }
0x6e: {  	[sflag:s7] =	ssyncadd.s32 @!p0 $0xFFFFE000  }
0x6f: {  	_ =	swait.ge [sflag:s26], $0x80  }
0x70: {  	[sflag:s26] =	ssyncset.done $0x0  }
0x71: {  	[sflag:s26] =	ssyncadd.s32 $0xFFFFFF80  }
0x72: {  	v0 =	vld [tilespmem:$0x100];
	_ =	sdelay $0x1  }
0x73: {  	v1 =	vld [tilespmem:$0x110];
	_ =	sdelay $0x1  }
0x74: {  	v2 =	vld [tilespmem:$0x120]  }
0x75: {  	v3 =	vand.u32 $0xFFFF, v0  }
0x76: {  	v11 =	vld [tilespmem:$0x130];
	v0 =	vshrl.u32 v0, $0x10;
	[tilespmem:$0x480] =	vst v3  }
0x77: {  	v12 =	vand.u32 $0xFFFF, v1;
	[tilespmem:$0x500] =	vst v0  }
0x78: {  	v14 =	vld [tilespmem:$0x140];
	v13 =	vshrl.u32 v1, $0x10;
	[tilespmem:$0x490] =	vst v12  }
0x79: {  	v15 =	vand.u32 $0xFFFF, v2;
	[tilespmem:$0x510] =	vst v13  }
0x7a: {  	v17 =	vld [tilespmem:$0x150];
	v16 =	vshrl.u32 v2, $0x10;
	[tilespmem:$0x4A0] =	vst v15  }
0x7b: {  	v18 =	vand.u32 $0xFFFF, v11;
	[tilespmem:$0x520] =	vst v16  }
0x7c: {  	v20 =	vld [tilespmem:$0x160];
	v19 =	vshrl.u32 v11, $0x10;
	[tilespmem:$0x4B0] =	vst v18  }
0x7d: {  	v21 =	vand.u32 $0xFFFF, v14;
	[tilespmem:$0x530] =	vst v19  }
0x7e: {  	v23 =	vld [tilespmem:$0x170];
	v22 =	vshrl.u32 v14, $0x10;
	[tilespmem:$0x4C0] =	vst v21  }
0x7f: {  	v24 =	vand.u32 $0xFFFF, v17;
	[tilespmem:$0x540] =	vst v22  }
0x80: {  	v25 =	vshrl.u32 v17, $0x10;
	[tilespmem:$0x4D0] =	vst v24  }
0x81: {  	v26 =	vand.u32 $0xFFFF, v20;
	[tilespmem:$0x550] =	vst v25  }
0x82: {  	v27 =	vshrl.u32 v20, $0x10;
	[tilespmem:$0x4E0] =	vst v26  }
0x83: {  	v28 =	vand.u32 $0xFFFF, v23;
	[tilespmem:$0x560] =	vst v27  }
0x84: {  	v29 =	vshrl.u32 v23, $0x10;
	[tilespmem:$0x4F0] =	vst v28  }
0x85: {  	s16 =	rddreg [dreg:$0x7];
	[tilespmem:$0x570] =	vst v29  }
0x86: {  	[tilespmem:s28], [sflag:$0x8] =	stream.indirect.gather [spmem:s2], $0x40, s16, s17, $0xb8;
	[tilespmem:$0x1E3C0] =	vst v63  }
0x87: {  	_ =	swait.ge [sflag:s29], $0x2000  }
0x88: {  	[sflag:s29] =	ssyncset.done $0x0  }
0x89: {  	s16 =	rddreg [dreg:$0x8];
	[sflag:s29] =	ssyncadd.s32 $0xFFFFE000  }
0x8a: {  	[spmem:s3] =	stream.indirect.scatter.add.f32 [tilespmem:s22], [sflag:$0xB], $0x40, s16, s17, $0xb8;
	[tilespmem:$0x1E3C0] =	vst v63  }
0x8b: {  	s7 =	simm.s32 @!p0 $0xE;
	s16 =	sadd.s32 $0x50, s8  }
0x8c: {  	[tilespmem:s4], [sflag:$0x1] =	stream.linear.gather [hbm4b:s16+s4], $0x80, $0x38;
	[tilespmem:$0x1E3C0] =	vst v63  }
0x8d: {  	_ =	swait.ge @!p0 [sflag:s7], $0x2000  }
0x8e: {  	[sflag:s7] =	ssyncset.done @!p0 $0x0  }
0x8f: {  	[sflag:s7] =	ssyncadd.s32 @!p0 $0xFFFFE000  }
0x90: {  	_ =	swait.ge [sflag:s30], $0x80  }
0x91: {  	[sflag:s30] =	ssyncset.done $0x0  }
0x92: {  	[sflag:s30] =	ssyncadd.s32 $0xFFFFFF80  }
0x93: {  	v30 =	vld [tilespmem:$0x180];
	_ =	sdelay $0x1  }
0x94: {  	v31 =	vld [tilespmem:$0x190];
	_ =	sdelay $0x1  }
0x95: {  	v32 =	vld [tilespmem:$0x1A0]  }
0x96: {  	v33 =	vand.u32 $0xFFFF, v30  }
0x97: {  	v34 =	vld [tilespmem:$0x1B0];
	v0 =	vshrl.u32 v30, $0x10;
	[tilespmem:$0x580] =	vst v33  }
0x98: {  	v35 =	vand.u32 $0xFFFF, v31;
	[tilespmem:$0x600] =	vst v0  }
0x99: {  	v37 =	vld [tilespmem:$0x1C0];
	v36 =	vshrl.u32 v31, $0x10;
	[tilespmem:$0x590] =	vst v35  }
0x9a: {  	v38 =	vand.u32 $0xFFFF, v32;
	[tilespmem:$0x610] =	vst v36  }
0x9b: {  	v40 =	vld [tilespmem:$0x1D0];
	v39 =	vshrl.u32 v32, $0x10;
	[tilespmem:$0x5A0] =	vst v38  }
0x9c: {  	v41 =	vand.u32 $0xFFFF, v34;
	[tilespmem:$0x620] =	vst v39  }
0x9d: {  	v43 =	vld [tilespmem:$0x1E0];
	v42 =	vshrl.u32 v34, $0x10;
	[tilespmem:$0x5B0] =	vst v41  }
0x9e: {  	v44 =	vand.u32 $0xFFFF, v37;
	[tilespmem:$0x630] =	vst v42  }
0x9f: {  	v46 =	vld [tilespmem:$0x1F0];
	v45 =	vshrl.u32 v37, $0x10;
	[tilespmem:$0x5C0] =	vst v44  }
0xa0: {  	v47 =	vand.u32 $0xFFFF, v40;
	[tilespmem:$0x640] =	vst v45  }
0xa1: {  	v48 =	vshrl.u32 v40, $0x10;
	[tilespmem:$0x5D0] =	vst v47  }
0xa2: {  	v49 =	vand.u32 $0xFFFF, v43;
	[tilespmem:$0x650] =	vst v48  }
0xa3: {  	v50 =	vshrl.u32 v43, $0x10;
	[tilespmem:$0x5E0] =	vst v49  }
0xa4: {  	v51 =	vand.u32 $0xFFFF, v46;
	[tilespmem:$0x660] =	vst v50  }
0xa5: {  	v52 =	vshrl.u32 v46, $0x10;
	[tilespmem:$0x5F0] =	vst v51  }
0xa6: {  	s16 =	rddreg [dreg:$0x9];
	[tilespmem:$0x670] =	vst v52  }
0xa7: {  	[tilespmem:s31], [sflag:$0x9] =	stream.indirect.gather [spmem:s2], $0x40, s16, s17, $0xb8;
	[tilespmem:$0x1E3C0] =	vst v63  }
0xa8: {  	_ =	swait.ge [sflag:s0], $0x2000  }
0xa9: {  	[sflag:s0] =	ssyncset.done $0x0  }
0xaa: {  	s16 =	rddreg [dreg:$0xa];
	[sflag:s0] =	ssyncadd.s32 $0xFFFFE000  }
0xab: {  	[spmem:s3] =	stream.indirect.scatter.add.f32 [tilespmem:s25], [sflag:$0xC], $0x40, s16, s17, $0xb8;
	[tilespmem:$0x1E3C0] =	vst v63  }
0xac: {  	s7 =	simm.s32 @!p0 $0xF;
	s16 =	sadd.s32 $0x60, s8  }
0xad: {  	[tilespmem:s17], [sflag:$0x2] =	stream.linear.gather [hbm4b:s16+s4], $0x80, $0x38;
	[tilespmem:$0x1E3C0] =	vst v63  }
0xae: {  	_ =	swait.ge @!p0 [sflag:s7], $0x2000  }
0xaf: {  	[sflag:s7] =	ssyncset.done @!p0 $0x0  }
0xb0: {  	[sflag:s7] =	ssyncadd.s32 @!p0 $0xFFFFE000  }
0xb1: {  	_ =	swait.ge [sflag:s1], $0x80  }
0xb2: {  	[sflag:s1] =	ssyncset.done $0x0  }
0xb3: {  	[sflag:s1] =	ssyncadd.s32 $0xFFFFFF80  }
0xb4: {  	v53 =	vld [tilespmem:$0x200];
	_ =	sdelay $0x1  }
0xb5: {  	v54 =	vld [tilespmem:$0x210];
	_ =	sdelay $0x1  }
0xb6: {  	v55 =	vld [tilespmem:$0x220]  }
0xb7: {  	v56 =	vand.u32 $0xFFFF, v53  }
0xb8: {  	v57 =	vld [tilespmem:$0x230];
	v0 =	vshrl.u32 v53, $0x10;
	[tilespmem:$0x680] =	vst v56  }
0xb9: {  	v58 =	vand.u32 $0xFFFF, v54;
	[tilespmem:$0x700] =	vst v0  }
0xba: {  	v60 =	vld [tilespmem:$0x240];
	v59 =	vshrl.u32 v54, $0x10;
	[tilespmem:$0x690] =	vst v58  }
0xbb: {  	v61 =	vand.u32 $0xFFFF, v55;
	[tilespmem:$0x710] =	vst v59  }
0xbc: {  	v63 =	vld [tilespmem:$0x250];
	v62 =	vshrl.u32 v55, $0x10;
	[tilespmem:$0x6A0] =	vst v61  }
0xbd: {  	v6 =	vand.u32 $0xFFFF, v57;
	[tilespmem:$0x720] =	vst v62  }
0xbe: {  	v8 =	vld [tilespmem:$0x260];
	v7 =	vshrl.u32 v57, $0x10;
	[tilespmem:$0x6B0] =	vst v6  }
0xbf: {  	v9 =	vand.u32 $0xFFFF, v60;
	[tilespmem:$0x730] =	vst v7  }
0xc0: {  	v11 =	vld [tilespmem:$0x270];
	v10 =	vshrl.u32 v60, $0x10;
	[tilespmem:$0x6C0] =	vst v9  }
0xc1: {  	v12 =	vand.u32 $0xFFFF, v63;
	[tilespmem:$0x740] =	vst v10  }
0xc2: {  	v13 =	vshrl.u32 v63, $0x10;
	[tilespmem:$0x6D0] =	vst v12  }
0xc3: {  	v14 =	vand.u32 $0xFFFF, v8;
	[tilespmem:$0x750] =	vst v13  }
0xc4: {  	v15 =	vshrl.u32 v8, $0x10;
	[tilespmem:$0x6E0] =	vst v14  }
0xc5: {  	v16 =	vand.u32 $0xFFFF, v11;
	[tilespmem:$0x760] =	vst v15  }
0xc6: {  	v17 =	vshrl.u32 v11, $0x10;
	[tilespmem:$0x6F0] =	vst v16  }
0xc7: {  	s16 =	rddreg [dreg:$0xb];
	[tilespmem:$0x770] =	vst v17  }
0xc8: {  	[tilespmem:s5], [sflag:$0xA] =	stream.indirect.gather [spmem:s2], $0x40, s16, s17, $0xb8;
	[tilespmem:$0x1E3C0] =	vst v63  }
0xc9: {  	_ =	swait.ge [sflag:s6], $0x2000  }
0xca: {  	[sflag:s6] =	ssyncset.done $0x0  }
0xcb: {  	s16 =	rddreg [dreg:$0xc];
	[sflag:s6] =	ssyncadd.s32 $0xFFFFE000  }
0xcc: {  	[spmem:s3] =	stream.indirect.scatter.add.f32 [tilespmem:s28], [sflag:$0xD], $0x40, s16, s17, $0xb8;
	[tilespmem:$0x1E3C0] =	vst v63  }
0xcd: {  	s16 =	sadd.s32 $0x70, s8  }
0xce: {  	[tilespmem:s18], [sflag:$0x3] =	stream.linear.gather [hbm4b:s16+s4], $0x80, $0x38;
	[tilespmem:$0x1E3C0] =	vst v63  }
0xcf: {  	_ =	swait.ge [sflag:s9], $0x2000  }
0xd0: {  	[sflag:s9] =	ssyncset.done $0x0  }
0xd1: {  	[sflag:s9] =	ssyncadd.s32 $0xFFFFE000  }
0xd2: {  	_ =	swait.ge [sflag:s20], $0x80  }
0xd3: {  	[sflag:s20] =	ssyncset.done $0x0  }
0xd4: {  	[sflag:s20] =	ssyncadd.s32 $0xFFFFFF80  }
0xd5: {  	v18 =	vld [tilespmem:$0x0];
	_ =	sdelay $0x1  }
0xd6: {  	v19 =	vld [tilespmem:$0x10];
	_ =	sdelay $0x1  }
0xd7: {  	v20 =	vld [tilespmem:$0x20]  }
0xd8: {  	v21 =	vand.u32 $0xFFFF, v18  }
0xd9: {  	v22 =	vld [tilespmem:$0x30];
	v0 =	vshrl.u32 v18, $0x10;
	[tilespmem:$0x280] =	vst v21  }
0xda: {  	v23 =	vand.u32 $0xFFFF, v19;
	[tilespmem:$0x300] =	vst v0  }
0xdb: {  	v25 =	vld [tilespmem:$0x40];
	v24 =	vshrl.u32 v19, $0x10;
	[tilespmem:$0x290] =	vst v23  }
0xdc: {  	v26 =	vand.u32 $0xFFFF, v20;
	[tilespmem:$0x310] =	vst v24  }
0xdd: {  	v28 =	vld [tilespmem:$0x50];
	v27 =	vshrl.u32 v20, $0x10;
	[tilespmem:$0x2A0] =	vst v26  }
0xde: {  	v29 =	vand.u32 $0xFFFF, v22;
	[tilespmem:$0x320] =	vst v27  }
0xdf: {  	v31 =	vld [tilespmem:$0x60];
	v30 =	vshrl.u32 v22, $0x10;
	[tilespmem:$0x2B0] =	vst v29  }
0xe0: {  	v32 =	vand.u32 $0xFFFF, v25;
	[tilespmem:$0x330] =	vst v30  }
0xe1: {  	v34 =	vld [tilespmem:$0x70];
	v33 =	vshrl.u32 v25, $0x10;
	[tilespmem:$0x2C0] =	vst v32  }
0xe2: {  	v35 =	vand.u32 $0xFFFF, v28;
	[tilespmem:$0x340] =	vst v33  }
0xe3: {  	v36 =	vshrl.u32 v28, $0x10;
	[tilespmem:$0x2D0] =	vst v35  }
0xe4: {  	v37 =	vand.u32 $0xFFFF, v31;
	[tilespmem:$0x350] =	vst v36  }
0xe5: {  	v38 =	vshrl.u32 v31, $0x10;
	[tilespmem:$0x2E0] =	vst v37  }
0xe6: {  	v39 =	vand.u32 $0xFFFF, v34;
	[tilespmem:$0x360] =	vst v38  }
0xe7: {  	v40 =	vshrl.u32 v34, $0x10;
	[tilespmem:$0x2F0] =	vst v39  }
0xe8: {  	[tilespmem:$0x370] =	vst v40  }
0xe9: {  	[tilespmem:s22], [sflag:$0x6] =	stream.indirect.gather [spmem:s2], $0x40, s21, s17, $0xb8;
	[tilespmem:$0x1E3C0] =	vst v63  }
0xea: {  	_ =	swait.ge [sflag:s10], $0x2000  }
0xeb: {  	[sflag:s10] =	ssyncset.done $0x0  }
0xec: {  	s16 =	rddreg [dreg:$0xd];
	[sflag:s10] =	ssyncadd.s32 $0xFFFFE000  }
0xed: {  	[spmem:s3] =	stream.indirect.scatter.add.f32 [tilespmem:s31], [sflag:$0xE], $0x40, s16, s17, $0xb8;
	[tilespmem:$0x1E3C0] =	vst v63  }
0xee: {  	s8 =	sadd.s32 $0x80, s8  }
0xef: {  	[tilespmem:s19], [sflag:$0x4] =	stream.linear.gather [hbm4b:s8+s4], $0x80, $0x38;
	[tilespmem:$0x1E3C0] =	vst v63  }
0xf0: {  	_ =	swait.ge [sflag:s11], $0x2000  }
0xf1: {  	[sflag:s11] =	ssyncset.done $0x0  }
0xf2: {  	[sflag:s11] =	ssyncadd.s32 $0xFFFFE000  }
0xf3: {  	_ =	swait.ge [sflag:s23], $0x80  }
0xf4: {  	[sflag:s23] =	ssyncset.done $0x0  }
0xf5: {  	[sflag:s23] =	ssyncadd.s32 $0xFFFFFF80  }
0xf6: {  	v41 =	vld [tilespmem:$0x80];
	_ =	sdelay $0x1  }
0xf7: {  	v42 =	vld [tilespmem:$0x90];
	_ =	sdelay $0x1  }
0xf8: {  	v43 =	vld [tilespmem:$0xA0]  }
0xf9: {  	v44 =	vand.u32 $0xFFFF, v41  }
0xfa: {  	v45 =	vld [tilespmem:$0xB0];
	v0 =	vshrl.u32 v41, $0x10;
	[tilespmem:$0x380] =	vst v44  }
0xfb: {  	v46 =	vand.u32 $0xFFFF, v42;
	[tilespmem:$0x400] =	vst v0  }
0xfc: {  	v48 =	vld [tilespmem:$0xC0];
	v47 =	vshrl.u32 v42, $0x10;
	[tilespmem:$0x390] =	vst v46  }
0xfd: {  	v49 =	vand.u32 $0xFFFF, v43;
	[tilespmem:$0x410] =	vst v47  }
0xfe: {  	v51 =	vld [tilespmem:$0xD0];
	v50 =	vshrl.u32 v43, $0x10;
	[tilespmem:$0x3A0] =	vst v49  }
0xff: {  	v52 =	vand.u32 $0xFFFF, v45;
	[tilespmem:$0x420] =	vst v50  }
0x100: {  	v54 =	vld [tilespmem:$0xE0];
	v53 =	vshrl.u32 v45, $0x10;
	[tilespmem:$0x3B0] =	vst v52  }
0x101: {  	v55 =	vand.u32 $0xFFFF, v48;
	[tilespmem:$0x430] =	vst v53  }
0x102: {  	v57 =	vld [tilespmem:$0xF0];
	v56 =	vshrl.u32 v48, $0x10;
	[tilespmem:$0x3C0] =	vst v55  }
0x103: {  	v58 =	vand.u32 $0xFFFF, v51;
	[tilespmem:$0x440] =	vst v56  }
0x104: {  	v59 =	vshrl.u32 v51, $0x10;
	[tilespmem:$0x3D0] =	vst v58  }
0x105: {  	v60 =	vand.u32 $0xFFFF, v54;
	[tilespmem:$0x450] =	vst v59  }
0x106: {  	v61 =	vshrl.u32 v54, $0x10;
	[tilespmem:$0x3E0] =	vst v60  }
0x107: {  	v62 =	vand.u32 $0xFFFF, v57;
	[tilespmem:$0x460] =	vst v61  }
0x108: {  	s14 =	sadd.s32 $0x50, s14;
	v63 =	vshrl.u32 v57, $0x10;
	[tilespmem:$0x3F0] =	vst v62  }
0x109: {  	p0 =	sne.s32 s14, $0xA00;
	[tilespmem:$0x470] =	vst v63  }
0x10a: {  	[tilespmem:s25], [sflag:$0x7] =	stream.indirect.gather [spmem:s2], $0x40, s24, s17, $0xb8;
	[tilespmem:$0x1E3C0] =	vst v63  }
.Ltmp0:
0x10b: {  	_ = 	snop;
	(pc) =	sbr.rel @p0 .LBB2_2-.Ltmp0, $4  }
0x10c: {  	_ =	swait.ge [sflag:s12], $0x2000  }
0x10d: {  	[sflag:s12] =	ssyncset.done $0x0  }
0x10e: {  	s16 =	rddreg [dreg:$0xe];
	[sflag:s12] =	ssyncadd.s32 $0xFFFFE000  }
0x10f: {  	[spmem:s3] =	stream.indirect.scatter.add.f32 [tilespmem:s5], [sflag:$0xF], $0x40, s16, s17, $0xb8;
	[tilespmem:$0x1E3C0] =	vst v63  }
0x110: {  	_ =	swait.ge [sflag:s29], $0x2000  }
0x111: {  	[sflag:s29] =	ssyncset.done $0x0  }
0x112: {  	[sflag:s29] =	ssyncadd.s32 $0xFFFFE000  }
0x113: {  	_ =	swait.ge [sflag:s0], $0x2000  }
0x114: {  	[sflag:s0] =	ssyncset.done $0x0  }
0x115: {  	[sflag:s0] =	ssyncadd.s32 $0xFFFFE000  }
0x116: {  	_ =	swait.ge [sflag:s26], $0x80  }
0x117: {  	[sflag:s26] =	ssyncset.done $0x0  }
0x118: {  	[sflag:s26] =	ssyncadd.s32 $0xFFFFFF80  }
0x119: {  	_ =	swait.ge [sflag:s30], $0x80  }
0x11a: {  	[sflag:s30] =	ssyncset.done $0x0  }
0x11b: {  	s7 =	simm.s32 $0xD;
	[sflag:s30] =	ssyncadd.s32 $0xFFFFFF80  }
0x11c: {  	_ =	swait.ge [sflag:s7], $0x2000  }
0x11d: {  	[sflag:s7] =	ssyncset.done $0x0  }
0x11e: {  	s14 =	simm.s32 $0xE;
	[sflag:s7] =	ssyncadd.s32 $0xFFFFE000  }
0x11f: {  	_ =	swait.ge [sflag:s14], $0x2000  }
0x120: {  	[sflag:s14] =	ssyncset.done $0x0  }
0x121: {  	s16 =	simm.s32 $0xF;
	[sflag:s14] =	ssyncadd.s32 $0xFFFFE000  }
0x122: {  	_ =	swait.ge [sflag:s16], $0x2000  }
0x123: {  	[sflag:s16] =	ssyncset.done $0x0  }
0x124: {  	[sflag:s16] =	ssyncadd.s32 $0xFFFFE000  }
0x125: {  	[bflag:$0x0] =	sbarrier.arrive $0xFFFF  }
0x126: {  	s14 =	rddreg [dreg:$0x11]  }
0x127: {  	s8 =	rddreg [dreg:$0x16]  }
0x128: {  	s16 =	rddreg [dreg:$0x19]  }
0x129: {  	[hbm:s8], [sflag:s14] =	dma.local [spmem:s16], $0x1400  }
0x12a: {  	_ =	swait.ge [sflag:s15], $0x1400  }
0x12b: {  	s13 =	sadd.s32 $0x1, s13;
	s8 =	rddreg [dreg:$0x17]  }
0x12c: {  	p0 =	sne.s32 s13, s8  }
.Ltmp1:
0x12d: {  	_ = 	snop;
	(pc) =	sbr.rel @p0 .LBB2_1-.Ltmp1, $3  }
0x12e: {  	_ =	sdelay $0x1  }
0x12f: {  	[sflag:s15] =	ssyncset.done $0x0  }
0x130: {  	[sflag:s15] =	ssyncadd.s32 $0xFFFFEC00  }
0x131: {  	_ =	sfence.sel $0x180000  }
0x132: {  	[bflag:$0x0] =	sbarrier.arrive $0xFFFF  }
0x133: {  	_ =	strace $0x9000004A  }
0x134: {  	s0 =	stileid.u32;
	[bflag:$0x2] =	sbarrier.arrive $0xFFFF  }
0x135: {  	p0 =	sne.s32 s0, $0x0;
	s0 =	rddreg [dreg:$0x4]  }
0x136: {  	s0 =	sadd.s32 @!p0 $0x100000, s0  }
0x137: {  	[sflag:s0] =	ssyncadd.tile.s32 @!p0 $0x1;
	_ =	shalt  }
.Lfunc_end2:
_tile_overlayer_lowered:
.L_overlay_start_2:
0x138: {  	(tag) =	ssettag $0x2  }
0x139: {  	s0 =	rddreg [dreg:$0x0];
	s2 =	stileid.u32  }
0x13a: {  	s1 =	rddreg [dreg:$0x1];
	p0 =	sne.s32 s2, $0x0  }
0x13b: {  	s3 =	rddreg [dreg:$0x2];
	[bflag:$0x3] =	sbarrier.arrive $0xFFFF;
	s2 =	simm.s32 @!p0 $0x1C10  }
0x13c: {  	[timem:s3], [sflag:s2] =	dma.local @!p0 [hbm:s0], s1  }
0x13d: {  	s0 =	simm.s32 @!p0 $0x10  }
0x13e: {  	_ =	swait.ge @!p0 [sflag:s0], s1  }
0x13f: {  	s1 =	ssub.s32 @!p0 $0x0, s1;
	[sflag:s0] =	ssyncset.done @!p0 $0x0  }
0x140: {  	[sflag:s0] =	ssyncadd.s32 @!p0 s1  }
0x141: {  	[bflag:$0x3] =	sbarrier.arrive $0xFFFF  }
0x142: {  	_ =	shalt  }

// kernel: kernel.7.cloned.1.call-start
scs
__scs_entry_jumppad:
0x0: {  	(pc) =	sbr.rel $0x88, $3  }
0x1: {  	(tag) =	ssettag $0x0;
	lr =	simm.s32 $0x1  }
0x2: {  	[smem:$0x3F9D] =	sst lr;
	_ =	strace $0xD0000000  }
0x3: {  	_ = 	snop  }
0x4: {  	_ = 	snop  }
0x5: {  	_ = 	snop  }
0x6: {  	_ = 	snop  }
0x7: {  	_ = 	snop  }
__scs_overlays_trampoline_lowered:
0x8: {  	[smem:$0x3FAC] =	sst s0  }
0x9: {  	[smem:$0x3FAD] =	sst s1  }
0xa: {  	[smem:$0x3FAE] =	sst s2  }
0xb: {  	[smem:$0x3FAF] =	sst s3  }
0xc: {  	[smem:$0x3FB0] =	sst s4  }
0xd: {  	[smem:$0x3FB1] =	sst s5  }
0xe: {  	[smem:$0x3FB2] =	sst s6  }
0xf: {  	[smem:$0x3FB3] =	sst s7  }
0x10: {  	[smem:$0x3FB4] =	sst s8  }
0x11: {  	[smem:$0x3FB5] =	sst s9;
	s0 =	simm.s32 @!p0 $0x0  }
0x12: {  	s1 =	sld [smem:$0x3F9B];
	s0 =	simm.s32 @p0 $0x1  }
0x13: {  	[smem:$0x3FB6] =	sst s0;
	s0 =	simm.s32 @!p1 $0x0  }
0x14: {  	s2 =	sld [smem:$0x3F9A];
	s0 =	simm.s32 @p1 $0x1  }
0x15: {  	[smem:$0x3FB7] =	sst s0;
	s0 =	simm.s32 @!p2 $0x0  }
0x16: {  	s3 =	sld [smem:$0x3FDB];
	s0 =	simm.s32 @p2 $0x1  }
0x17: {  	s4 =	simm.s32 $0x1BF5;
	[smem:$0x3FB9] =	sst s0  }
0x18: {  	s0 =	sld [smem:$0x3F9C];
	_ =	swait.ge [sflag:s4], $0x0  }
0x19: {  	s7 =	sld [smem:$0x3F9D]  }
0x1a: {  	s8 =	sadd.s32 $0xFFFFE003, lr  }
0x1b: {  	s9 =	sadd.s32 $0xFFFFFEF7, lr;
	s5 =	simm.s32 $0xFFFFFFFF;
	p2 =	slt.u32 s8, $0xFFFFF086  }
0x1c: {  	p1 =	slt.u32 s9, $0xF7A;
	s5 =	simm.s32 @!p2 $0x0  }
0x1d: {  	s5 =	simm.s32 @p1 $0x1;
	p0 =	seq.s32 s7, s2  }
0x1e: {  	s7 =	smul.u32 @!p0 $0xF7A, s2;
	p2 =	seq.s32 @!p0 s5, $0x0  }
0x1f: {  	s9 =	smul.u32 $0xF7A, s1;
	s8 =	simm.s32 @!p0 $0x1BF5;
	p2 =	por !p2, p0  }
0x20: {  	[sflag:s8] =	ssyncset.s32 @!p0 $0xFFFFF086;
	s6 =	sadd.s32 @!p0 s3, s7;
	s7 =	simm.s32 @!p0 $0x108  }
0x21: {  	s3 =	sadd.s32 s3, s9;
	s6 =	sadd.s32 @!p0 $0x88, s6;
	s7 =	simm.s32 @p2 $0x1082  }
0x22: {  	[simem:s7], [sflag:s8] =	dma.local @!p0 [hbm:s6], $0xF7A  }
0x23: {  	s9 =	sor.u32 $0xD0000000, s2;
	s6 =	simm.s32 $0x108;
	_ =	swait.ge @!p0 [sflag:s8], $0x0  }
0x24: {  	s3 =	sadd.s32 $0x88, s3;
	s6 =	simm.s32 @!p1 $0x1082;
	[sflag:s4] =	ssyncset.s32 $0xFFFFF086  }
0x25: {  	[simem:s6], [sflag:s4] =	dma.local [hbm:s3], $0xF7A  }
0x26: {  	[smem:$0x3F9D] =	sst s1;
	(tag) =	ssettag s2;
	_ =	strace s9  }
0x27: {  	s1 =	sld [smem:$0x3FAD]  }
0x28: {  	s2 =	sld [smem:$0x3FAE]  }
0x29: {  	s4 =	sld [smem:$0x3FB0]  }
0x2a: {  	p0 =	seq.s32 s5, $0x0;
	s5 =	sld [smem:$0x3FB1]  }
0x2b: {  	s6 =	sld [smem:$0x3FB2]  }
0x2c: {  	s7 =	sld [smem:$0x3FB3]  }
0x2d: {  	s3 =	simm.s32 $0x108;
	s8 =	sld [smem:$0x3FB4]  }
0x2e: {  	s3 =	simm.s32 @!p0 $0x1082;
	s9 =	sld [smem:$0x3FB5]  }
0x2f: {  	lr =	sadd.s32 s0, s3;
	s0 =	sld [smem:$0x3FAC]  }
0x30: {  	s3 =	sld [smem:$0x3FAF]  }
0x31: {  	[smem:$0x3FB8] =	sst s10  }
0x32: {  	s10 =	sld [smem:$0x3FB6];
	_ =	sdelay $0x3  }
0x33: {  	p0 =	seq.s32 s10, $0x1;
	s10 =	sld [smem:$0x3FB8];
	_ =	sdelay $0x3  }
0x34: {  	[smem:$0x3FB8] =	sst s10  }
0x35: {  	s10 =	sld [smem:$0x3FB7];
	_ =	sdelay $0x3  }
0x36: {  	p1 =	seq.s32 s10, $0x1;
	s10 =	sld [smem:$0x3FB8];
	_ =	sdelay $0x3  }
0x37: {  	[smem:$0x3FB8] =	sst s10  }
0x38: {  	s10 =	sld [smem:$0x3FB9]  }
0x39: {  	_ = 	snop;
	(pc) =	sbr.ind lr, $3  }
0x3a: {  	_ = 	snop  }
0x3b: {  	_ = 	snop  }
0x3c: {  	p2 =	seq.s32 s10, $0x1;
	s10 =	sld [smem:$0x3FB8]  }
0x3d: {  	_ =	shalt  }
0x3e: {  	_ =	shalt  }
0x3f: {  	_ =	shalt  }
0x40: {  	_ =	shalt  }
0x41: {  	_ =	shalt  }
0x42: {  	_ =	shalt  }
0x43: {  	_ =	shalt  }
0x44: {  	_ =	shalt  }
0x45: {  	_ =	shalt  }
0x46: {  	_ =	shalt  }
0x47: {  	_ =	shalt  }
0x48: {  	_ =	shalt  }
0x49: {  	_ =	shalt  }
0x4a: {  	_ =	shalt  }
0x4b: {  	_ =	shalt  }
0x4c: {  	_ =	shalt  }
0x4d: {  	_ =	shalt  }
0x4e: {  	_ =	shalt  }
0x4f: {  	_ =	shalt  }
0x50: {  	_ =	shalt  }
0x51: {  	_ =	shalt  }
0x52: {  	_ =	shalt  }
0x53: {  	_ =	shalt  }
0x54: {  	_ =	shalt  }
0x55: {  	_ =	shalt  }
0x56: {  	_ =	shalt  }
0x57: {  	_ =	shalt  }
0x58: {  	_ =	shalt  }
0x59: {  	_ =	shalt  }
0x5a: {  	_ =	shalt  }
0x5b: {  	_ =	shalt  }
0x5c: {  	_ =	shalt  }
0x5d: {  	_ =	shalt  }
0x5e: {  	_ =	shalt  }
0x5f: {  	_ =	shalt  }
0x60: {  	_ =	shalt  }
0x61: {  	_ =	shalt  }
0x62: {  	_ =	shalt  }
0x63: {  	_ =	shalt  }
0x64: {  	_ =	shalt  }
0x65: {  	_ =	shalt  }
0x66: {  	_ =	shalt  }
0x67: {  	_ =	shalt  }
0x68: {  	_ =	shalt  }
0x69: {  	_ =	shalt  }
0x6a: {  	_ =	shalt  }
0x6b: {  	_ =	shalt  }
0x6c: {  	_ =	shalt  }
0x6d: {  	_ =	shalt  }
0x6e: {  	_ =	shalt  }
0x6f: {  	_ =	shalt  }
0x70: {  	_ =	shalt  }
0x71: {  	_ =	shalt  }
0x72: {  	_ =	shalt  }
0x73: {  	_ =	shalt  }
0x74: {  	_ =	shalt  }
0x75: {  	_ =	shalt  }
0x76: {  	_ =	shalt  }
0x77: {  	_ =	shalt  }
0x78: {  	_ =	shalt  }
0x79: {  	_ =	shalt  }
0x7a: {  	_ =	shalt  }
0x7b: {  	_ =	shalt  }
0x7c: {  	_ =	shalt  }
0x7d: {  	_ =	shalt  }
0x7e: {  	_ =	shalt  }
0x7f: {  	_ =	shalt  }
0x80: {  	_ =	shalt  }
0x81: {  	_ =	shalt  }
0x82: {  	_ =	shalt  }
0x83: {  	_ =	shalt  }
0x84: {  	_ =	shalt  }
0x85: {  	_ =	shalt  }
0x86: {  	_ =	shalt  }
0x87: {  	_ =	shalt  }
.Lfunc_end0:
.L_simem_size_0:
called_computation_lowered:
.L_overlay_start_0:
0x88: {  	s2 =	sld [smem:$0x3FD9]  }
0x89: {  	s3 =	sld [smem:$0x3FFE];
	_ =	sdelay $0x1  }
0x8a: {  	s1 =	srdreg.scid  }
0x8b: {  	s0 =	sand.u32 $0x1, s1  }
0x8c: {  	s17 =	sshll.u32 s0, $0xA;
	s2 =	sadd.s32 s3, s2  }
0x8d: {  	s2 =	sadd.s32 s2, s17  }
0x8e: {  	[smem:$0x3FC4] =	sst s2  }
0x8f: {  	_ = 	snop  }
0x90: {  	s2 =	sld [smem:$0x3FD0];
	(tm) =	ssettm $0x1  }
0x91: {  	s18 =	sld [smem:$0x3FFB];
	_ =	sdelay $0x3  }
0x92: {  	_ =	strace s18  }
0x93: {  	s3 =	sld [smem:$0x3FFC];
	_ =	sdelay $0x3  }
0x94: {  	_ =	strace s3  }
0x95: {  	s3 =	sld [smem:$0x3FFD];
	_ =	sdelay $0x3  }
0x96: {  	_ =	strace s3  }
0x97: {  	_ =	strace $0x8FFFFFFF  }
0x98: {  	s19 =	sld [smem:$0x3FDB];
	_ =	sdelay $0x1  }
0x99: {  	s4 =	simm.s32 $_scs_section_size  }
0x9a: {  	s5 =	simm.s32 $_size__tile_overlayer_lowered;
	s6 =	simm.s32 $_tile_overlayer_lowered  }
0x9b: {  	s22 =	simm.s32 $0x1BFF;
	s21 =	sshll.u32 s6, $0x1;
	s3 =	sadd.s32 s4, s19  }
0x9c: {  	s7 =	simm.s32 $0x0;
	s20 =	sshll.u32 s5, $0x1;
	s5 =	sadd.s32 s21, s3  }
0x9d: {  	[timem:s7], [sflag:s22] =	dma.local [hbm:s5], s20  }
0x9e: {  	_ =	swait.ge [sflag:s22], s20  }
0x9f: {  	s4 =	ssub.s32 $0x0, s20;
	[sflag:s22] =	ssyncset.done $0x0  }
0xa0: {  	[sflag:s22] =	ssyncadd.s32 s4;
	_ =	sdelay $0x1  }
0xa1: {  	s23 =	simm.s32 $0x1B8B  }
0xa2: {  	_ =	swait.ge [sflag:s23], $0x1  }
0xa3: {  	[sflag:s23] =	ssyncset.done $0x0  }
0xa4: {  	s25 =	simm.s32 $0x1B8E;
	s24 =	sld [smem:$0x3FFE];
	[sflag:s23] =	ssyncadd.s32 $0xFFFFFFFF  }
0xa5: {  	s26 =	simm.s32 $execute0_lowered;
	[smem:$0x3FD2] =	sst s25  }
0xa6: {  	s5 =	sshll.u32 s26, $0x1;
	_ =	strace $0x80000046;
	[dreg:$0x1] =	wrdreg $0xFFFFFFFF  }
0xa7: {  	s28 =	simm.s32 $_size_execute0_lowered;
	s3 =	sadd.s32 s3, s5;
	[dreg:$0x0] =	wrdreg $0x0  }
0xa8: {  	s5 =	sshll.u32 s28, $0x1;
	[dreg:$0x2] =	wrdreg s3  }
0xa9: {  	[dreg:$0x3] =	wrdreg s5  }
0xaa: {  	[dreg:$0x4] =	wrdreg $0xC0  }
0xab: {  	_ =	task [dreg:s7], $0x5FFFF  }
0xac: {  	[dreg:$0x1] =	wrdreg $0xFFFFFFFF  }
0xad: {  	[dreg:$0x0] =	wrdreg $0x60  }
0xae: {  	[dreg:$0x2] =	wrdreg s2  }
0xaf: {  	[dreg:$0x3] =	wrdreg s24  }
0xb0: {  	[dreg:$0x4] =	wrdreg $0x28800  }
0xb1: {  	[dreg:$0x5] =	wrdreg $0x9  }
0xb2: {  	_ =	task.clear_ibuf [dreg:s7], $0x6FFFF;
	_ =	strace $0x90000046  }
0xb3: {  	s29 =	simm.s32 $0x9;
	_ =	strace $0x80000048  }
0xb4: {  	_ =	swait.ge [sflag:s29], $0x1  }
0xb5: {  	[sflag:s29] =	ssyncadd.s32 $0xFFFFFFFF  }
0xb6: {  	_ =	strace $0x90000048  }
0xb7: {  	_ =	sfence  }
0xb8: {  	s30 =	sld [smem:$0x0];
	_ =	sdelay $0x2  }
0xb9: {  	s31 =	sshll.u32 s1, $0xD;
	s1 =	sshrl.u32 s1, $0x2  }
0xba: {  	s3 =	sand.u32 $0x4000, s31;
	s1 =	sadd.s32 s1, s30  }
0xbb: {  	s0 =	sor.u32 s3, s0;
	s1 =	sshll.u32 s1, $0x11  }
0xbc: {  	s0 =	sor.u32 s1, s0  }
0xbd: {  	s0 =	sadd.s32 $0x8F2B, s0  }
0xbe: {  	[sflag:s0] =	ssyncadd.remote.s32 $0x1  }
0xbf: {  	_ =	sfence.sel $0xFFFF  }
0xc0: {  	[dreg:$0x0] =	wrdreg $0xFFFFFFFF;
	(pc) =	sbr.abs _section_cstart, $3  }
0xc1: {  	[dreg:$0x1] =	wrdreg $0xFFFFFFFF  }
0xc2: {  	_ =	task.clear_ibuf [dreg:s7], $0x2FFFF;
	_ =	strace $0x9FFFFFFF  }
0xc3: {  	(tm) =	ssettm $0x7FFFFFFF  }
tec
execute0_lowered:
.L_overlay_start_1:
0x0: {  	(tag) =	ssettag $0x1  }
0x1: {  	s6 =	rddreg [dreg:$0x0]  }
0x2: {  	s5 =	rddreg [dreg:$0x1]  }
0x3: {  	s2 =	rddreg [dreg:$0x2]  }
0x4: {  	s0 =	rddreg [dreg:$0x3];
	s4 =	srdreg.scid  }
0x5: {  	s1 =	stileid.u32;
	s3 =	simm.s32 $0x0;
	s11 =	simm.s32 $0x80  }
0x6: {  	s12 =	simm.s32 $0x2800;
	s13 =	simm.s32 $0x1;
	s14 =	simm.s32 $0x20  }
0x7: {  	s15 =	simm.s32 $0x10;
	s16 =	simm.s32 $0x0;
	s7 =	sand.u32 $0x1, s4  }
0x8: {  	s8 =	smul.u32 $0x500, s1;
	[smem:$0x7FF] =	sst s3;
	s4 =	sadd.s32 $0x1000, s5  }
0x9: {  	s26 =	smul.u32 $0xA00, s1;
	s31 =	sshll.u32 s1, $0x6;
	s9 =	sshll.u32 s7, $0x7  }
0xa: {  	_ =	strace $0x80000047;
	s10 =	sshll.u32 s7, $0x4;
	s28 =	ssub.s32 $0x2, s7  }
0xb: {  	s8 =	sor.u32 s9, s8;
	s29 =	sor.u32 s1, s10;
	s30 =	sshrl.u32 s28, $0x1  }
0xc: {  	s9 =	sshrl.u32 s26, $0x2;
	s8 =	sshrl.u32 s8, $0x3;
	s7 =	smul.u32 $0x500, s29  }
0xd: {  	s10 =	ssub.s32 s28, s30;
	s9 =	sadd.s32 s9, s2;
	s8 =	sadd.s32 s8, s5  }
0xe: {  	s5 =	sor.u32 $0x1C02, s31;
	s9 =	sshrl.u32 s9, $0x3;
	s6 =	sadd.s32 s6, s7  }
0xf: {  	v0 =	vimm.f32 $1.000000000e+00;
	s7 =	sadd.s32 $0x1200, s8;
	s8 =	smax.u32 s10, $0x1;
	s10 =	simm.s32 $0x2  }
.LBB2_1:
0x10: {  	[spmem:s9], [sflag:s5] =	dma.local [hbm:s4], $0x50  }
0x11: {  	_ =	swait.ge [sflag:s10], $0x50  }
0x12: {  	[sflag:s10] =	ssyncset.done $0x0  }
0x13: {  	[sflag:s10] =	ssyncadd.s32 $0xFFFFFFB0  }
0x14: {  	[tilespmem:s3], [sflag:$0x2] =	stream.linear.gather [hbm4b:s6+s3], $0x2800, $0x38;
	[tilespmem:$0x2B00] =	vst v63  }
0x15: {  	_ =	swait.ge [sflag:s10], $0x2800  }
0x16: {  	[sflag:s10] =	ssyncset.done $0x0  }
0x17: {  	[sflag:s10] =	ssyncadd.s32 $0xFFFFD800  }
0x18: {  	[tilespmem:$0x2800] =	vst v0  }
0x19: {  	[tilespmem:$0x2810] =	vst v0  }
0x1a: {  	[tilespmem:$0x2820] =	vst v0  }
0x1b: {  	[tilespmem:$0x2830] =	vst v0  }
0x1c: {  	[tilespmem:$0x2840] =	vst v0  }
0x1d: {  	[tilespmem:$0x2850] =	vst v0  }
0x1e: {  	[tilespmem:$0x2860] =	vst v0  }
0x1f: {  	[tilespmem:$0x2870] =	vst v0  }
0x20: {  	s17 =	simm.s32 $0x0;
	[bflag:$0x0] =	sbarrier.arrive $0xFFFF  }
0x21: {  	[spmem:s2] =	stream.indirect.scatter.add.f32 [tilespmem:s12], [sflag:$0x1], $0x1, s17, s11, $0xb8;
	[tilespmem:$0x2B00] =	vst v63  }
0x22: {  	s24 =	simm.s32 $0x80  }
0x23: {  	[spmem:s2] =	stream.indirect.scatter.add.f32 [tilespmem:s12], [sflag:$0x1], $0x1, s24, s11, $0xb8;
	[tilespmem:$0x2B00] =	vst v63  }
0x24: {  	s25 =	simm.s32 $0x100  }
0x25: {  	[spmem:s2] =	stream.indirect.scatter.add.f32 [tilespmem:s12], [sflag:$0x1], $0x1, s25, s11, $0xb8;
	[tilespmem:$0x2B00] =	vst v63  }
0x26: {  	s26 =	simm.s32 $0x180  }
0x27: {  	[spmem:s2] =	stream.indirect.scatter.add.f32 [tilespmem:s12], [sflag:$0x1], $0x1, s26, s11, $0xb8;
	[tilespmem:$0x2B00] =	vst v63  }
0x28: {  	s28 =	simm.s32 $0x200  }
0x29: {  	[spmem:s2] =	stream.indirect.scatter.add.f32 [tilespmem:s12], [sflag:$0x1], $0x1, s28, s11, $0xb8;
	[tilespmem:$0x2B00] =	vst v63  }
0x2a: {  	s29 =	simm.s32 $0x280  }
0x2b: {  	[spmem:s2] =	stream.indirect.scatter.add.f32 [tilespmem:s12], [sflag:$0x1], $0x1, s29, s11, $0xb8;
	[tilespmem:$0x2B00] =	vst v63  }
0x2c: {  	s30 =	simm.s32 $0x300  }
0x2d: {  	[spmem:s2] =	stream.indirect.scatter.add.f32 [tilespmem:s12], [sflag:$0x1], $0x1, s30, s11, $0xb8;
	[tilespmem:$0x2B00] =	vst v63  }
0x2e: {  	s31 =	simm.s32 $0x380  }
0x2f: {  	[spmem:s2] =	stream.indirect.scatter.add.f32 [tilespmem:s12], [sflag:$0x1], $0x1, s31, s11, $0xb8;
	[tilespmem:$0x2B00] =	vst v63  }
0x30: {  	_ =	swait.ge [sflag:s13], $0x80  }
0x31: {  	[sflag:s13] =	ssyncset.done $0x0  }
0x32: {  	[sflag:s13] =	ssyncadd.s32 $0xFFFFFF80  }
0x33: {  	_ =	swait.ge [sflag:s13], $0x80  }
0x34: {  	[sflag:s13] =	ssyncset.done $0x0  }
0x35: {  	[sflag:s13] =	ssyncadd.s32 $0xFFFFFF80  }
0x36: {  	_ =	swait.ge [sflag:s13], $0x80  }
0x37: {  	[sflag:s13] =	ssyncset.done $0x0  }
0x38: {  	[sflag:s13] =	ssyncadd.s32 $0xFFFFFF80  }
0x39: {  	_ =	swait.ge [sflag:s13], $0x80  }
0x3a: {  	[sflag:s13] =	ssyncset.done $0x0  }
0x3b: {  	[sflag:s13] =	ssyncadd.s32 $0xFFFFFF80  }
0x3c: {  	_ =	swait.ge [sflag:s13], $0x80  }
0x3d: {  	[sflag:s13] =	ssyncset.done $0x0  }
0x3e: {  	[sflag:s13] =	ssyncadd.s32 $0xFFFFFF80  }
0x3f: {  	_ =	swait.ge [sflag:s13], $0x80  }
0x40: {  	[sflag:s13] =	ssyncset.done $0x0  }
0x41: {  	[sflag:s13] =	ssyncadd.s32 $0xFFFFFF80  }
0x42: {  	_ =	swait.ge [sflag:s13], $0x80  }
0x43: {  	[sflag:s13] =	ssyncset.done $0x0  }
0x44: {  	[sflag:s13] =	ssyncadd.s32 $0xFFFFFF80  }
0x45: {  	_ =	swait.ge [sflag:s13], $0x80  }
0x46: {  	s19 =	simm.s32 $0x2000;
	s17 =	simm.s32 $0x1000;
	[sflag:s13] =	ssyncset.done $0x0  }
.LBB2_2:
0x47: {  	s20 =	sshra.s32 s17, $0x2  }
0x48: {  	[sflag:s13] =	ssyncadd.s32 $0xFFFFFF80;
	s17 =	smov.u32 s19;
	s18 =	sadd.s32 $0x1000, s19  }
0x49: {  	[spmem:s2] =	stream.indirect.scatter.add.f32 [tilespmem:s12], [sflag:$0x1], $0x1, s20, s11, $0xb8;
	[tilespmem:$0x2B00] =	vst v63  }
0x4a: {  	p0 =	sne.s32 s19, $0x9000;
	s19 =	sadd.s32 $0x80, s20  }
0x4b: {  	[spmem:s2] =	stream.indirect.scatter.add.f32 [tilespmem:s12], [sflag:$0x1], $0x1, s19, s11, $0xb8;
	[tilespmem:$0x2B00] =	vst v63  }
0x4c: {  	s19 =	sadd.s32 $0x100, s20  }
0x4d: {  	[spmem:s2] =	stream.indirect.scatter.add.f32 [tilespmem:s12], [sflag:$0x1], $0x1, s19, s11, $0xb8;
	[tilespmem:$0x2B00] =	vst v63  }
0x4e: {  	s19 =	sadd.s32 $0x180, s20  }
0x4f: {  	[spmem:s2] =	stream.indirect.scatter.add.f32 [tilespmem:s12], [sflag:$0x1], $0x1, s19, s11, $0xb8;
	[tilespmem:$0x2B00] =	vst v63  }
0x50: {  	s19 =	sadd.s32 $0x200, s20  }
0x51: {  	[spmem:s2] =	stream.indirect.scatter.add.f32 [tilespmem:s12], [sflag:$0x1], $0x1, s19, s11, $0xb8;
	[tilespmem:$0x2B00] =	vst v63  }
0x52: {  	s19 =	sadd.s32 $0x280, s20  }
0x53: {  	[spmem:s2] =	stream.indirect.scatter.add.f32 [tilespmem:s12], [sflag:$0x1], $0x1, s19, s11, $0xb8;
	[tilespmem:$0x2B00] =	vst v63  }
0x54: {  	s19 =	sadd.s32 $0x300, s20  }
0x55: {  	[spmem:s2] =	stream.indirect.scatter.add.f32 [tilespmem:s12], [sflag:$0x1], $0x1, s19, s11, $0xb8;
	[tilespmem:$0x2B00] =	vst v63  }
0x56: {  	s19 =	sadd.s32 $0x380, s20  }
0x57: {  	[spmem:s2] =	stream.indirect.scatter.add.f32 [tilespmem:s12], [sflag:$0x1], $0x1, s19, s11, $0xb8;
	[tilespmem:$0x2B00] =	vst v63  }
0x58: {  	_ =	swait.ge [sflag:s13], $0x80  }
0x59: {  	[sflag:s13] =	ssyncset.done $0x0  }
0x5a: {  	[sflag:s13] =	ssyncadd.s32 $0xFFFFFF80  }
0x5b: {  	_ =	swait.ge [sflag:s13], $0x80  }
0x5c: {  	[sflag:s13] =	ssyncset.done $0x0  }
0x5d: {  	[sflag:s13] =	ssyncadd.s32 $0xFFFFFF80  }
0x5e: {  	_ =	swait.ge [sflag:s13], $0x80  }
0x5f: {  	[sflag:s13] =	ssyncset.done $0x0  }
0x60: {  	[sflag:s13] =	ssyncadd.s32 $0xFFFFFF80  }
0x61: {  	_ =	swait.ge [sflag:s13], $0x80  }
0x62: {  	[sflag:s13] =	ssyncset.done $0x0  }
0x63: {  	[sflag:s13] =	ssyncadd.s32 $0xFFFFFF80  }
0x64: {  	_ =	swait.ge [sflag:s13], $0x80  }
0x65: {  	[sflag:s13] =	ssyncset.done $0x0  }
0x66: {  	[sflag:s13] =	ssyncadd.s32 $0xFFFFFF80  }
0x67: {  	_ =	swait.ge [sflag:s13], $0x80  }
0x68: {  	[sflag:s13] =	ssyncset.done $0x0  }
0x69: {  	[sflag:s13] =	ssyncadd.s32 $0xFFFFFF80  }
.Ltmp0:
0x6a: {  	_ =	swait.ge [sflag:s13], $0x80;
	(pc) =	sbr.rel @p0 .LBB2_2-.Ltmp0, $4  }
0x6b: {  	[sflag:s13] =	ssyncset.done $0x0  }
0x6c: {  	[sflag:s13] =	ssyncadd.s32 $0xFFFFFF80  }
0x6d: {  	_ =	swait.ge [sflag:s13], $0x80  }
0x6e: {  	s19 =	smov.u32 s18;
	[sflag:s13] =	ssyncset.done $0x0  }
0x6f: {  	s17 =	sshra.s32 s17, $0x2;
	[sflag:s13] =	ssyncadd.s32 $0xFFFFFF80  }
0x70: {  	[spmem:s2] =	stream.indirect.scatter.add.f32 [tilespmem:s12], [sflag:$0x1], $0x1, s17, s11, $0xb8;
	[tilespmem:$0x2B00] =	vst v63  }
0x71: {  	s18 =	sadd.s32 $0x80, s17  }
0x72: {  	[spmem:s2] =	stream.indirect.scatter.add.f32 [tilespmem:s12], [sflag:$0x1], $0x1, s18, s11, $0xb8;
	[tilespmem:$0x2B00] =	vst v63  }
0x73: {  	s26 =	sadd.s32 $0x100, s17  }
0x74: {  	[spmem:s2] =	stream.indirect.scatter.add.f32 [tilespmem:s12], [sflag:$0x1], $0x1, s26, s11, $0xb8;
	[tilespmem:$0x2B00] =	vst v63  }
0x75: {  	s28 =	sadd.s32 $0x180, s17  }
0x76: {  	[spmem:s2] =	stream.indirect.scatter.add.f32 [tilespmem:s12], [sflag:$0x1], $0x1, s28, s11, $0xb8;
	[tilespmem:$0x2B00] =	vst v63  }
0x77: {  	s29 =	sadd.s32 $0x200, s17  }
0x78: {  	[spmem:s2] =	stream.indirect.scatter.add.f32 [tilespmem:s12], [sflag:$0x1], $0x1, s29, s11, $0xb8;
	[tilespmem:$0x2B00] =	vst v63  }
0x79: {  	s30 =	sadd.s32 $0x280, s17  }
0x7a: {  	[spmem:s2] =	stream.indirect.scatter.add.f32 [tilespmem:s12], [sflag:$0x1], $0x1, s30, s11, $0xb8;
	[tilespmem:$0x2B00] =	vst v63  }
0x7b: {  	s31 =	sadd.s32 $0x300, s17  }
0x7c: {  	[spmem:s2] =	stream.indirect.scatter.add.f32 [tilespmem:s12], [sflag:$0x1], $0x1, s31, s11, $0xb8;
	[tilespmem:$0x2B00] =	vst v63  }
0x7d: {  	s17 =	sadd.s32 $0x380, s17  }
0x7e: {  	[spmem:s2] =	stream.indirect.scatter.add.f32 [tilespmem:s12], [sflag:$0x1], $0x1, s17, s11, $0xb8;
	[tilespmem:$0x2B00] =	vst v63  }
0x7f: {  	_ =	swait.ge [sflag:s13], $0x80  }
0x80: {  	[sflag:s13] =	ssyncset.done $0x0  }
0x81: {  	[sflag:s13] =	ssyncadd.s32 $0xFFFFFF80  }
0x82: {  	_ =	swait.ge [sflag:s13], $0x80  }
0x83: {  	[sflag:s13] =	ssyncset.done $0x0  }
0x84: {  	[sflag:s13] =	ssyncadd.s32 $0xFFFFFF80  }
0x85: {  	_ =	swait.ge [sflag:s13], $0x80  }
0x86: {  	[sflag:s13] =	ssyncset.done $0x0  }
0x87: {  	[sflag:s13] =	ssyncadd.s32 $0xFFFFFF80  }
0x88: {  	_ =	swait.ge [sflag:s13], $0x80  }
0x89: {  	[sflag:s13] =	ssyncset.done $0x0  }
0x8a: {  	[sflag:s13] =	ssyncadd.s32 $0xFFFFFF80  }
0x8b: {  	_ =	swait.ge [sflag:s13], $0x80  }
0x8c: {  	[sflag:s13] =	ssyncset.done $0x0  }
0x8d: {  	[sflag:s13] =	ssyncadd.s32 $0xFFFFFF80  }
0x8e: {  	_ =	swait.ge [sflag:s13], $0x80  }
0x8f: {  	[sflag:s13] =	ssyncset.done $0x0  }
0x90: {  	[sflag:s13] =	ssyncadd.s32 $0xFFFFFF80  }
0x91: {  	_ =	swait.ge [sflag:s13], $0x80  }
0x92: {  	[sflag:s13] =	ssyncset.done $0x0  }
0x93: {  	[sflag:s13] =	ssyncadd.s32 $0xFFFFFF80  }
0x94: {  	_ =	swait.ge [sflag:s13], $0x80  }
0x95: {  	s16 =	sadd.s32 $0x1, s16;
	[sflag:s13] =	ssyncset.done $0x0  }
0x96: {  	p0 =	sne.s32 s16, s8;
	[sflag:s13] =	ssyncadd.s32 $0xFFFFFF80  }
.Ltmp1:
0x97: {  	[bflag:$0x0] =	sbarrier.arrive $0xFFFF;
	(pc) =	sbr.rel @p0 .LBB2_1-.Ltmp1, $4  }
0x98: {  	[hbm:s7@s14], [sflag:s5] =	dma.strided [spmem:s9@s15], $0x50, s13, $0x10   }
0x99: {  	_ =	swait.ge [sflag:s10], $0x50  }
0x9a: {  	[sflag:s10] =	ssyncset.done $0x0  }
0x9b: {  	[sflag:s10] =	ssyncadd.s32 $0xFFFFFFB0  }
0x9c: {  	_ =	sfence.sel $0x180000  }
0x9d: {  	[bflag:$0x0] =	sbarrier.arrive $0xFFFF  }
0x9e: {  	p0 =	sne.s32 s1, $0x0;
	_ =	strace $0x90000047  }
0x9f: {  	s0 =	sadd.s32 @!p0 $0x100000, s0;
	[bflag:$0x2] =	sbarrier.arrive $0xFFFF  }
0xa0: {  	[sflag:s0] =	ssyncadd.tile.s32 @!p0 $0x1;
	_ =	shalt  }
.Lfunc_end2:
_tile_overlayer_lowered:
.L_overlay_start_2:
0xa1: {  	(tag) =	ssettag $0x2  }
0xa2: {  	s0 =	rddreg [dreg:$0x0];
	s2 =	stileid.u32  }
0xa3: {  	s1 =	rddreg [dreg:$0x1];
	p0 =	sne.s32 s2, $0x0  }
0xa4: {  	s3 =	rddreg [dreg:$0x2];
	[bflag:$0x3] =	sbarrier.arrive $0xFFFF;
	s2 =	simm.s32 @!p0 $0x1C02  }
0xa5: {  	[timem:s3], [sflag:s2] =	dma.local @!p0 [hbm:s0], s1  }
0xa6: {  	s0 =	simm.s32 @!p0 $0x2  }
0xa7: {  	_ =	swait.ge @!p0 [sflag:s0], s1  }
0xa8: {  	s1 =	ssub.s32 @!p0 $0x0, s1;
	[sflag:s0] =	ssyncset.done @!p0 $0x0  }
0xa9: {  	[sflag:s0] =	ssyncadd.s32 @!p0 s1  }
0xaa: {  	[bflag:$0x3] =	sbarrier.arrive $0xFFFF  }
0xab: {  	_ =	shalt  }

</sc_bundles>
